<compile_context>
chip_gen: v7x
topology: tpu7x:2x2x1
jax: 0.10.2.dev20260603
libtpu: 0.0.44.dev20260713+nightly
codegen_flags: <defaults>
</compile_context>

<pallas_src>
import functools

import jax
import jax.numpy as jnp
from jax import lax
from jax.experimental import pallas as pl
from jax.experimental.pallas import tpu as pltpu
from jax.experimental.pallas import tpu_sc as plsc

N_NODES = 10000
N_EDGES = 320000
D = 128
DH = D // 2

NC = 2
NS = 16
EPW = N_EDGES // NS
K = 80
NCHUNK = EPW // K
NBUF = 5
N_PAD = 10240
RPS = N_PAD // NS
ZROWS = 128
CW = 16


def _sc_body(compute_cnt, xlo_hbm, xhi_hbm, src2_hbm, dst2_hbm, agg_out,
             cnt_out, srcs, dsts, rows0, rows1, rows2, rows3, rows4, ones_v,
             zbuf, zcnt, agg_sh, cnt_sh, sem0, sem1, sem2, sem3, sem4, csem):
    cid = lax.axis_index("c")
    sid = lax.axis_index("s")

    coff = pl.multiple_of(sid * NCHUNK, NCHUNK)
    pltpu.sync_copy(src2_hbm.at[pl.ds(coff, NCHUNK)], srcs)
    pltpu.sync_copy(dst2_hbm.at[pl.ds(coff, NCHUNK)], dsts)

    z16 = jnp.zeros((16,), jnp.float32)
    o16 = jnp.ones((16,), jnp.float32)

    def zb(i, c):
        for j in range(DH // 16):
            zbuf[i, pl.ds(j * 16, 16)] = z16
        zcnt[i, :] = z16
        return c
    lax.fori_loop(0, ZROWS, zb, 0)

    if compute_cnt:
        def ob(i, c):
            ones_v[i, :] = o16
            return c
        lax.fori_loop(0, K, ob, 0)

    for t in range(RPS // ZROWS):
        off = pl.multiple_of(sid * RPS + t * ZROWS, ZROWS)
        pltpu.sync_copy(zbuf, agg_sh.at[pl.ds(off, ZROWS)])
        if compute_cnt:
            pltpu.sync_copy(zcnt, cnt_sh.at[pl.ds(off, ZROWS)])
    plsc.subcore_barrier()

    def fire(c, buf, sem):
        @pl.when(cid == 0)
        def _():
            pltpu.async_copy(xlo_hbm.at[srcs.at[c]], buf, sem)

        @pl.when(cid == 1)
        def _():
            pltpu.async_copy(xhi_hbm.at[srcs.at[c]], buf, sem)

    def drain(buf, sem):
        pltpu.make_async_copy(xlo_hbm.at[srcs.at[0]], buf, sem).wait()

    def consume(c, buf):
        pltpu.sync_copy(buf, agg_sh.at[dsts.at[c]], add=True)
        if compute_cnt:
            @pl.when(jnp.logical_xor(cid == 1, c < NCHUNK // 2))
            def _():
                pltpu.async_copy(ones_v, cnt_sh.at[dsts.at[c]], csem,
                                 add=True)

    bufs = (rows0, rows1, rows2, rows3, rows4)
    sems = (sem0, sem1, sem2, sem3, sem4)
    for b in range(NBUF):
        fire(b, bufs[b], sems[b])

    def body(i, carry):
        c0 = i * NBUF
        for b in range(NBUF):
            drain(bufs[b], sems[b])
            consume(c0 + b, bufs[b])

            @pl.when(c0 + b + NBUF < NCHUNK)
            def _():
                fire(c0 + b + NBUF, bufs[b], sems[b])
        return carry
    lax.fori_loop(0, NCHUNK // NBUF, body, 0)
    if compute_cnt:
        def cdrain(i, carry):
            pltpu.make_async_copy(ones_v, cnt_sh.at[dsts.at[0]],
                                  csem).wait()
            return carry
        lax.fori_loop(0, NCHUNK // 2, cdrain, 0)
    plsc.subcore_barrier()

    roff = pl.multiple_of(sid * RPS, RPS)
    pltpu.sync_copy(agg_sh.at[pl.ds(roff, RPS)],
                    agg_out.at[cid, pl.ds(roff, RPS)])
    if compute_cnt:
        pltpu.sync_copy(cnt_sh.at[pl.ds(roff, RPS)],
                        cnt_out.at[cid, pl.ds(roff, RPS)])


def _make_sc_kernel(compute_cnt):
    mesh = plsc.VectorSubcoreMesh(core_axis_name="c", subcore_axis_name="s")
    out_type = [jax.ShapeDtypeStruct((NC, N_PAD, DH), jnp.float32)]
    if compute_cnt:
        out_type.append(jax.ShapeDtypeStruct((NC, N_PAD, CW), jnp.float32))
    scratch = [
        pltpu.VMEM((NCHUNK, K), jnp.int32),
        pltpu.VMEM((NCHUNK, K), jnp.int32),
        pltpu.VMEM((K, DH), jnp.float32),
        pltpu.VMEM((K, DH), jnp.float32),
        pltpu.VMEM((K, DH), jnp.float32),
        pltpu.VMEM((K, DH), jnp.float32),
        pltpu.VMEM((K, DH), jnp.float32),
        pltpu.VMEM((K, CW), jnp.float32),
        pltpu.VMEM((ZROWS, DH), jnp.float32),
        pltpu.VMEM((ZROWS, CW), jnp.float32),
        pltpu.VMEM_SHARED((N_PAD, DH), jnp.float32),
        pltpu.VMEM_SHARED((N_PAD, CW), jnp.float32),
        pltpu.SemaphoreType.DMA,
        pltpu.SemaphoreType.DMA,
        pltpu.SemaphoreType.DMA,
        pltpu.SemaphoreType.DMA,
        pltpu.SemaphoreType.DMA,
        pltpu.SemaphoreType.DMA,
    ]
    if compute_cnt:
        body = functools.partial(_sc_body, True)
    else:
        def body(xlo_hbm, xhi_hbm, src2_hbm, dst2_hbm, agg_out, *rest):
            return _sc_body(False, xlo_hbm, xhi_hbm, src2_hbm, dst2_hbm,
                            agg_out, None, *rest)
    return pl.kernel(
        body,
        out_type=out_type,
        mesh=mesh,
        scratch_types=scratch,
        compiler_params=pltpu.CompilerParams(use_tc_tiling_on_sc=False),
    )


def _tc_body(relu, split_out, agg_ref, cnt_ref, xlo_ref, xhi_ref, wl_ref,
             wr_ref, b_ref, *out_refs):
    cnt = jnp.maximum(cnt_ref[0, :, :1] + cnt_ref[1, :, :1], 1.0)
    mean_lo = agg_ref[0] / cnt
    mean_hi = agg_ref[1] / cnt
    wl = wl_ref[...]
    wr = wr_ref[...]
    acc = jnp.dot(mean_lo, wl[:DH, :], preferred_element_type=jnp.float32)
    acc = acc + jnp.dot(mean_hi, wl[DH:, :],
                        preferred_element_type=jnp.float32)
    acc = acc + jnp.dot(xlo_ref[...], wr[:DH, :],
                        preferred_element_type=jnp.float32)
    acc = acc + jnp.dot(xhi_ref[...], wr[DH:, :],
                        preferred_element_type=jnp.float32)
    acc = acc + b_ref[...]
    if relu:
        acc = jnp.maximum(acc, 0.0)
    if split_out:
        out_refs[0][...] = acc[:, :DH]
        out_refs[1][...] = acc[:, DH:]
    else:
        out_refs[0][...] = acc


BN = 2000


def _make_tc_kernel(relu, split_out):
    grid = (N_NODES // BN,)
    if split_out:
        out_specs = [pl.BlockSpec((BN, DH), lambda i: (i, 0)),
                     pl.BlockSpec((BN, DH), lambda i: (i, 0))]
        out_shape = [jax.ShapeDtypeStruct((N_NODES, DH), jnp.float32),
                     jax.ShapeDtypeStruct((N_NODES, DH), jnp.float32)]
    else:
        out_specs = pl.BlockSpec((BN, D), lambda i: (i, 0))
        out_shape = jax.ShapeDtypeStruct((N_NODES, D), jnp.float32)
    return pl.pallas_call(
        functools.partial(_tc_body, relu, split_out),
        grid=grid,
        in_specs=[
            pl.BlockSpec((NC, BN, DH), lambda i: (0, i, 0)),
            pl.BlockSpec((NC, BN, CW), lambda i: (0, i, 0)),
            pl.BlockSpec((BN, DH), lambda i: (i, 0)),
            pl.BlockSpec((BN, DH), lambda i: (i, 0)),
            pl.BlockSpec((D, D), lambda i: (0, 0)),
            pl.BlockSpec((D, D), lambda i: (0, 0)),
            pl.BlockSpec((1, D), lambda i: (0, 0)),
        ],
        out_specs=out_specs,
        out_shape=out_shape,
    )


_sc_agg_cnt = _make_sc_kernel(True)
_sc_agg = _make_sc_kernel(False)
_tc_layer1 = _make_tc_kernel(True, True)
_tc_layer2 = _make_tc_kernel(False, False)


def kernel(x, edge_index, W1_l, W1_r, b1, W2_l, W2_r, b2):
    src2 = edge_index[0].reshape(N_EDGES // K, K)
    dst2 = edge_index[1].reshape(N_EDGES // K, K)
    x_lo = x[:, :DH]
    x_hi = x[:, DH:]
    agg1, cnt = _sc_agg_cnt(x_lo, x_hi, src2, dst2)
    h_lo, h_hi = _tc_layer1(agg1, cnt, x_lo, x_hi, W1_l, W1_r,
                            b1.reshape(1, D))
    (agg2,) = _sc_agg(h_lo, h_hi, src2, dst2)
    out = _tc_layer2(agg2, cnt, h_lo, h_hi, W2_l, W2_r, b2.reshape(1, D))
    return out

# --- scband reference (transcript-rebuilt; emitter-appended) ---
"""Pipeline reference for scband-graph-sagemodel-83511344103498 (READ-ONLY COPY).

The authoritative reference and input builder live on the scoring server;
editing this copy changes nothing except your own understanding.
"""

import jax, jax.numpy as jnp
import numpy as np

N_NODES = 10000
N_EDGES = 320000
D_IN = 128
D_HID = 128
D_OUT = 128


def setup_inputs(seed: int = 0) -> dict:
    key = jax.random.key(seed)
    ks = jax.random.split(key, 9)
    x = jax.random.normal(ks[0], (N_NODES, D_IN), dtype=jnp.float32)
    edge_index = jax.random.randint(ks[1], (2, N_EDGES), 0, N_NODES, dtype=jnp.int32)
    s1 = 1.0 / np.sqrt(D_IN)
    s2 = 1.0 / np.sqrt(D_HID)
    W1_l = jax.random.uniform(ks[2], (D_IN, D_HID), jnp.float32, -s1, s1)
    W1_r = jax.random.uniform(ks[3], (D_IN, D_HID), jnp.float32, -s1, s1)
    b1 = jax.random.uniform(ks[4], (D_HID,), jnp.float32, -s1, s1)
    W2_l = jax.random.uniform(ks[5], (D_HID, D_OUT), jnp.float32, -s2, s2)
    W2_r = jax.random.uniform(ks[6], (D_HID, D_OUT), jnp.float32, -s2, s2)
    b2 = jax.random.uniform(ks[7], (D_OUT,), jnp.float32, -s2, s2)
    return {"x": x, "edge_index": edge_index, "W1_l": W1_l, "W1_r": W1_r, "b1": b1, "W2_l": W2_l, "W2_r": W2_r, "b2": b2}


def _sage_conv(x, src, dst, W_l, W_r, b):
    # PyG SAGEConv (aggr='mean', root_weight=True):
    # out = W_l @ mean_{j in N(i)} x_j + W_r @ x_i + b
    msgs = jnp.take(x, src, axis=0)
    agg = jax.ops.segment_sum(msgs, dst, num_segments=x.shape[0])
    cnt = jax.ops.segment_sum(jnp.ones((src.shape[0],), jnp.float32), dst, num_segments=x.shape[0])
    mean = agg / jnp.maximum(cnt, 1.0)[:, None]
    return mean @ W_l + x @ W_r + b


def reference(x, edge_index, W1_l, W1_r, b1, W2_l, W2_r, b2):
    src = edge_index[0]
    dst = edge_index[1]
    h = jax.nn.relu(_sage_conv(x, src, dst, W1_l, W1_r, b1))
    # dropout(p=0.5) is identity in eval mode (training=False)
    out = _sage_conv(h, src, dst, W2_l, W2_r, b2)
    return out

if __name__ == "__main__":
    import jax
    _d = setup_inputs()
    print(jax.jit(kernel)(*tuple(_d.values())))

</pallas_src>

<mosaic_0001>
#map = affine_map<(d0, d1) -> (0, 0)>
#map1 = affine_map<(d0, d1) -> (0, 0, 0)>
module attributes {stable_mosaic.version = 14 : i64} {
  func.func @_sc_body(%arg0: i32, %arg1: i32, %arg2: memref<10000x64xf32, #tpu.memory_space<hbm>>, %arg3: memref<10000x64xf32, #tpu.memory_space<hbm>>, %arg4: memref<4000x80xi32, #tpu.memory_space<hbm>>, %arg5: memref<4000x80xi32, #tpu.memory_space<hbm>>, %arg6: memref<2x10240x64xf32, #tpu.memory_space<hbm>>, %arg7: memref<2x10240x16xf32, #tpu.memory_space<hbm>>, %arg8: memref<250x80xi32, #tpu.memory_space<vmem>>, %arg9: memref<250x80xi32, #tpu.memory_space<vmem>>, %arg10: memref<80x64xf32, #tpu.memory_space<vmem>>, %arg11: memref<80x64xf32, #tpu.memory_space<vmem>>, %arg12: memref<80x64xf32, #tpu.memory_space<vmem>>, %arg13: memref<80x64xf32, #tpu.memory_space<vmem>>, %arg14: memref<80x64xf32, #tpu.memory_space<vmem>>, %arg15: memref<80x16xf32, #tpu.memory_space<vmem>>, %arg16: memref<128x64xf32, #tpu.memory_space<vmem>>, %arg17: memref<128x16xf32, #tpu.memory_space<vmem>>, %arg18: memref<10240x64xf32, #tpu.memory_space<vmem_shared>>, %arg19: memref<10240x16xf32, #tpu.memory_space<vmem_shared>>, %arg20: memref<!tpu.dma_semaphore, #tpu.memory_space<semaphore_mem>>, %arg21: memref<!tpu.dma_semaphore, #tpu.memory_space<semaphore_mem>>, %arg22: memref<!tpu.dma_semaphore, #tpu.memory_space<semaphore_mem>>, %arg23: memref<!tpu.dma_semaphore, #tpu.memory_space<semaphore_mem>>, %arg24: memref<!tpu.dma_semaphore, #tpu.memory_space<semaphore_mem>>, %arg25: memref<!tpu.dma_semaphore, #tpu.memory_space<semaphore_mem>>) attributes {dimension_semantics = [#tpu.dimension_semantics<core_parallel>, #tpu.dimension_semantics<subcore_parallel>], iteration_bounds = array<i64: 2, 16>, scalar_prefetch = 0 : i64, scratch_operands = 18 : i64, tpu.core_type = #tpu.core_type<sc_vector_subcore>, window_params = [{transform_indices = #map}, {transform_indices = #map}, {transform_indices = #map}, {transform_indices = #map}, {transform_indices = #map1}, {transform_indices = #map1}]} {
    %mul3A = arith.constant 250 : i32
    %mul3A_0 = arith.muli %arg1, %mul3A : i32
    %multiple_of3A = tpu.assume_multiple %mul3A_0, 250 : i32
    "tpu.region"() ({
      %run_scoped3A = tpu.sem_alloc : memref<!tpu.dma_semaphore, #tpu.memory_space<semaphore_mem>>
      %dma_start3A = arith.constant 0 : i32
      %dma_start3A_102 = tpu.memref_slice %arg4[%multiple_of3A, %dma_start3A] : memref<4000x80xi32, #tpu.memory_space<hbm>> -> memref<250x80xi32, #tpu.memory_space<hbm>>
      %dma_start3A_103 = arith.constant 0 : i32
      %dma_start3A_104 = tpu.memref_slice %arg4[%multiple_of3A, %dma_start3A_103] : memref<4000x80xi32, #tpu.memory_space<hbm>> -> memref<250x80xi32, #tpu.memory_space<hbm>>
      tpu.enqueue_dma source(%dma_start3A_104 : memref<250x80xi32, #tpu.memory_space<hbm>>) target(%arg8 : memref<250x80xi32, #tpu.memory_space<vmem>>) target_semaphore(%run_scoped3A : memref<!tpu.dma_semaphore, #tpu.memory_space<semaphore_mem>>)
      %dma_wait3A = arith.constant 0 : i32
      %dma_wait3A_105 = tpu.memref_slice %arg4[%multiple_of3A, %dma_wait3A] : memref<4000x80xi32, #tpu.memory_space<hbm>> -> memref<250x80xi32, #tpu.memory_space<hbm>>
      %dma_wait3A_106 = arith.constant 0 : i32
      %dma_wait3A_107 = tpu.memref_slice %arg4[%multiple_of3A, %dma_wait3A_106] : memref<4000x80xi32, #tpu.memory_space<hbm>> -> memref<250x80xi32, #tpu.memory_space<hbm>>
      tpu.wait_dma2 semaphore(%run_scoped3A : memref<!tpu.dma_semaphore, #tpu.memory_space<semaphore_mem>>) src(%dma_wait3A_107 : memref<250x80xi32, #tpu.memory_space<hbm>>) dst(%arg8 : memref<250x80xi32, #tpu.memory_space<vmem>>)
      tpu.yield
    }) : () -> ()
    "tpu.region"() ({
      %run_scoped3A = tpu.sem_alloc : memref<!tpu.dma_semaphore, #tpu.memory_space<semaphore_mem>>
      %dma_start3A = arith.constant 0 : i32
      %dma_start3A_102 = tpu.memref_slice %arg5[%multiple_of3A, %dma_start3A] : memref<4000x80xi32, #tpu.memory_space<hbm>> -> memref<250x80xi32, #tpu.memory_space<hbm>>
      %dma_start3A_103 = arith.constant 0 : i32
      %dma_start3A_104 = tpu.memref_slice %arg5[%multiple_of3A, %dma_start3A_103] : memref<4000x80xi32, #tpu.memory_space<hbm>> -> memref<250x80xi32, #tpu.memory_space<hbm>>
      tpu.enqueue_dma source(%dma_start3A_104 : memref<250x80xi32, #tpu.memory_space<hbm>>) target(%arg9 : memref<250x80xi32, #tpu.memory_space<vmem>>) target_semaphore(%run_scoped3A : memref<!tpu.dma_semaphore, #tpu.memory_space<semaphore_mem>>)
      %dma_wait3A = arith.constant 0 : i32
      %dma_wait3A_105 = tpu.memref_slice %arg5[%multiple_of3A, %dma_wait3A] : memref<4000x80xi32, #tpu.memory_space<hbm>> -> memref<250x80xi32, #tpu.memory_space<hbm>>
      %dma_wait3A_106 = arith.constant 0 : i32
      %dma_wait3A_107 = tpu.memref_slice %arg5[%multiple_of3A, %dma_wait3A_106] : memref<4000x80xi32, #tpu.memory_space<hbm>> -> memref<250x80xi32, #tpu.memory_space<hbm>>
      tpu.wait_dma2 semaphore(%run_scoped3A : memref<!tpu.dma_semaphore, #tpu.memory_space<semaphore_mem>>) src(%dma_wait3A_107 : memref<250x80xi32, #tpu.memory_space<hbm>>) dst(%arg9 : memref<250x80xi32, #tpu.memory_space<vmem>>)
      tpu.yield
    }) : () -> ()
    %broadcast_in_dim3A = arith.constant 0.000000e+00 : f32
    %broadcast_in_dim3A_1 = vector.broadcast %broadcast_in_dim3A : f32 to vector<16xf32>
    %broadcast_in_dim3A_2 = arith.constant 1.000000e+00 : f32
    %broadcast_in_dim3A_3 = vector.broadcast %broadcast_in_dim3A_2 : f32 to vector<16xf32>
    %scan3A = arith.constant 0 : i32
    %scan3A_4 = arith.constant 0 : i32
    %scan3A_5 = arith.constant 128 : i32
    %scan3A_6 = arith.addi %scan3A_4, %scan3A_5 : i32
    %scan3A_7 = arith.constant 1 : i32
    scf.for %scan3A_102 = %scan3A_4 to %scan3A_6 step %scan3A_7  : i32 {
      %swap3A = arith.index_cast %scan3A_102 : i32 to index
      %swap3A_103 = arith.constant 0 : index
      %swap3A_104 = tpu.vector_load %arg16[%swap3A, %swap3A_103] {strides = array<i32>} : memref<128x64xf32, #tpu.memory_space<vmem>>, vector<1x16xf32>,
      %swap3A_105 = vector.shape_cast %swap3A_104 : vector<1x16xf32> to vector<16xf32>
      %swap3A_106 = vector.shape_cast %broadcast_in_dim3A_1 : vector<16xf32> to vector<1x16xf32>
      tpu.vector_store %arg16[%swap3A, %swap3A_103], %swap3A_106 {strides = array<i32>} : memref<128x64xf32, #tpu.memory_space<vmem>>, vector<1x16xf32>,
      %swap3A_107 = arith.index_cast %scan3A_102 : i32 to index
      %swap3A_108 = arith.constant 16 : index
      %swap3A_109 = tpu.vector_load %arg16[%swap3A_107, %swap3A_108] {strides = array<i32>} : memref<128x64xf32, #tpu.memory_space<vmem>>, vector<1x16xf32>,
      %swap3A_110 = vector.shape_cast %swap3A_109 : vector<1x16xf32> to vector<16xf32>
      %swap3A_111 = vector.shape_cast %broadcast_in_dim3A_1 : vector<16xf32> to vector<1x16xf32>
      tpu.vector_store %arg16[%swap3A_107, %swap3A_108], %swap3A_111 {strides = array<i32>} : memref<128x64xf32, #tpu.memory_space<vmem>>, vector<1x16xf32>,
      %swap3A_112 = arith.index_cast %scan3A_102 : i32 to index
      %swap3A_113 = arith.constant 32 : index
      %swap3A_114 = tpu.vector_load %arg16[%swap3A_112, %swap3A_113] {strides = array<i32>} : memref<128x64xf32, #tpu.memory_space<vmem>>, vector<1x16xf32>,
      %swap3A_115 = vector.shape_cast %swap3A_114 : vector<1x16xf32> to vector<16xf32>
      %swap3A_116 = vector.shape_cast %broadcast_in_dim3A_1 : vector<16xf32> to vector<1x16xf32>
      tpu.vector_store %arg16[%swap3A_112, %swap3A_113], %swap3A_116 {strides = array<i32>} : memref<128x64xf32, #tpu.memory_space<vmem>>, vector<1x16xf32>,
      %swap3A_117 = arith.index_cast %scan3A_102 : i32 to index
      %swap3A_118 = arith.constant 48 : index
      %swap3A_119 = tpu.vector_load %arg16[%swap3A_117, %swap3A_118] {strides = array<i32>} : memref<128x64xf32, #tpu.memory_space<vmem>>, vector<1x16xf32>,
      %swap3A_120 = vector.shape_cast %swap3A_119 : vector<1x16xf32> to vector<16xf32>
      %swap3A_121 = vector.shape_cast %broadcast_in_dim3A_1 : vector<16xf32> to vector<1x16xf32>
      tpu.vector_store %arg16[%swap3A_117, %swap3A_118], %swap3A_121 {strides = array<i32>} : memref<128x64xf32, #tpu.memory_space<vmem>>, vector<1x16xf32>,
      %swap3A_122 = arith.index_cast %scan3A_102 : i32 to index
      %swap3A_123 = arith.constant 0 : index
      %swap3A_124 = tpu.vector_load %arg17[%swap3A_122, %swap3A_123] {strides = array<i32>} : memref<128x16xf32, #tpu.memory_space<vmem>>, vector<1x16xf32>,
      %swap3A_125 = vector.shape_cast %swap3A_124 : vector<1x16xf32> to vector<16xf32>
      %swap3A_126 = vector.shape_cast %broadcast_in_dim3A_1 : vector<16xf32> to vector<1x16xf32>
      tpu.vector_store %arg17[%swap3A_122, %swap3A_123], %swap3A_126 {strides = array<i32>} : memref<128x16xf32, #tpu.memory_space<vmem>>, vector<1x16xf32>,
    }
    %scan3A_8 = arith.constant 128 : i32
    %scan3A_9 = arith.constant 0 : i32
    %scan3A_10 = arith.constant 0 : i32
    %scan3A_11 = arith.constant 80 : i32
    %scan3A_12 = arith.addi %scan3A_10, %scan3A_11 : i32
    %scan3A_13 = arith.constant 1 : i32
    scf.for %scan3A_102 = %scan3A_10 to %scan3A_12 step %scan3A_13  : i32 {
      %swap3A = arith.index_cast %scan3A_102 : i32 to index
      %swap3A_103 = arith.constant 0 : index
      %swap3A_104 = tpu.vector_load %arg15[%swap3A, %swap3A_103] {strides = array<i32>} : memref<80x16xf32, #tpu.memory_space<vmem>>, vector<1x16xf32>,
      %swap3A_105 = vector.shape_cast %swap3A_104 : vector<1x16xf32> to vector<16xf32>
      %swap3A_106 = vector.shape_cast %broadcast_in_dim3A_3 : vector<16xf32> to vector<1x16xf32>
      tpu.vector_store %arg15[%swap3A, %swap3A_103], %swap3A_106 {strides = array<i32>} : memref<80x16xf32, #tpu.memory_space<vmem>>, vector<1x16xf32>,
    }
    %scan3A_14 = arith.constant 80 : i32
    %mul3A_15 = arith.constant 640 : i32
    %mul3A_16 = arith.muli %arg1, %mul3A_15 : i32
    %add3A = arith.constant 0 : i32
    %add3A_17 = arith.addi %mul3A_16, %add3A : i32
    %multiple_of3A_18 = tpu.assume_multiple %add3A_17, 128 : i32
    "tpu.region"() ({
      %run_scoped3A = tpu.sem_alloc : memref<!tpu.dma_semaphore, #tpu.memory_space<semaphore_mem>>
      %dma_start3A = arith.constant 0 : i32
      %dma_start3A_102 = tpu.memref_slice %arg18[%multiple_of3A_18, %dma_start3A] : memref<10240x64xf32, #tpu.memory_space<vmem_shared>> -> memref<128x64xf32, #tpu.memory_space<vmem_shared>>
      %dma_start3A_103 = arith.constant 0 : i32
      %dma_start3A_104 = tpu.memref_slice %arg18[%multiple_of3A_18, %dma_start3A_103] : memref<10240x64xf32, #tpu.memory_space<vmem_shared>> -> memref<128x64xf32, #tpu.memory_space<vmem_shared>>
      tpu.enqueue_dma source(%arg16 : memref<128x64xf32, #tpu.memory_space<vmem>>) target(%dma_start3A_104 : memref<128x64xf32, #tpu.memory_space<vmem_shared>>) target_semaphore(%run_scoped3A : memref<!tpu.dma_semaphore, #tpu.memory_space<semaphore_mem>>)
      %dma_wait3A = arith.constant 0 : i32
      %dma_wait3A_105 = tpu.memref_slice %arg18[%multiple_of3A_18, %dma_wait3A] : memref<10240x64xf32, #tpu.memory_space<vmem_shared>> -> memref<128x64xf32, #tpu.memory_space<vmem_shared>>
      %dma_wait3A_106 = arith.constant 0 : i32
      %dma_wait3A_107 = tpu.memref_slice %arg18[%multiple_of3A_18, %dma_wait3A_106] : memref<10240x64xf32, #tpu.memory_space<vmem_shared>> -> memref<128x64xf32, #tpu.memory_space<vmem_shared>>
      tpu.wait_dma2 semaphore(%run_scoped3A : memref<!tpu.dma_semaphore, #tpu.memory_space<semaphore_mem>>) src(%arg16 : memref<128x64xf32, #tpu.memory_space<vmem>>) dst(%dma_wait3A_107 : memref<128x64xf32, #tpu.memory_space<vmem_shared>>)
      tpu.yield
    }) : () -> ()
    "tpu.region"() ({
      %run_scoped3A = tpu.sem_alloc : memref<!tpu.dma_semaphore, #tpu.memory_space<semaphore_mem>>
      %dma_start3A = arith.constant 0 : i32
      %dma_start3A_102 = tpu.memref_slice %arg19[%multiple_of3A_18, %dma_start3A] : memref<10240x16xf32, #tpu.memory_space<vmem_shared>> -> memref<128x16xf32, #tpu.memory_space<vmem_shared>>
      %dma_start3A_103 = arith.constant 0 : i32
      %dma_start3A_104 = tpu.memref_slice %arg19[%multiple_of3A_18, %dma_start3A_103] : memref<10240x16xf32, #tpu.memory_space<vmem_shared>> -> memref<128x16xf32, #tpu.memory_space<vmem_shared>>
      tpu.enqueue_dma source(%arg17 : memref<128x16xf32, #tpu.memory_space<vmem>>) target(%dma_start3A_104 : memref<128x16xf32, #tpu.memory_space<vmem_shared>>) target_semaphore(%run_scoped3A : memref<!tpu.dma_semaphore, #tpu.memory_space<semaphore_mem>>)
      %dma_wait3A = arith.constant 0 : i32
      %dma_wait3A_105 = tpu.memref_slice %arg19[%multiple_of3A_18, %dma_wait3A] : memref<10240x16xf32, #tpu.memory_space<vmem_shared>> -> memref<128x16xf32, #tpu.memory_space<vmem_shared>>
      %dma_wait3A_106 = arith.constant 0 : i32
      %dma_wait3A_107 = tpu.memref_slice %arg19[%multiple_of3A_18, %dma_wait3A_106] : memref<10240x16xf32, #tpu.memory_space<vmem_shared>> -> memref<128x16xf32, #tpu.memory_space<vmem_shared>>
      tpu.wait_dma2 semaphore(%run_scoped3A : memref<!tpu.dma_semaphore, #tpu.memory_space<semaphore_mem>>) src(%arg17 : memref<128x16xf32, #tpu.memory_space<vmem>>) dst(%dma_wait3A_107 : memref<128x16xf32, #tpu.memory_space<vmem_shared>>)
      tpu.yield
    }) : () -> ()
    %mul3A_19 = arith.constant 640 : i32
    %mul3A_20 = arith.muli %arg1, %mul3A_19 : i32
    %add3A_21 = arith.constant 128 : i32
    %add3A_22 = arith.addi %mul3A_20, %add3A_21 : i32
    %multiple_of3A_23 = tpu.assume_multiple %add3A_22, 128 : i32
    "tpu.region"() ({
      %run_scoped3A = tpu.sem_alloc : memref<!tpu.dma_semaphore, #tpu.memory_space<semaphore_mem>>
      %dma_start3A = arith.constant 0 : i32
      %dma_start3A_102 = tpu.memref_slice %arg18[%multiple_of3A_23, %dma_start3A] : memref<10240x64xf32, #tpu.memory_space<vmem_shared>> -> memref<128x64xf32, #tpu.memory_space<vmem_shared>>
      %dma_start3A_103 = arith.constant 0 : i32
      %dma_start3A_104 = tpu.memref_slice %arg18[%multiple_of3A_23, %dma_start3A_103] : memref<10240x64xf32, #tpu.memory_space<vmem_shared>> -> memref<128x64xf32, #tpu.memory_space<vmem_shared>>
      tpu.enqueue_dma source(%arg16 : memref<128x64xf32, #tpu.memory_space<vmem>>) target(%dma_start3A_104 : memref<128x64xf32, #tpu.memory_space<vmem_shared>>) target_semaphore(%run_scoped3A : memref<!tpu.dma_semaphore, #tpu.memory_space<semaphore_mem>>)
      %dma_wait3A = arith.constant 0 : i32
      %dma_wait3A_105 = tpu.memref_slice %arg18[%multiple_of3A_23, %dma_wait3A] : memref<10240x64xf32, #tpu.memory_space<vmem_shared>> -> memref<128x64xf32, #tpu.memory_space<vmem_shared>>
      %dma_wait3A_106 = arith.constant 0 : i32
      %dma_wait3A_107 = tpu.memref_slice %arg18[%multiple_of3A_23, %dma_wait3A_106] : memref<10240x64xf32, #tpu.memory_space<vmem_shared>> -> memref<128x64xf32, #tpu.memory_space<vmem_shared>>
      tpu.wait_dma2 semaphore(%run_scoped3A : memref<!tpu.dma_semaphore, #tpu.memory_space<semaphore_mem>>) src(%arg16 : memref<128x64xf32, #tpu.memory_space<vmem>>) dst(%dma_wait3A_107 : memref<128x64xf32, #tpu.memory_space<vmem_shared>>)
      tpu.yield
    }) : () -> ()
    "tpu.region"() ({
      %run_scoped3A = tpu.sem_alloc : memref<!tpu.dma_semaphore, #tpu.memory_space<semaphore_mem>>
      %dma_start3A = arith.constant 0 : i32
      %dma_start3A_102 = tpu.memref_slice %arg19[%multiple_of3A_23, %dma_start3A] : memref<10240x16xf32, #tpu.memory_space<vmem_shared>> -> memref<128x16xf32, #tpu.memory_space<vmem_shared>>
      %dma_start3A_103 = arith.constant 0 : i32
      %dma_start3A_104 = tpu.memref_slice %arg19[%multiple_of3A_23, %dma_start3A_103] : memref<10240x16xf32, #tpu.memory_space<vmem_shared>> -> memref<128x16xf32, #tpu.memory_space<vmem_shared>>
      tpu.enqueue_dma source(%arg17 : memref<128x16xf32, #tpu.memory_space<vmem>>) target(%dma_start3A_104 : memref<128x16xf32, #tpu.memory_space<vmem_shared>>) target_semaphore(%run_scoped3A : memref<!tpu.dma_semaphore, #tpu.memory_space<semaphore_mem>>)
      %dma_wait3A = arith.constant 0 : i32
      %dma_wait3A_105 = tpu.memref_slice %arg19[%multiple_of3A_23, %dma_wait3A] : memref<10240x16xf32, #tpu.memory_space<vmem_shared>> -> memref<128x16xf32, #tpu.memory_space<vmem_shared>>
      %dma_wait3A_106 = arith.constant 0 : i32
      %dma_wait3A_107 = tpu.memref_slice %arg19[%multiple_of3A_23, %dma_wait3A_106] : memref<10240x16xf32, #tpu.memory_space<vmem_shared>> -> memref<128x16xf32, #tpu.memory_space<vmem_shared>>
      tpu.wait_dma2 semaphore(%run_scoped3A : memref<!tpu.dma_semaphore, #tpu.memory_space<semaphore_mem>>) src(%arg17 : memref<128x16xf32, #tpu.memory_space<vmem>>) dst(%dma_wait3A_107 : memref<128x16xf32, #tpu.memory_space<vmem_shared>>)
      tpu.yield
    }) : () -> ()
    %mul3A_24 = arith.constant 640 : i32
    %mul3A_25 = arith.muli %arg1, %mul3A_24 : i32
    %add3A_26 = arith.constant 256 : i32
    %add3A_27 = arith.addi %mul3A_25, %add3A_26 : i32
    %multiple_of3A_28 = tpu.assume_multiple %add3A_27, 128 : i32
    "tpu.region"() ({
      %run_scoped3A = tpu.sem_alloc : memref<!tpu.dma_semaphore, #tpu.memory_space<semaphore_mem>>
      %dma_start3A = arith.constant 0 : i32
      %dma_start3A_102 = tpu.memref_slice %arg18[%multiple_of3A_28, %dma_start3A] : memref<10240x64xf32, #tpu.memory_space<vmem_shared>> -> memref<128x64xf32, #tpu.memory_space<vmem_shared>>
      %dma_start3A_103 = arith.constant 0 : i32
      %dma_start3A_104 = tpu.memref_slice %arg18[%multiple_of3A_28, %dma_start3A_103] : memref<10240x64xf32, #tpu.memory_space<vmem_shared>> -> memref<128x64xf32, #tpu.memory_space<vmem_shared>>
      tpu.enqueue_dma source(%arg16 : memref<128x64xf32, #tpu.memory_space<vmem>>) target(%dma_start3A_104 : memref<128x64xf32, #tpu.memory_space<vmem_shared>>) target_semaphore(%run_scoped3A : memref<!tpu.dma_semaphore, #tpu.memory_space<semaphore_mem>>)
      %dma_wait3A = arith.constant 0 : i32
      %dma_wait3A_105 = tpu.memref_slice %arg18[%multiple_of3A_28, %dma_wait3A] : memref<10240x64xf32, #tpu.memory_space<vmem_shared>> -> memref<128x64xf32, #tpu.memory_space<vmem_shared>>
      %dma_wait3A_106 = arith.constant 0 : i32
      %dma_wait3A_107 = tpu.memref_slice %arg18[%multiple_of3A_28, %dma_wait3A_106] : memref<10240x64xf32, #tpu.memory_space<vmem_shared>> -> memref<128x64xf32, #tpu.memory_space<vmem_shared>>
      tpu.wait_dma2 semaphore(%run_scoped3A : memref<!tpu.dma_semaphore, #tpu.memory_space<semaphore_mem>>) src(%arg16 : memref<128x64xf32, #tpu.memory_space<vmem>>) dst(%dma_wait3A_107 : memref<128x64xf32, #tpu.memory_space<vmem_shared>>)
      tpu.yield
    }) : () -> ()
    "tpu.region"() ({
      %run_scoped3A = tpu.sem_alloc : memref<!tpu.dma_semaphore, #tpu.memory_space<semaphore_mem>>
      %dma_start3A = arith.constant 0 : i32
      %dma_start3A_102 = tpu.memref_slice %arg19[%multiple_of3A_28, %dma_start3A] : memref<10240x16xf32, #tpu.memory_space<vmem_shared>> -> memref<128x16xf32, #tpu.memory_space<vmem_shared>>
      %dma_start3A_103 = arith.constant 0 : i32
      %dma_start3A_104 = tpu.memref_slice %arg19[%multiple_of3A_28, %dma_start3A_103] : memref<10240x16xf32, #tpu.memory_space<vmem_shared>> -> memref<128x16xf32, #tpu.memory_space<vmem_shared>>
      tpu.enqueue_dma source(%arg17 : memref<128x16xf32, #tpu.memory_space<vmem>>) target(%dma_start3A_104 : memref<128x16xf32, #tpu.memory_space<vmem_shared>>) target_semaphore(%run_scoped3A : memref<!tpu.dma_semaphore, #tpu.memory_space<semaphore_mem>>)
      %dma_wait3A = arith.constant 0 : i32
      %dma_wait3A_105 = tpu.memref_slice %arg19[%multiple_of3A_28, %dma_wait3A] : memref<10240x16xf32, #tpu.memory_space<vmem_shared>> -> memref<128x16xf32, #tpu.memory_space<vmem_shared>>
      %dma_wait3A_106 = arith.constant 0 : i32
      %dma_wait3A_107 = tpu.memref_slice %arg19[%multiple_of3A_28, %dma_wait3A_106] : memref<10240x16xf32, #tpu.memory_space<vmem_shared>> -> memref<128x16xf32, #tpu.memory_space<vmem_shared>>
      tpu.wait_dma2 semaphore(%run_scoped3A : memref<!tpu.dma_semaphore, #tpu.memory_space<semaphore_mem>>) src(%arg17 : memref<128x16xf32, #tpu.memory_space<vmem>>) dst(%dma_wait3A_107 : memref<128x16xf32, #tpu.memory_space<vmem_shared>>)
      tpu.yield
    }) : () -> ()
    %mul3A_29 = arith.constant 640 : i32
    %mul3A_30 = arith.muli %arg1, %mul3A_29 : i32
    %add3A_31 = arith.constant 384 : i32
    %add3A_32 = arith.addi %mul3A_30, %add3A_31 : i32
    %multiple_of3A_33 = tpu.assume_multiple %add3A_32, 128 : i32
    "tpu.region"() ({
      %run_scoped3A = tpu.sem_alloc : memref<!tpu.dma_semaphore, #tpu.memory_space<semaphore_mem>>
      %dma_start3A = arith.constant 0 : i32
      %dma_start3A_102 = tpu.memref_slice %arg18[%multiple_of3A_33, %dma_start3A] : memref<10240x64xf32, #tpu.memory_space<vmem_shared>> -> memref<128x64xf32, #tpu.memory_space<vmem_shared>>
      %dma_start3A_103 = arith.constant 0 : i32
      %dma_start3A_104 = tpu.memref_slice %arg18[%multiple_of3A_33, %dma_start3A_103] : memref<10240x64xf32, #tpu.memory_space<vmem_shared>> -> memref<128x64xf32, #tpu.memory_space<vmem_shared>>
      tpu.enqueue_dma source(%arg16 : memref<128x64xf32, #tpu.memory_space<vmem>>) target(%dma_start3A_104 : memref<128x64xf32, #tpu.memory_space<vmem_shared>>) target_semaphore(%run_scoped3A : memref<!tpu.dma_semaphore, #tpu.memory_space<semaphore_mem>>)
      %dma_wait3A = arith.constant 0 : i32
      %dma_wait3A_105 = tpu.memref_slice %arg18[%multiple_of3A_33, %dma_wait3A] : memref<10240x64xf32, #tpu.memory_space<vmem_shared>> -> memref<128x64xf32, #tpu.memory_space<vmem_shared>>
      %dma_wait3A_106 = arith.constant 0 : i32
      %dma_wait3A_107 = tpu.memref_slice %arg18[%multiple_of3A_33, %dma_wait3A_106] : memref<10240x64xf32, #tpu.memory_space<vmem_shared>> -> memref<128x64xf32, #tpu.memory_space<vmem_shared>>
      tpu.wait_dma2 semaphore(%run_scoped3A : memref<!tpu.dma_semaphore, #tpu.memory_space<semaphore_mem>>) src(%arg16 : memref<128x64xf32, #tpu.memory_space<vmem>>) dst(%dma_wait3A_107 : memref<128x64xf32, #tpu.memory_space<vmem_shared>>)
      tpu.yield
    }) : () -> ()
    "tpu.region"() ({
      %run_scoped3A = tpu.sem_alloc : memref<!tpu.dma_semaphore, #tpu.memory_space<semaphore_mem>>
      %dma_start3A = arith.constant 0 : i32
      %dma_start3A_102 = tpu.memref_slice %arg19[%multiple_of3A_33, %dma_start3A] : memref<10240x16xf32, #tpu.memory_space<vmem_shared>> -> memref<128x16xf32, #tpu.memory_space<vmem_shared>>
      %dma_start3A_103 = arith.constant 0 : i32
      %dma_start3A_104 = tpu.memref_slice %arg19[%multiple_of3A_33, %dma_start3A_103] : memref<10240x16xf32, #tpu.memory_space<vmem_shared>> -> memref<128x16xf32, #tpu.memory_space<vmem_shared>>
      tpu.enqueue_dma source(%arg17 : memref<128x16xf32, #tpu.memory_space<vmem>>) target(%dma_start3A_104 : memref<128x16xf32, #tpu.memory_space<vmem_shared>>) target_semaphore(%run_scoped3A : memref<!tpu.dma_semaphore, #tpu.memory_space<semaphore_mem>>)
      %dma_wait3A = arith.constant 0 : i32
      %dma_wait3A_105 = tpu.memref_slice %arg19[%multiple_of3A_33, %dma_wait3A] : memref<10240x16xf32, #tpu.memory_space<vmem_shared>> -> memref<128x16xf32, #tpu.memory_space<vmem_shared>>
      %dma_wait3A_106 = arith.constant 0 : i32
      %dma_wait3A_107 = tpu.memref_slice %arg19[%multiple_of3A_33, %dma_wait3A_106] : memref<10240x16xf32, #tpu.memory_space<vmem_shared>> -> memref<128x16xf32, #tpu.memory_space<vmem_shared>>
      tpu.wait_dma2 semaphore(%run_scoped3A : memref<!tpu.dma_semaphore, #tpu.memory_space<semaphore_mem>>) src(%arg17 : memref<128x16xf32, #tpu.memory_space<vmem>>) dst(%dma_wait3A_107 : memref<128x16xf32, #tpu.memory_space<vmem_shared>>)
      tpu.yield
    }) : () -> ()
    %mul3A_34 = arith.constant 640 : i32
    %mul3A_35 = arith.muli %arg1, %mul3A_34 : i32
    %add3A_36 = arith.constant 512 : i32
    %add3A_37 = arith.addi %mul3A_35, %add3A_36 : i32
    %multiple_of3A_38 = tpu.assume_multiple %add3A_37, 128 : i32
    "tpu.region"() ({
      %run_scoped3A = tpu.sem_alloc : memref<!tpu.dma_semaphore, #tpu.memory_space<semaphore_mem>>
      %dma_start3A = arith.constant 0 : i32
      %dma_start3A_102 = tpu.memref_slice %arg18[%multiple_of3A_38, %dma_start3A] : memref<10240x64xf32, #tpu.memory_space<vmem_shared>> -> memref<128x64xf32, #tpu.memory_space<vmem_shared>>
      %dma_start3A_103 = arith.constant 0 : i32
      %dma_start3A_104 = tpu.memref_slice %arg18[%multiple_of3A_38, %dma_start3A_103] : memref<10240x64xf32, #tpu.memory_space<vmem_shared>> -> memref<128x64xf32, #tpu.memory_space<vmem_shared>>
      tpu.enqueue_dma source(%arg16 : memref<128x64xf32, #tpu.memory_space<vmem>>) target(%dma_start3A_104 : memref<128x64xf32, #tpu.memory_space<vmem_shared>>) target_semaphore(%run_scoped3A : memref<!tpu.dma_semaphore, #tpu.memory_space<semaphore_mem>>)
      %dma_wait3A = arith.constant 0 : i32
      %dma_wait3A_105 = tpu.memref_slice %arg18[%multiple_of3A_38, %dma_wait3A] : memref<10240x64xf32, #tpu.memory_space<vmem_shared>> -> memref<128x64xf32, #tpu.memory_space<vmem_shared>>
      %dma_wait3A_106 = arith.constant 0 : i32
      %dma_wait3A_107 = tpu.memref_slice %arg18[%multiple_of3A_38, %dma_wait3A_106] : memref<10240x64xf32, #tpu.memory_space<vmem_shared>> -> memref<128x64xf32, #tpu.memory_space<vmem_shared>>
      tpu.wait_dma2 semaphore(%run_scoped3A : memref<!tpu.dma_semaphore, #tpu.memory_space<semaphore_mem>>) src(%arg16 : memref<128x64xf32, #tpu.memory_space<vmem>>) dst(%dma_wait3A_107 : memref<128x64xf32, #tpu.memory_space<vmem_shared>>)
      tpu.yield
    }) : () -> ()
    "tpu.region"() ({
      %run_scoped3A = tpu.sem_alloc : memref<!tpu.dma_semaphore, #tpu.memory_space<semaphore_mem>>
      %dma_start3A = arith.constant 0 : i32
      %dma_start3A_102 = tpu.memref_slice %arg19[%multiple_of3A_38, %dma_start3A] : memref<10240x16xf32, #tpu.memory_space<vmem_shared>> -> memref<128x16xf32, #tpu.memory_space<vmem_shared>>
      %dma_start3A_103 = arith.constant 0 : i32
      %dma_start3A_104 = tpu.memref_slice %arg19[%multiple_of3A_38, %dma_start3A_103] : memref<10240x16xf32, #tpu.memory_space<vmem_shared>> -> memref<128x16xf32, #tpu.memory_space<vmem_shared>>
      tpu.enqueue_dma source(%arg17 : memref<128x16xf32, #tpu.memory_space<vmem>>) target(%dma_start3A_104 : memref<128x16xf32, #tpu.memory_space<vmem_shared>>) target_semaphore(%run_scoped3A : memref<!tpu.dma_semaphore, #tpu.memory_space<semaphore_mem>>)
      %dma_wait3A = arith.constant 0 : i32
      %dma_wait3A_105 = tpu.memref_slice %arg19[%multiple_of3A_38, %dma_wait3A] : memref<10240x16xf32, #tpu.memory_space<vmem_shared>> -> memref<128x16xf32, #tpu.memory_space<vmem_shared>>
      %dma_wait3A_106 = arith.constant 0 : i32
      %dma_wait3A_107 = tpu.memref_slice %arg19[%multiple_of3A_38, %dma_wait3A_106] : memref<10240x16xf32, #tpu.memory_space<vmem_shared>> -> memref<128x16xf32, #tpu.memory_space<vmem_shared>>
      tpu.wait_dma2 semaphore(%run_scoped3A : memref<!tpu.dma_semaphore, #tpu.memory_space<semaphore_mem>>) src(%arg17 : memref<128x16xf32, #tpu.memory_space<vmem>>) dst(%dma_wait3A_107 : memref<128x16xf32, #tpu.memory_space<vmem_shared>>)
      tpu.yield
    }) : () -> ()
    %barrier3A = arith.constant 0 : index
    tpu.barrier barrier_id(%barrier3A)
    %eq3A = arith.constant 0 : i32
    %eq3A_39 = arith.cmpi eq, %arg0, %eq3A : i32
    %convert_element_type3A = arith.extui %eq3A_39 : i1 to i32
    %cond3A = arith.constant 0 : i32
    %cond3A_40 = arith.cmpi ne, %convert_element_type3A, %cond3A : i32
    scf.if %cond3A_40 {
      %dma_start3A = arith.constant 0 : i32
      %dma_start3A_102 = arith.constant 0 : i32
      %dma_start3A_103 = tpu.memref_slice %arg8[%dma_start3A, %dma_start3A_102] : memref<250x80xi32, #tpu.memory_space<vmem>> -> memref<1x80xi32, #tpu.memory_space<vmem>>
      %dma_start3A_104 = tpu.memref_squeeze %dma_start3A_103 : memref<1x80xi32, #tpu.memory_space<vmem>> -> memref<80xi32, #tpu.memory_space<vmem>>
      %dma_start3A_105 = arith.constant 0 : i32
      %dma_start3A_106 = arith.constant 0 : i32
      %dma_start3A_107 = tpu.memref_slice %arg2[%dma_start3A_105, %dma_start3A_106] : memref<10000x64xf32, #tpu.memory_space<hbm>> -> memref<10000x64xf32, #tpu.memory_space<hbm>>
      tpu.enqueue_indirect_dma source(%dma_start3A_107 : memref<10000x64xf32, #tpu.memory_space<hbm>>) target(%arg10 : memref<80x64xf32, #tpu.memory_space<vmem>>) offsets(%dma_start3A_104 : memref<80xi32, #tpu.memory_space<vmem>>) semaphore(%arg20 : memref<!tpu.dma_semaphore, #tpu.memory_space<semaphore_mem>>)
    } else {
    }
    %eq3A_41 = arith.constant 1 : i32
    %eq3A_42 = arith.cmpi eq, %arg0, %eq3A_41 : i32
    %convert_element_type3A_43 = arith.extui %eq3A_42 : i1 to i32
    %cond3A_44 = arith.constant 0 : i32
    %cond3A_45 = arith.cmpi ne, %convert_element_type3A_43, %cond3A_44 : i32
    scf.if %cond3A_45 {
      %dma_start3A = arith.constant 0 : i32
      %dma_start3A_102 = arith.constant 0 : i32
      %dma_start3A_103 = tpu.memref_slice %arg8[%dma_start3A, %dma_start3A_102] : memref<250x80xi32, #tpu.memory_space<vmem>> -> memref<1x80xi32, #tpu.memory_space<vmem>>
      %dma_start3A_104 = tpu.memref_squeeze %dma_start3A_103 : memref<1x80xi32, #tpu.memory_space<vmem>> -> memref<80xi32, #tpu.memory_space<vmem>>
      %dma_start3A_105 = arith.constant 0 : i32
      %dma_start3A_106 = arith.constant 0 : i32
      %dma_start3A_107 = tpu.memref_slice %arg3[%dma_start3A_105, %dma_start3A_106] : memref<10000x64xf32, #tpu.memory_space<hbm>> -> memref<10000x64xf32, #tpu.memory_space<hbm>>
      tpu.enqueue_indirect_dma source(%dma_start3A_107 : memref<10000x64xf32, #tpu.memory_space<hbm>>) target(%arg10 : memref<80x64xf32, #tpu.memory_space<vmem>>) offsets(%dma_start3A_104 : memref<80xi32, #tpu.memory_space<vmem>>) semaphore(%arg20 : memref<!tpu.dma_semaphore, #tpu.memory_space<semaphore_mem>>)
    } else {
    }
    %eq3A_46 = arith.constant 0 : i32
    %eq3A_47 = arith.cmpi eq, %arg0, %eq3A_46 : i32
    %convert_element_type3A_48 = arith.extui %eq3A_47 : i1 to i32
    %cond3A_49 = arith.constant 0 : i32
    %cond3A_50 = arith.cmpi ne, %convert_element_type3A_48, %cond3A_49 : i32
    scf.if %cond3A_50 {
      %dma_start3A = arith.constant 1 : i32
      %dma_start3A_102 = arith.constant 0 : i32
      %dma_start3A_103 = tpu.memref_slice %arg8[%dma_start3A, %dma_start3A_102] : memref<250x80xi32, #tpu.memory_space<vmem>> -> memref<1x80xi32, #tpu.memory_space<vmem>>
      %dma_start3A_104 = tpu.memref_squeeze %dma_start3A_103 : memref<1x80xi32, #tpu.memory_space<vmem>> -> memref<80xi32, #tpu.memory_space<vmem>>
      %dma_start3A_105 = arith.constant 0 : i32
      %dma_start3A_106 = arith.constant 0 : i32
      %dma_start3A_107 = tpu.memref_slice %arg2[%dma_start3A_105, %dma_start3A_106] : memref<10000x64xf32, #tpu.memory_space<hbm>> -> memref<10000x64xf32, #tpu.memory_space<hbm>>
      tpu.enqueue_indirect_dma source(%dma_start3A_107 : memref<10000x64xf32, #tpu.memory_space<hbm>>) target(%arg11 : memref<80x64xf32, #tpu.memory_space<vmem>>) offsets(%dma_start3A_104 : memref<80xi32, #tpu.memory_space<vmem>>) semaphore(%arg21 : memref<!tpu.dma_semaphore, #tpu.memory_space<semaphore_mem>>)
    } else {
    }
    %eq3A_51 = arith.constant 1 : i32
    %eq3A_52 = arith.cmpi eq, %arg0, %eq3A_51 : i32
    %convert_element_type3A_53 = arith.extui %eq3A_52 : i1 to i32
    %cond3A_54 = arith.constant 0 : i32
    %cond3A_55 = arith.cmpi ne, %convert_element_type3A_53, %cond3A_54 : i32
    scf.if %cond3A_55 {
      %dma_start3A = arith.constant 1 : i32
      %dma_start3A_102 = arith.constant 0 : i32
      %dma_start3A_103 = tpu.memref_slice %arg8[%dma_start3A, %dma_start3A_102] : memref<250x80xi32, #tpu.memory_space<vmem>> -> memref<1x80xi32, #tpu.memory_space<vmem>>
      %dma_start3A_104 = tpu.memref_squeeze %dma_start3A_103 : memref<1x80xi32, #tpu.memory_space<vmem>> -> memref<80xi32, #tpu.memory_space<vmem>>
      %dma_start3A_105 = arith.constant 0 : i32
      %dma_start3A_106 = arith.constant 0 : i32
      %dma_start3A_107 = tpu.memref_slice %arg3[%dma_start3A_105, %dma_start3A_106] : memref<10000x64xf32, #tpu.memory_space<hbm>> -> memref<10000x64xf32, #tpu.memory_space<hbm>>
      tpu.enqueue_indirect_dma source(%dma_start3A_107 : memref<10000x64xf32, #tpu.memory_space<hbm>>) target(%arg11 : memref<80x64xf32, #tpu.memory_space<vmem>>) offsets(%dma_start3A_104 : memref<80xi32, #tpu.memory_space<vmem>>) semaphore(%arg21 : memref<!tpu.dma_semaphore, #tpu.memory_space<semaphore_mem>>)
    } else {
    }
    %eq3A_56 = arith.constant 0 : i32
    %eq3A_57 = arith.cmpi eq, %arg0, %eq3A_56 : i32
    %convert_element_type3A_58 = arith.extui %eq3A_57 : i1 to i32
    %cond3A_59 = arith.constant 0 : i32
    %cond3A_60 = arith.cmpi ne, %convert_element_type3A_58, %cond3A_59 : i32
    scf.if %cond3A_60 {
      %dma_start3A = arith.constant 2 : i32
      %dma_start3A_102 = arith.constant 0 : i32
      %dma_start3A_103 = tpu.memref_slice %arg8[%dma_start3A, %dma_start3A_102] : memref<250x80xi32, #tpu.memory_space<vmem>> -> memref<1x80xi32, #tpu.memory_space<vmem>>
      %dma_start3A_104 = tpu.memref_squeeze %dma_start3A_103 : memref<1x80xi32, #tpu.memory_space<vmem>> -> memref<80xi32, #tpu.memory_space<vmem>>
      %dma_start3A_105 = arith.constant 0 : i32
      %dma_start3A_106 = arith.constant 0 : i32
      %dma_start3A_107 = tpu.memref_slice %arg2[%dma_start3A_105, %dma_start3A_106] : memref<10000x64xf32, #tpu.memory_space<hbm>> -> memref<10000x64xf32, #tpu.memory_space<hbm>>
      tpu.enqueue_indirect_dma source(%dma_start3A_107 : memref<10000x64xf32, #tpu.memory_space<hbm>>) target(%arg12 : memref<80x64xf32, #tpu.memory_space<vmem>>) offsets(%dma_start3A_104 : memref<80xi32, #tpu.memory_space<vmem>>) semaphore(%arg22 : memref<!tpu.dma_semaphore, #tpu.memory_space<semaphore_mem>>)
    } else {
    }
    %eq3A_61 = arith.constant 1 : i32
    %eq3A_62 = arith.cmpi eq, %arg0, %eq3A_61 : i32
    %convert_element_type3A_63 = arith.extui %eq3A_62 : i1 to i32
    %cond3A_64 = arith.constant 0 : i32
    %cond3A_65 = arith.cmpi ne, %convert_element_type3A_63, %cond3A_64 : i32
    scf.if %cond3A_65 {
      %dma_start3A = arith.constant 2 : i32
      %dma_start3A_102 = arith.constant 0 : i32
      %dma_start3A_103 = tpu.memref_slice %arg8[%dma_start3A, %dma_start3A_102] : memref<250x80xi32, #tpu.memory_space<vmem>> -> memref<1x80xi32, #tpu.memory_space<vmem>>
      %dma_start3A_104 = tpu.memref_squeeze %dma_start3A_103 : memref<1x80xi32, #tpu.memory_space<vmem>> -> memref<80xi32, #tpu.memory_space<vmem>>
      %dma_start3A_105 = arith.constant 0 : i32
      %dma_start3A_106 = arith.constant 0 : i32
      %dma_start3A_107 = tpu.memref_slice %arg3[%dma_start3A_105, %dma_start3A_106] : memref<10000x64xf32, #tpu.memory_space<hbm>> -> memref<10000x64xf32, #tpu.memory_space<hbm>>
      tpu.enqueue_indirect_dma source(%dma_start3A_107 : memref<10000x64xf32, #tpu.memory_space<hbm>>) target(%arg12 : memref<80x64xf32, #tpu.memory_space<vmem>>) offsets(%dma_start3A_104 : memref<80xi32, #tpu.memory_space<vmem>>) semaphore(%arg22 : memref<!tpu.dma_semaphore, #tpu.memory_space<semaphore_mem>>)
    } else {
    }
    %eq3A_66 = arith.constant 0 : i32
    %eq3A_67 = arith.cmpi eq, %arg0, %eq3A_66 : i32
    %convert_element_type3A_68 = arith.extui %eq3A_67 : i1 to i32
    %cond3A_69 = arith.constant 0 : i32
    %cond3A_70 = arith.cmpi ne, %convert_element_type3A_68, %cond3A_69 : i32
    scf.if %cond3A_70 {
      %dma_start3A = arith.constant 3 : i32
      %dma_start3A_102 = arith.constant 0 : i32
      %dma_start3A_103 = tpu.memref_slice %arg8[%dma_start3A, %dma_start3A_102] : memref<250x80xi32, #tpu.memory_space<vmem>> -> memref<1x80xi32, #tpu.memory_space<vmem>>
      %dma_start3A_104 = tpu.memref_squeeze %dma_start3A_103 : memref<1x80xi32, #tpu.memory_space<vmem>> -> memref<80xi32, #tpu.memory_space<vmem>>
      %dma_start3A_105 = arith.constant 0 : i32
      %dma_start3A_106 = arith.constant 0 : i32
      %dma_start3A_107 = tpu.memref_slice %arg2[%dma_start3A_105, %dma_start3A_106] : memref<10000x64xf32, #tpu.memory_space<hbm>> -> memref<10000x64xf32, #tpu.memory_space<hbm>>
      tpu.enqueue_indirect_dma source(%dma_start3A_107 : memref<10000x64xf32, #tpu.memory_space<hbm>>) target(%arg13 : memref<80x64xf32, #tpu.memory_space<vmem>>) offsets(%dma_start3A_104 : memref<80xi32, #tpu.memory_space<vmem>>) semaphore(%arg23 : memref<!tpu.dma_semaphore, #tpu.memory_space<semaphore_mem>>)
    } else {
    }
    %eq3A_71 = arith.constant 1 : i32
    %eq3A_72 = arith.cmpi eq, %arg0, %eq3A_71 : i32
    %convert_element_type3A_73 = arith.extui %eq3A_72 : i1 to i32
    %cond3A_74 = arith.constant 0 : i32
    %cond3A_75 = arith.cmpi ne, %convert_element_type3A_73, %cond3A_74 : i32
    scf.if %cond3A_75 {
      %dma_start3A = arith.constant 3 : i32
      %dma_start3A_102 = arith.constant 0 : i32
      %dma_start3A_103 = tpu.memref_slice %arg8[%dma_start3A, %dma_start3A_102] : memref<250x80xi32, #tpu.memory_space<vmem>> -> memref<1x80xi32, #tpu.memory_space<vmem>>
      %dma_start3A_104 = tpu.memref_squeeze %dma_start3A_103 : memref<1x80xi32, #tpu.memory_space<vmem>> -> memref<80xi32, #tpu.memory_space<vmem>>
      %dma_start3A_105 = arith.constant 0 : i32
      %dma_start3A_106 = arith.constant 0 : i32
      %dma_start3A_107 = tpu.memref_slice %arg3[%dma_start3A_105, %dma_start3A_106] : memref<10000x64xf32, #tpu.memory_space<hbm>> -> memref<10000x64xf32, #tpu.memory_space<hbm>>
      tpu.enqueue_indirect_dma source(%dma_start3A_107 : memref<10000x64xf32, #tpu.memory_space<hbm>>) target(%arg13 : memref<80x64xf32, #tpu.memory_space<vmem>>) offsets(%dma_start3A_104 : memref<80xi32, #tpu.memory_space<vmem>>) semaphore(%arg23 : memref<!tpu.dma_semaphore, #tpu.memory_space<semaphore_mem>>)
    } else {
    }
    %eq3A_76 = arith.constant 0 : i32
    %eq3A_77 = arith.cmpi eq, %arg0, %eq3A_76 : i32
    %convert_element_type3A_78 = arith.extui %eq3A_77 : i1 to i32
    %cond3A_79 = arith.constant 0 : i32
    %cond3A_80 = arith.cmpi ne, %convert_element_type3A_78, %cond3A_79 : i32
    scf.if %cond3A_80 {
      %dma_start3A = arith.constant 4 : i32
      %dma_start3A_102 = arith.constant 0 : i32
      %dma_start3A_103 = tpu.memref_slice %arg8[%dma_start3A, %dma_start3A_102] : memref<250x80xi32, #tpu.memory_space<vmem>> -> memref<1x80xi32, #tpu.memory_space<vmem>>
      %dma_start3A_104 = tpu.memref_squeeze %dma_start3A_103 : memref<1x80xi32, #tpu.memory_space<vmem>> -> memref<80xi32, #tpu.memory_space<vmem>>
      %dma_start3A_105 = arith.constant 0 : i32
      %dma_start3A_106 = arith.constant 0 : i32
      %dma_start3A_107 = tpu.memref_slice %arg2[%dma_start3A_105, %dma_start3A_106] : memref<10000x64xf32, #tpu.memory_space<hbm>> -> memref<10000x64xf32, #tpu.memory_space<hbm>>
      tpu.enqueue_indirect_dma source(%dma_start3A_107 : memref<10000x64xf32, #tpu.memory_space<hbm>>) target(%arg14 : memref<80x64xf32, #tpu.memory_space<vmem>>) offsets(%dma_start3A_104 : memref<80xi32, #tpu.memory_space<vmem>>) semaphore(%arg24 : memref<!tpu.dma_semaphore, #tpu.memory_space<semaphore_mem>>)
    } else {
    }
    %eq3A_81 = arith.constant 1 : i32
    %eq3A_82 = arith.cmpi eq, %arg0, %eq3A_81 : i32
    %convert_element_type3A_83 = arith.extui %eq3A_82 : i1 to i32
    %cond3A_84 = arith.constant 0 : i32
    %cond3A_85 = arith.cmpi ne, %convert_element_type3A_83, %cond3A_84 : i32
    scf.if %cond3A_85 {
      %dma_start3A = arith.constant 4 : i32
      %dma_start3A_102 = arith.constant 0 : i32
      %dma_start3A_103 = tpu.memref_slice %arg8[%dma_start3A, %dma_start3A_102] : memref<250x80xi32, #tpu.memory_space<vmem>> -> memref<1x80xi32, #tpu.memory_space<vmem>>
      %dma_start3A_104 = tpu.memref_squeeze %dma_start3A_103 : memref<1x80xi32, #tpu.memory_space<vmem>> -> memref<80xi32, #tpu.memory_space<vmem>>
      %dma_start3A_105 = arith.constant 0 : i32
      %dma_start3A_106 = arith.constant 0 : i32
      %dma_start3A_107 = tpu.memref_slice %arg3[%dma_start3A_105, %dma_start3A_106] : memref<10000x64xf32, #tpu.memory_space<hbm>> -> memref<10000x64xf32, #tpu.memory_space<hbm>>
      tpu.enqueue_indirect_dma source(%dma_start3A_107 : memref<10000x64xf32, #tpu.memory_space<hbm>>) target(%arg14 : memref<80x64xf32, #tpu.memory_space<vmem>>) offsets(%dma_start3A_104 : memref<80xi32, #tpu.memory_space<vmem>>) semaphore(%arg24 : memref<!tpu.dma_semaphore, #tpu.memory_space<semaphore_mem>>)
    } else {
    }
    %scan3A_86 = arith.constant 0 : i32
    %scan3A_87 = arith.constant 0 : i32
    %scan3A_88 = arith.constant 50 : i32
    %scan3A_89 = arith.addi %scan3A_87, %scan3A_88 : i32
    %scan3A_90 = arith.constant 1 : i32
    scf.for %scan3A_102 = %scan3A_87 to %scan3A_89 step %scan3A_90  : i32 {
      %mul3A_103 = arith.constant 5 : i32
      %mul3A_104 = arith.muli %scan3A_102, %mul3A_103 : i32
      %dma_wait3A = arith.constant 0 : i32
      %dma_wait3A_105 = arith.constant 0 : i32
      %dma_wait3A_106 = tpu.memref_slice %arg8[%dma_wait3A, %dma_wait3A_105] : memref<250x80xi32, #tpu.memory_space<vmem>> -> memref<1x80xi32, #tpu.memory_space<vmem>>
      %dma_wait3A_107 = tpu.memref_squeeze %dma_wait3A_106 : memref<1x80xi32, #tpu.memory_space<vmem>> -> memref<80xi32, #tpu.memory_space<vmem>>
      %dma_wait3A_108 = arith.constant 0 : i32
      %dma_wait3A_109 = arith.constant 0 : i32
      %dma_wait3A_110 = tpu.memref_slice %arg2[%dma_wait3A_108, %dma_wait3A_109] : memref<10000x64xf32, #tpu.memory_space<hbm>> -> memref<10000x64xf32, #tpu.memory_space<hbm>>
      tpu.wait_indirect_dma semaphore(%arg20 : memref<!tpu.dma_semaphore, #tpu.memory_space<semaphore_mem>>) src(%dma_wait3A_110 : memref<10000x64xf32, #tpu.memory_space<hbm>>) dst(%arg10 : memref<80x64xf32, #tpu.memory_space<vmem>>)
      %add3A_111 = arith.constant 0 : i32
      %add3A_112 = arith.addi %mul3A_104, %add3A_111 : i32
      "tpu.region"() ({
        %run_scoped3A = tpu.sem_alloc : memref<!tpu.dma_semaphore, #tpu.memory_space<semaphore_mem>>
        %dma_start3A = arith.constant 0 : i32
        %dma_start3A_232 = tpu.memref_slice %arg9[%add3A_112, %dma_start3A] : memref<250x80xi32, #tpu.memory_space<vmem>> -> memref<1x80xi32, #tpu.memory_space<vmem>>
        %dma_start3A_233 = tpu.memref_squeeze %dma_start3A_232 : memref<1x80xi32, #tpu.memory_space<vmem>> -> memref<80xi32, #tpu.memory_space<vmem>>
        %dma_start3A_234 = arith.constant 0 : i32
        %dma_start3A_235 = arith.constant 0 : i32
        %dma_start3A_236 = tpu.memref_slice %arg18[%dma_start3A_234, %dma_start3A_235] : memref<10240x64xf32, #tpu.memory_space<vmem_shared>> -> memref<10240x64xf32, #tpu.memory_space<vmem_shared>>
        tpu.enqueue_indirect_dma source(%arg10 : memref<80x64xf32, #tpu.memory_space<vmem>>) target(%dma_start3A_236 : memref<10240x64xf32, #tpu.memory_space<vmem_shared>>) offsets(%dma_start3A_233 : memref<80xi32, #tpu.memory_space<vmem>>) semaphore(%run_scoped3A : memref<!tpu.dma_semaphore, #tpu.memory_space<semaphore_mem>>) {add = true}
        %dma_wait3A_237 = arith.constant 0 : i32
        %dma_wait3A_238 = tpu.memref_slice %arg9[%add3A_112, %dma_wait3A_237] : memref<250x80xi32, #tpu.memory_space<vmem>> -> memref<1x80xi32, #tpu.memory_space<vmem>>
        %dma_wait3A_239 = tpu.memref_squeeze %dma_wait3A_238 : memref<1x80xi32, #tpu.memory_space<vmem>> -> memref<80xi32, #tpu.memory_space<vmem>>
        %dma_wait3A_240 = arith.constant 0 : i32
        %dma_wait3A_241 = arith.constant 0 : i32
        %dma_wait3A_242 = tpu.memref_slice %arg18[%dma_wait3A_240, %dma_wait3A_241] : memref<10240x64xf32, #tpu.memory_space<vmem_shared>> -> memref<10240x64xf32, #tpu.memory_space<vmem_shared>>
        tpu.wait_indirect_dma semaphore(%run_scoped3A : memref<!tpu.dma_semaphore, #tpu.memory_space<semaphore_mem>>) src(%arg10 : memref<80x64xf32, #tpu.memory_space<vmem>>) dst(%dma_wait3A_242 : memref<10240x64xf32, #tpu.memory_space<vmem_shared>>)
        tpu.yield
      }) : () -> ()
      %eq3A_113 = arith.constant 1 : i32
      %eq3A_114 = arith.cmpi eq, %arg0, %eq3A_113 : i32
      %lt3A = arith.constant 125 : i32
      %lt3A_115 = arith.cmpi slt, %add3A_112, %lt3A : i32
      %xor3A = arith.xori %eq3A_114, %lt3A_115 : i1
      %convert_element_type3A_116 = arith.extui %xor3A : i1 to i32
      %cond3A_117 = arith.constant 0 : i32
      %cond3A_118 = arith.cmpi ne, %convert_element_type3A_116, %cond3A_117 : i32
      scf.if %cond3A_118 {
        %dma_start3A = arith.constant 0 : i32
        %dma_start3A_232 = tpu.memref_slice %arg9[%add3A_112, %dma_start3A] : memref<250x80xi32, #tpu.memory_space<vmem>> -> memref<1x80xi32, #tpu.memory_space<vmem>>
        %dma_start3A_233 = tpu.memref_squeeze %dma_start3A_232 : memref<1x80xi32, #tpu.memory_space<vmem>> -> memref<80xi32, #tpu.memory_space<vmem>>
        %dma_start3A_234 = arith.constant 0 : i32
        %dma_start3A_235 = arith.constant 0 : i32
        %dma_start3A_236 = tpu.memref_slice %arg19[%dma_start3A_234, %dma_start3A_235] : memref<10240x16xf32, #tpu.memory_space<vmem_shared>> -> memref<10240x16xf32, #tpu.memory_space<vmem_shared>>
        tpu.enqueue_indirect_dma source(%arg15 : memref<80x16xf32, #tpu.memory_space<vmem>>) target(%dma_start3A_236 : memref<10240x16xf32, #tpu.memory_space<vmem_shared>>) offsets(%dma_start3A_233 : memref<80xi32, #tpu.memory_space<vmem>>) semaphore(%arg25 : memref<!tpu.dma_semaphore, #tpu.memory_space<semaphore_mem>>) {add = true}
      } else {
      }
      %add3A_119 = arith.constant 0 : i32
      %add3A_120 = arith.addi %mul3A_104, %add3A_119 : i32
      %add3A_121 = arith.constant 5 : i32
      %add3A_122 = arith.addi %add3A_120, %add3A_121 : i32
      %lt3A_123 = arith.constant 250 : i32
      %lt3A_124 = arith.cmpi slt, %add3A_122, %lt3A_123 : i32
      %convert_element_type3A_125 = arith.extui %lt3A_124 : i1 to i32
      %cond3A_126 = arith.constant 0 : i32
      %cond3A_127 = arith.cmpi ne, %convert_element_type3A_125, %cond3A_126 : i32
      scf.if %cond3A_127 {
        %add3A_232 = arith.constant 0 : i32
        %add3A_233 = arith.addi %mul3A_104, %add3A_232 : i32
        %add3A_234 = arith.constant 5 : i32
        %add3A_235 = arith.addi %add3A_233, %add3A_234 : i32
        %eq3A_236 = arith.constant 0 : i32
        %eq3A_237 = arith.cmpi eq, %arg0, %eq3A_236 : i32
        %convert_element_type3A_238 = arith.extui %eq3A_237 : i1 to i32
        %cond3A_239 = arith.constant 0 : i32
        %cond3A_240 = arith.cmpi ne, %convert_element_type3A_238, %cond3A_239 : i32
        scf.if %cond3A_240 {
          %dma_start3A = arith.constant 0 : i32
          %dma_start3A_246 = tpu.memref_slice %arg8[%add3A_235, %dma_start3A] : memref<250x80xi32, #tpu.memory_space<vmem>> -> memref<1x80xi32, #tpu.memory_space<vmem>>
          %dma_start3A_247 = tpu.memref_squeeze %dma_start3A_246 : memref<1x80xi32, #tpu.memory_space<vmem>> -> memref<80xi32, #tpu.memory_space<vmem>>
          %dma_start3A_248 = arith.constant 0 : i32
          %dma_start3A_249 = arith.constant 0 : i32
          %dma_start3A_250 = tpu.memref_slice %arg2[%dma_start3A_248, %dma_start3A_249] : memref<10000x64xf32, #tpu.memory_space<hbm>> -> memref<10000x64xf32, #tpu.memory_space<hbm>>
          tpu.enqueue_indirect_dma source(%dma_start3A_250 : memref<10000x64xf32, #tpu.memory_space<hbm>>) target(%arg10 : memref<80x64xf32, #tpu.memory_space<vmem>>) offsets(%dma_start3A_247 : memref<80xi32, #tpu.memory_space<vmem>>) semaphore(%arg20 : memref<!tpu.dma_semaphore, #tpu.memory_space<semaphore_mem>>)
        } else {
        }
        %eq3A_241 = arith.constant 1 : i32
        %eq3A_242 = arith.cmpi eq, %arg0, %eq3A_241 : i32
        %convert_element_type3A_243 = arith.extui %eq3A_242 : i1 to i32
        %cond3A_244 = arith.constant 0 : i32
        %cond3A_245 = arith.cmpi ne, %convert_element_type3A_243, %cond3A_244 : i32
        scf.if %cond3A_245 {
          %dma_start3A = arith.constant 0 : i32
          %dma_start3A_246 = tpu.memref_slice %arg8[%add3A_235, %dma_start3A] : memref<250x80xi32, #tpu.memory_space<vmem>> -> memref<1x80xi32, #tpu.memory_space<vmem>>
          %dma_start3A_247 = tpu.memref_squeeze %dma_start3A_246 : memref<1x80xi32, #tpu.memory_space<vmem>> -> memref<80xi32, #tpu.memory_space<vmem>>
          %dma_start3A_248 = arith.constant 0 : i32
          %dma_start3A_249 = arith.constant 0 : i32
          %dma_start3A_250 = tpu.memref_slice %arg3[%dma_start3A_248, %dma_start3A_249] : memref<10000x64xf32, #tpu.memory_space<hbm>> -> memref<10000x64xf32, #tpu.memory_space<hbm>>
          tpu.enqueue_indirect_dma source(%dma_start3A_250 : memref<10000x64xf32, #tpu.memory_space<hbm>>) target(%arg10 : memref<80x64xf32, #tpu.memory_space<vmem>>) offsets(%dma_start3A_247 : memref<80xi32, #tpu.memory_space<vmem>>) semaphore(%arg20 : memref<!tpu.dma_semaphore, #tpu.memory_space<semaphore_mem>>)
        } else {
        }
      } else {
      }
      %dma_wait3A_128 = arith.constant 0 : i32
      %dma_wait3A_129 = arith.constant 0 : i32
      %dma_wait3A_130 = tpu.memref_slice %arg8[%dma_wait3A_128, %dma_wait3A_129] : memref<250x80xi32, #tpu.memory_space<vmem>> -> memref<1x80xi32, #tpu.memory_space<vmem>>
      %dma_wait3A_131 = tpu.memref_squeeze %dma_wait3A_130 : memref<1x80xi32, #tpu.memory_space<vmem>> -> memref<80xi32, #tpu.memory_space<vmem>>
      %dma_wait3A_132 = arith.constant 0 : i32
      %dma_wait3A_133 = arith.constant 0 : i32
      %dma_wait3A_134 = tpu.memref_slice %arg2[%dma_wait3A_132, %dma_wait3A_133] : memref<10000x64xf32, #tpu.memory_space<hbm>> -> memref<10000x64xf32, #tpu.memory_space<hbm>>
      tpu.wait_indirect_dma semaphore(%arg21 : memref<!tpu.dma_semaphore, #tpu.memory_space<semaphore_mem>>) src(%dma_wait3A_134 : memref<10000x64xf32, #tpu.memory_space<hbm>>) dst(%arg11 : memref<80x64xf32, #tpu.memory_space<vmem>>)
      %add3A_135 = arith.constant 1 : i32
      %add3A_136 = arith.addi %mul3A_104, %add3A_135 : i32
      "tpu.region"() ({
        %run_scoped3A = tpu.sem_alloc : memref<!tpu.dma_semaphore, #tpu.memory_space<semaphore_mem>>
        %dma_start3A = arith.constant 0 : i32
        %dma_start3A_232 = tpu.memref_slice %arg9[%add3A_136, %dma_start3A] : memref<250x80xi32, #tpu.memory_space<vmem>> -> memref<1x80xi32, #tpu.memory_space<vmem>>
        %dma_start3A_233 = tpu.memref_squeeze %dma_start3A_232 : memref<1x80xi32, #tpu.memory_space<vmem>> -> memref<80xi32, #tpu.memory_space<vmem>>
        %dma_start3A_234 = arith.constant 0 : i32
        %dma_start3A_235 = arith.constant 0 : i32
        %dma_start3A_236 = tpu.memref_slice %arg18[%dma_start3A_234, %dma_start3A_235] : memref<10240x64xf32, #tpu.memory_space<vmem_shared>> -> memref<10240x64xf32, #tpu.memory_space<vmem_shared>>
        tpu.enqueue_indirect_dma source(%arg11 : memref<80x64xf32, #tpu.memory_space<vmem>>) target(%dma_start3A_236 : memref<10240x64xf32, #tpu.memory_space<vmem_shared>>) offsets(%dma_start3A_233 : memref<80xi32, #tpu.memory_space<vmem>>) semaphore(%run_scoped3A : memref<!tpu.dma_semaphore, #tpu.memory_space<semaphore_mem>>) {add = true}
        %dma_wait3A_237 = arith.constant 0 : i32
        %dma_wait3A_238 = tpu.memref_slice %arg9[%add3A_136, %dma_wait3A_237] : memref<250x80xi32, #tpu.memory_space<vmem>> -> memref<1x80xi32, #tpu.memory_space<vmem>>
        %dma_wait3A_239 = tpu.memref_squeeze %dma_wait3A_238 : memref<1x80xi32, #tpu.memory_space<vmem>> -> memref<80xi32, #tpu.memory_space<vmem>>
        %dma_wait3A_240 = arith.constant 0 : i32
        %dma_wait3A_241 = arith.constant 0 : i32
        %dma_wait3A_242 = tpu.memref_slice %arg18[%dma_wait3A_240, %dma_wait3A_241] : memref<10240x64xf32, #tpu.memory_space<vmem_shared>> -> memref<10240x64xf32, #tpu.memory_space<vmem_shared>>
        tpu.wait_indirect_dma semaphore(%run_scoped3A : memref<!tpu.dma_semaphore, #tpu.memory_space<semaphore_mem>>) src(%arg11 : memref<80x64xf32, #tpu.memory_space<vmem>>) dst(%dma_wait3A_242 : memref<10240x64xf32, #tpu.memory_space<vmem_shared>>)
        tpu.yield
      }) : () -> ()
      %eq3A_137 = arith.constant 1 : i32
      %eq3A_138 = arith.cmpi eq, %arg0, %eq3A_137 : i32
      %lt3A_139 = arith.constant 125 : i32
      %lt3A_140 = arith.cmpi slt, %add3A_136, %lt3A_139 : i32
      %xor3A_141 = arith.xori %eq3A_138, %lt3A_140 : i1
      %convert_element_type3A_142 = arith.extui %xor3A_141 : i1 to i32
      %cond3A_143 = arith.constant 0 : i32
      %cond3A_144 = arith.cmpi ne, %convert_element_type3A_142, %cond3A_143 : i32
      scf.if %cond3A_144 {
        %dma_start3A = arith.constant 0 : i32
        %dma_start3A_232 = tpu.memref_slice %arg9[%add3A_136, %dma_start3A] : memref<250x80xi32, #tpu.memory_space<vmem>> -> memref<1x80xi32, #tpu.memory_space<vmem>>
        %dma_start3A_233 = tpu.memref_squeeze %dma_start3A_232 : memref<1x80xi32, #tpu.memory_space<vmem>> -> memref<80xi32, #tpu.memory_space<vmem>>
        %dma_start3A_234 = arith.constant 0 : i32
        %dma_start3A_235 = arith.constant 0 : i32
        %dma_start3A_236 = tpu.memref_slice %arg19[%dma_start3A_234, %dma_start3A_235] : memref<10240x16xf32, #tpu.memory_space<vmem_shared>> -> memref<10240x16xf32, #tpu.memory_space<vmem_shared>>
        tpu.enqueue_indirect_dma source(%arg15 : memref<80x16xf32, #tpu.memory_space<vmem>>) target(%dma_start3A_236 : memref<10240x16xf32, #tpu.memory_space<vmem_shared>>) offsets(%dma_start3A_233 : memref<80xi32, #tpu.memory_space<vmem>>) semaphore(%arg25 : memref<!tpu.dma_semaphore, #tpu.memory_space<semaphore_mem>>) {add = true}
      } else {
      }
      %add3A_145 = arith.constant 1 : i32
      %add3A_146 = arith.addi %mul3A_104, %add3A_145 : i32
      %add3A_147 = arith.constant 5 : i32
      %add3A_148 = arith.addi %add3A_146, %add3A_147 : i32
      %lt3A_149 = arith.constant 250 : i32
      %lt3A_150 = arith.cmpi slt, %add3A_148, %lt3A_149 : i32
      %convert_element_type3A_151 = arith.extui %lt3A_150 : i1 to i32
      %cond3A_152 = arith.constant 0 : i32
      %cond3A_153 = arith.cmpi ne, %convert_element_type3A_151, %cond3A_152 : i32
      scf.if %cond3A_153 {
        %add3A_232 = arith.constant 1 : i32
        %add3A_233 = arith.addi %mul3A_104, %add3A_232 : i32
        %add3A_234 = arith.constant 5 : i32
        %add3A_235 = arith.addi %add3A_233, %add3A_234 : i32
        %eq3A_236 = arith.constant 0 : i32
        %eq3A_237 = arith.cmpi eq, %arg0, %eq3A_236 : i32
        %convert_element_type3A_238 = arith.extui %eq3A_237 : i1 to i32
        %cond3A_239 = arith.constant 0 : i32
        %cond3A_240 = arith.cmpi ne, %convert_element_type3A_238, %cond3A_239 : i32
        scf.if %cond3A_240 {
          %dma_start3A = arith.constant 0 : i32
          %dma_start3A_246 = tpu.memref_slice %arg8[%add3A_235, %dma_start3A] : memref<250x80xi32, #tpu.memory_space<vmem>> -> memref<1x80xi32, #tpu.memory_space<vmem>>
          %dma_start3A_247 = tpu.memref_squeeze %dma_start3A_246 : memref<1x80xi32, #tpu.memory_space<vmem>> -> memref<80xi32, #tpu.memory_space<vmem>>
          %dma_start3A_248 = arith.constant 0 : i32
          %dma_start3A_249 = arith.constant 0 : i32
          %dma_start3A_250 = tpu.memref_slice %arg2[%dma_start3A_248, %dma_start3A_249] : memref<10000x64xf32, #tpu.memory_space<hbm>> -> memref<10000x64xf32, #tpu.memory_space<hbm>>
          tpu.enqueue_indirect_dma source(%dma_start3A_250 : memref<10000x64xf32, #tpu.memory_space<hbm>>) target(%arg11 : memref<80x64xf32, #tpu.memory_space<vmem>>) offsets(%dma_start3A_247 : memref<80xi32, #tpu.memory_space<vmem>>) semaphore(%arg21 : memref<!tpu.dma_semaphore, #tpu.memory_space<semaphore_mem>>)
        } else {
        }
        %eq3A_241 = arith.constant 1 : i32
        %eq3A_242 = arith.cmpi eq, %arg0, %eq3A_241 : i32
        %convert_element_type3A_243 = arith.extui %eq3A_242 : i1 to i32
        %cond3A_244 = arith.constant 0 : i32
        %cond3A_245 = arith.cmpi ne, %convert_element_type3A_243, %cond3A_244 : i32
        scf.if %cond3A_245 {
          %dma_start3A = arith.constant 0 : i32
          %dma_start3A_246 = tpu.memref_slice %arg8[%add3A_235, %dma_start3A] : memref<250x80xi32, #tpu.memory_space<vmem>> -> memref<1x80xi32, #tpu.memory_space<vmem>>
          %dma_start3A_247 = tpu.memref_squeeze %dma_start3A_246 : memref<1x80xi32, #tpu.memory_space<vmem>> -> memref<80xi32, #tpu.memory_space<vmem>>
          %dma_start3A_248 = arith.constant 0 : i32
          %dma_start3A_249 = arith.constant 0 : i32
          %dma_start3A_250 = tpu.memref_slice %arg3[%dma_start3A_248, %dma_start3A_249] : memref<10000x64xf32, #tpu.memory_space<hbm>> -> memref<10000x64xf32, #tpu.memory_space<hbm>>
          tpu.enqueue_indirect_dma source(%dma_start3A_250 : memref<10000x64xf32, #tpu.memory_space<hbm>>) target(%arg11 : memref<80x64xf32, #tpu.memory_space<vmem>>) offsets(%dma_start3A_247 : memref<80xi32, #tpu.memory_space<vmem>>) semaphore(%arg21 : memref<!tpu.dma_semaphore, #tpu.memory_space<semaphore_mem>>)
        } else {
        }
      } else {
      }
      %dma_wait3A_154 = arith.constant 0 : i32
      %dma_wait3A_155 = arith.constant 0 : i32
      %dma_wait3A_156 = tpu.memref_slice %arg8[%dma_wait3A_154, %dma_wait3A_155] : memref<250x80xi32, #tpu.memory_space<vmem>> -> memref<1x80xi32, #tpu.memory_space<vmem>>
      %dma_wait3A_157 = tpu.memref_squeeze %dma_wait3A_156 : memref<1x80xi32, #tpu.memory_space<vmem>> -> memref<80xi32, #tpu.memory_space<vmem>>
      %dma_wait3A_158 = arith.constant 0 : i32
      %dma_wait3A_159 = arith.constant 0 : i32
      %dma_wait3A_160 = tpu.memref_slice %arg2[%dma_wait3A_158, %dma_wait3A_159] : memref<10000x64xf32, #tpu.memory_space<hbm>> -> memref<10000x64xf32, #tpu.memory_space<hbm>>
      tpu.wait_indirect_dma semaphore(%arg22 : memref<!tpu.dma_semaphore, #tpu.memory_space<semaphore_mem>>) src(%dma_wait3A_160 : memref<10000x64xf32, #tpu.memory_space<hbm>>) dst(%arg12 : memref<80x64xf32, #tpu.memory_space<vmem>>)
      %add3A_161 = arith.constant 2 : i32
      %add3A_162 = arith.addi %mul3A_104, %add3A_161 : i32
      "tpu.region"() ({
        %run_scoped3A = tpu.sem_alloc : memref<!tpu.dma_semaphore, #tpu.memory_space<semaphore_mem>>
        %dma_start3A = arith.constant 0 : i32
        %dma_start3A_232 = tpu.memref_slice %arg9[%add3A_162, %dma_start3A] : memref<250x80xi32, #tpu.memory_space<vmem>> -> memref<1x80xi32, #tpu.memory_space<vmem>>
        %dma_start3A_233 = tpu.memref_squeeze %dma_start3A_232 : memref<1x80xi32, #tpu.memory_space<vmem>> -> memref<80xi32, #tpu.memory_space<vmem>>
        %dma_start3A_234 = arith.constant 0 : i32
        %dma_start3A_235 = arith.constant 0 : i32
        %dma_start3A_236 = tpu.memref_slice %arg18[%dma_start3A_234, %dma_start3A_235] : memref<10240x64xf32, #tpu.memory_space<vmem_shared>> -> memref<10240x64xf32, #tpu.memory_space<vmem_shared>>
        tpu.enqueue_indirect_dma source(%arg12 : memref<80x64xf32, #tpu.memory_space<vmem>>) target(%dma_start3A_236 : memref<10240x64xf32, #tpu.memory_space<vmem_shared>>) offsets(%dma_start3A_233 : memref<80xi32, #tpu.memory_space<vmem>>) semaphore(%run_scoped3A : memref<!tpu.dma_semaphore, #tpu.memory_space<semaphore_mem>>) {add = true}
        %dma_wait3A_237 = arith.constant 0 : i32
        %dma_wait3A_238 = tpu.memref_slice %arg9[%add3A_162, %dma_wait3A_237] : memref<250x80xi32, #tpu.memory_space<vmem>> -> memref<1x80xi32, #tpu.memory_space<vmem>>
        %dma_wait3A_239 = tpu.memref_squeeze %dma_wait3A_238 : memref<1x80xi32, #tpu.memory_space<vmem>> -> memref<80xi32, #tpu.memory_space<vmem>>
        %dma_wait3A_240 = arith.constant 0 : i32
        %dma_wait3A_241 = arith.constant 0 : i32
        %dma_wait3A_242 = tpu.memref_slice %arg18[%dma_wait3A_240, %dma_wait3A_241] : memref<10240x64xf32, #tpu.memory_space<vmem_shared>> -> memref<10240x64xf32, #tpu.memory_space<vmem_shared>>
        tpu.wait_indirect_dma semaphore(%run_scoped3A : memref<!tpu.dma_semaphore, #tpu.memory_space<semaphore_mem>>) src(%arg12 : memref<80x64xf32, #tpu.memory_space<vmem>>) dst(%dma_wait3A_242 : memref<10240x64xf32, #tpu.memory_space<vmem_shared>>)
        tpu.yield
      }) : () -> ()
      %eq3A_163 = arith.constant 1 : i32
      %eq3A_164 = arith.cmpi eq, %arg0, %eq3A_163 : i32
      %lt3A_165 = arith.constant 125 : i32
      %lt3A_166 = arith.cmpi slt, %add3A_162, %lt3A_165 : i32
      %xor3A_167 = arith.xori %eq3A_164, %lt3A_166 : i1
      %convert_element_type3A_168 = arith.extui %xor3A_167 : i1 to i32
      %cond3A_169 = arith.constant 0 : i32
      %cond3A_170 = arith.cmpi ne, %convert_element_type3A_168, %cond3A_169 : i32
      scf.if %cond3A_170 {
        %dma_start3A = arith.constant 0 : i32
        %dma_start3A_232 = tpu.memref_slice %arg9[%add3A_162, %dma_start3A] : memref<250x80xi32, #tpu.memory_space<vmem>> -> memref<1x80xi32, #tpu.memory_space<vmem>>
        %dma_start3A_233 = tpu.memref_squeeze %dma_start3A_232 : memref<1x80xi32, #tpu.memory_space<vmem>> -> memref<80xi32, #tpu.memory_space<vmem>>
        %dma_start3A_234 = arith.constant 0 : i32
        %dma_start3A_235 = arith.constant 0 : i32
        %dma_start3A_236 = tpu.memref_slice %arg19[%dma_start3A_234, %dma_start3A_235] : memref<10240x16xf32, #tpu.memory_space<vmem_shared>> -> memref<10240x16xf32, #tpu.memory_space<vmem_shared>>
        tpu.enqueue_indirect_dma source(%arg15 : memref<80x16xf32, #tpu.memory_space<vmem>>) target(%dma_start3A_236 : memref<10240x16xf32, #tpu.memory_space<vmem_shared>>) offsets(%dma_start3A_233 : memref<80xi32, #tpu.memory_space<vmem>>) semaphore(%arg25 : memref<!tpu.dma_semaphore, #tpu.memory_space<semaphore_mem>>) {add = true}
      } else {
      }
      %add3A_171 = arith.constant 2 : i32
      %add3A_172 = arith.addi %mul3A_104, %add3A_171 : i32
      %add3A_173 = arith.constant 5 : i32
      %add3A_174 = arith.addi %add3A_172, %add3A_173 : i32
      %lt3A_175 = arith.constant 250 : i32
      %lt3A_176 = arith.cmpi slt, %add3A_174, %lt3A_175 : i32
      %convert_element_type3A_177 = arith.extui %lt3A_176 : i1 to i32
      %cond3A_178 = arith.constant 0 : i32
      %cond3A_179 = arith.cmpi ne, %convert_element_type3A_177, %cond3A_178 : i32
      scf.if %cond3A_179 {
        %add3A_232 = arith.constant 2 : i32
        %add3A_233 = arith.addi %mul3A_104, %add3A_232 : i32
        %add3A_234 = arith.constant 5 : i32
        %add3A_235 = arith.addi %add3A_233, %add3A_234 : i32
        %eq3A_236 = arith.constant 0 : i32
        %eq3A_237 = arith.cmpi eq, %arg0, %eq3A_236 : i32
        %convert_element_type3A_238 = arith.extui %eq3A_237 : i1 to i32
        %cond3A_239 = arith.constant 0 : i32
        %cond3A_240 = arith.cmpi ne, %convert_element_type3A_238, %cond3A_239 : i32
        scf.if %cond3A_240 {
          %dma_start3A = arith.constant 0 : i32
          %dma_start3A_246 = tpu.memref_slice %arg8[%add3A_235, %dma_start3A] : memref<250x80xi32, #tpu.memory_space<vmem>> -> memref<1x80xi32, #tpu.memory_space<vmem>>
          %dma_start3A_247 = tpu.memref_squeeze %dma_start3A_246 : memref<1x80xi32, #tpu.memory_space<vmem>> -> memref<80xi32, #tpu.memory_space<vmem>>
          %dma_start3A_248 = arith.constant 0 : i32
          %dma_start3A_249 = arith.constant 0 : i32
          %dma_start3A_250 = tpu.memref_slice %arg2[%dma_start3A_248, %dma_start3A_249] : memref<10000x64xf32, #tpu.memory_space<hbm>> -> memref<10000x64xf32, #tpu.memory_space<hbm>>
          tpu.enqueue_indirect_dma source(%dma_start3A_250 : memref<10000x64xf32, #tpu.memory_space<hbm>>) target(%arg12 : memref<80x64xf32, #tpu.memory_space<vmem>>) offsets(%dma_start3A_247 : memref<80xi32, #tpu.memory_space<vmem>>) semaphore(%arg22 : memref<!tpu.dma_semaphore, #tpu.memory_space<semaphore_mem>>)
        } else {
        }
        %eq3A_241 = arith.constant 1 : i32
        %eq3A_242 = arith.cmpi eq, %arg0, %eq3A_241 : i32
        %convert_element_type3A_243 = arith.extui %eq3A_242 : i1 to i32
        %cond3A_244 = arith.constant 0 : i32
        %cond3A_245 = arith.cmpi ne, %convert_element_type3A_243, %cond3A_244 : i32
        scf.if %cond3A_245 {
          %dma_start3A = arith.constant 0 : i32
          %dma_start3A_246 = tpu.memref_slice %arg8[%add3A_235, %dma_start3A] : memref<250x80xi32, #tpu.memory_space<vmem>> -> memref<1x80xi32, #tpu.memory_space<vmem>>
          %dma_start3A_247 = tpu.memref_squeeze %dma_start3A_246 : memref<1x80xi32, #tpu.memory_space<vmem>> -> memref<80xi32, #tpu.memory_space<vmem>>
          %dma_start3A_248 = arith.constant 0 : i32
          %dma_start3A_249 = arith.constant 0 : i32
          %dma_start3A_250 = tpu.memref_slice %arg3[%dma_start3A_248, %dma_start3A_249] : memref<10000x64xf32, #tpu.memory_space<hbm>> -> memref<10000x64xf32, #tpu.memory_space<hbm>>
          tpu.enqueue_indirect_dma source(%dma_start3A_250 : memref<10000x64xf32, #tpu.memory_space<hbm>>) target(%arg12 : memref<80x64xf32, #tpu.memory_space<vmem>>) offsets(%dma_start3A_247 : memref<80xi32, #tpu.memory_space<vmem>>) semaphore(%arg22 : memref<!tpu.dma_semaphore, #tpu.memory_space<semaphore_mem>>)
        } else {
        }
      } else {
      }
      %dma_wait3A_180 = arith.constant 0 : i32
      %dma_wait3A_181 = arith.constant 0 : i32
      %dma_wait3A_182 = tpu.memref_slice %arg8[%dma_wait3A_180, %dma_wait3A_181] : memref<250x80xi32, #tpu.memory_space<vmem>> -> memref<1x80xi32, #tpu.memory_space<vmem>>
      %dma_wait3A_183 = tpu.memref_squeeze %dma_wait3A_182 : memref<1x80xi32, #tpu.memory_space<vmem>> -> memref<80xi32, #tpu.memory_space<vmem>>
      %dma_wait3A_184 = arith.constant 0 : i32
      %dma_wait3A_185 = arith.constant 0 : i32
      %dma_wait3A_186 = tpu.memref_slice %arg2[%dma_wait3A_184, %dma_wait3A_185] : memref<10000x64xf32, #tpu.memory_space<hbm>> -> memref<10000x64xf32, #tpu.memory_space<hbm>>
      tpu.wait_indirect_dma semaphore(%arg23 : memref<!tpu.dma_semaphore, #tpu.memory_space<semaphore_mem>>) src(%dma_wait3A_186 : memref<10000x64xf32, #tpu.memory_space<hbm>>) dst(%arg13 : memref<80x64xf32, #tpu.memory_space<vmem>>)
      %add3A_187 = arith.constant 3 : i32
      %add3A_188 = arith.addi %mul3A_104, %add3A_187 : i32
      "tpu.region"() ({
        %run_scoped3A = tpu.sem_alloc : memref<!tpu.dma_semaphore, #tpu.memory_space<semaphore_mem>>
        %dma_start3A = arith.constant 0 : i32
        %dma_start3A_232 = tpu.memref_slice %arg9[%add3A_188, %dma_start3A] : memref<250x80xi32, #tpu.memory_space<vmem>> -> memref<1x80xi32, #tpu.memory_space<vmem>>
        %dma_start3A_233 = tpu.memref_squeeze %dma_start3A_232 : memref<1x80xi32, #tpu.memory_space<vmem>> -> memref<80xi32, #tpu.memory_space<vmem>>
        %dma_start3A_234 = arith.constant 0 : i32
        %dma_start3A_235 = arith.constant 0 : i32
        %dma_start3A_236 = tpu.memref_slice %arg18[%dma_start3A_234, %dma_start3A_235] : memref<10240x64xf32, #tpu.memory_space<vmem_shared>> -> memref<10240x64xf32, #tpu.memory_space<vmem_shared>>
        tpu.enqueue_indirect_dma source(%arg13 : memref<80x64xf32, #tpu.memory_space<vmem>>) target(%dma_start3A_236 : memref<10240x64xf32, #tpu.memory_space<vmem_shared>>) offsets(%dma_start3A_233 : memref<80xi32, #tpu.memory_space<vmem>>) semaphore(%run_scoped3A : memref<!tpu.dma_semaphore, #tpu.memory_space<semaphore_mem>>) {add = true}
        %dma_wait3A_237 = arith.constant 0 : i32
        %dma_wait3A_238 = tpu.memref_slice %arg9[%add3A_188, %dma_wait3A_237] : memref<250x80xi32, #tpu.memory_space<vmem>> -> memref<1x80xi32, #tpu.memory_space<vmem>>
        %dma_wait3A_239 = tpu.memref_squeeze %dma_wait3A_238 : memref<1x80xi32, #tpu.memory_space<vmem>> -> memref<80xi32, #tpu.memory_space<vmem>>
        %dma_wait3A_240 = arith.constant 0 : i32
        %dma_wait3A_241 = arith.constant 0 : i32
        %dma_wait3A_242 = tpu.memref_slice %arg18[%dma_wait3A_240, %dma_wait3A_241] : memref<10240x64xf32, #tpu.memory_space<vmem_shared>> -> memref<10240x64xf32, #tpu.memory_space<vmem_shared>>
        tpu.wait_indirect_dma semaphore(%run_scoped3A : memref<!tpu.dma_semaphore, #tpu.memory_space<semaphore_mem>>) src(%arg13 : memref<80x64xf32, #tpu.memory_space<vmem>>) dst(%dma_wait3A_242 : memref<10240x64xf32, #tpu.memory_space<vmem_shared>>)
        tpu.yield
      }) : () -> ()
      %eq3A_189 = arith.constant 1 : i32
      %eq3A_190 = arith.cmpi eq, %arg0, %eq3A_189 : i32
      %lt3A_191 = arith.constant 125 : i32
      %lt3A_192 = arith.cmpi slt, %add3A_188, %lt3A_191 : i32
      %xor3A_193 = arith.xori %eq3A_190, %lt3A_192 : i1
      %convert_element_type3A_194 = arith.extui %xor3A_193 : i1 to i32
      %cond3A_195 = arith.constant 0 : i32
      %cond3A_196 = arith.cmpi ne, %convert_element_type3A_194, %cond3A_195 : i32
      scf.if %cond3A_196 {
        %dma_start3A = arith.constant 0 : i32
        %dma_start3A_232 = tpu.memref_slice %arg9[%add3A_188, %dma_start3A] : memref<250x80xi32, #tpu.memory_space<vmem>> -> memref<1x80xi32, #tpu.memory_space<vmem>>
        %dma_start3A_233 = tpu.memref_squeeze %dma_start3A_232 : memref<1x80xi32, #tpu.memory_space<vmem>> -> memref<80xi32, #tpu.memory_space<vmem>>
        %dma_start3A_234 = arith.constant 0 : i32
        %dma_start3A_235 = arith.constant 0 : i32
        %dma_start3A_236 = tpu.memref_slice %arg19[%dma_start3A_234, %dma_start3A_235] : memref<10240x16xf32, #tpu.memory_space<vmem_shared>> -> memref<10240x16xf32, #tpu.memory_space<vmem_shared>>
        tpu.enqueue_indirect_dma source(%arg15 : memref<80x16xf32, #tpu.memory_space<vmem>>) target(%dma_start3A_236 : memref<10240x16xf32, #tpu.memory_space<vmem_shared>>) offsets(%dma_start3A_233 : memref<80xi32, #tpu.memory_space<vmem>>) semaphore(%arg25 : memref<!tpu.dma_semaphore, #tpu.memory_space<semaphore_mem>>) {add = true}
      } else {
      }
      %add3A_197 = arith.constant 3 : i32
      %add3A_198 = arith.addi %mul3A_104, %add3A_197 : i32
      %add3A_199 = arith.constant 5 : i32
      %add3A_200 = arith.addi %add3A_198, %add3A_199 : i32
      %lt3A_201 = arith.constant 250 : i32
      %lt3A_202 = arith.cmpi slt, %add3A_200, %lt3A_201 : i32
      %convert_element_type3A_203 = arith.extui %lt3A_202 : i1 to i32
      %cond3A_204 = arith.constant 0 : i32
      %cond3A_205 = arith.cmpi ne, %convert_element_type3A_203, %cond3A_204 : i32
      scf.if %cond3A_205 {
        %add3A_232 = arith.constant 3 : i32
        %add3A_233 = arith.addi %mul3A_104, %add3A_232 : i32
        %add3A_234 = arith.constant 5 : i32
        %add3A_235 = arith.addi %add3A_233, %add3A_234 : i32
        %eq3A_236 = arith.constant 0 : i32
        %eq3A_237 = arith.cmpi eq, %arg0, %eq3A_236 : i32
        %convert_element_type3A_238 = arith.extui %eq3A_237 : i1 to i32
        %cond3A_239 = arith.constant 0 : i32
        %cond3A_240 = arith.cmpi ne, %convert_element_type3A_238, %cond3A_239 : i32
        scf.if %cond3A_240 {
          %dma_start3A = arith.constant 0 : i32
          %dma_start3A_246 = tpu.memref_slice %arg8[%add3A_235, %dma_start3A] : memref<250x80xi32, #tpu.memory_space<vmem>> -> memref<1x80xi32, #tpu.memory_space<vmem>>
          %dma_start3A_247 = tpu.memref_squeeze %dma_start3A_246 : memref<1x80xi32, #tpu.memory_space<vmem>> -> memref<80xi32, #tpu.memory_space<vmem>>
          %dma_start3A_248 = arith.constant 0 : i32
          %dma_start3A_249 = arith.constant 0 : i32
          %dma_start3A_250 = tpu.memref_slice %arg2[%dma_start3A_248, %dma_start3A_249] : memref<10000x64xf32, #tpu.memory_space<hbm>> -> memref<10000x64xf32, #tpu.memory_space<hbm>>
          tpu.enqueue_indirect_dma source(%dma_start3A_250 : memref<10000x64xf32, #tpu.memory_space<hbm>>) target(%arg13 : memref<80x64xf32, #tpu.memory_space<vmem>>) offsets(%dma_start3A_247 : memref<80xi32, #tpu.memory_space<vmem>>) semaphore(%arg23 : memref<!tpu.dma_semaphore, #tpu.memory_space<semaphore_mem>>)
        } else {
        }
        %eq3A_241 = arith.constant 1 : i32
        %eq3A_242 = arith.cmpi eq, %arg0, %eq3A_241 : i32
        %convert_element_type3A_243 = arith.extui %eq3A_242 : i1 to i32
        %cond3A_244 = arith.constant 0 : i32
        %cond3A_245 = arith.cmpi ne, %convert_element_type3A_243, %cond3A_244 : i32
        scf.if %cond3A_245 {
          %dma_start3A = arith.constant 0 : i32
          %dma_start3A_246 = tpu.memref_slice %arg8[%add3A_235, %dma_start3A] : memref<250x80xi32, #tpu.memory_space<vmem>> -> memref<1x80xi32, #tpu.memory_space<vmem>>
          %dma_start3A_247 = tpu.memref_squeeze %dma_start3A_246 : memref<1x80xi32, #tpu.memory_space<vmem>> -> memref<80xi32, #tpu.memory_space<vmem>>
          %dma_start3A_248 = arith.constant 0 : i32
          %dma_start3A_249 = arith.constant 0 : i32
          %dma_start3A_250 = tpu.memref_slice %arg3[%dma_start3A_248, %dma_start3A_249] : memref<10000x64xf32, #tpu.memory_space<hbm>> -> memref<10000x64xf32, #tpu.memory_space<hbm>>
          tpu.enqueue_indirect_dma source(%dma_start3A_250 : memref<10000x64xf32, #tpu.memory_space<hbm>>) target(%arg13 : memref<80x64xf32, #tpu.memory_space<vmem>>) offsets(%dma_start3A_247 : memref<80xi32, #tpu.memory_space<vmem>>) semaphore(%arg23 : memref<!tpu.dma_semaphore, #tpu.memory_space<semaphore_mem>>)
        } else {
        }
      } else {
      }
      %dma_wait3A_206 = arith.constant 0 : i32
      %dma_wait3A_207 = arith.constant 0 : i32
      %dma_wait3A_208 = tpu.memref_slice %arg8[%dma_wait3A_206, %dma_wait3A_207] : memref<250x80xi32, #tpu.memory_space<vmem>> -> memref<1x80xi32, #tpu.memory_space<vmem>>
      %dma_wait3A_209 = tpu.memref_squeeze %dma_wait3A_208 : memref<1x80xi32, #tpu.memory_space<vmem>> -> memref<80xi32, #tpu.memory_space<vmem>>
      %dma_wait3A_210 = arith.constant 0 : i32
      %dma_wait3A_211 = arith.constant 0 : i32
      %dma_wait3A_212 = tpu.memref_slice %arg2[%dma_wait3A_210, %dma_wait3A_211] : memref<10000x64xf32, #tpu.memory_space<hbm>> -> memref<10000x64xf32, #tpu.memory_space<hbm>>
      tpu.wait_indirect_dma semaphore(%arg24 : memref<!tpu.dma_semaphore, #tpu.memory_space<semaphore_mem>>) src(%dma_wait3A_212 : memref<10000x64xf32, #tpu.memory_space<hbm>>) dst(%arg14 : memref<80x64xf32, #tpu.memory_space<vmem>>)
      %add3A_213 = arith.constant 4 : i32
      %add3A_214 = arith.addi %mul3A_104, %add3A_213 : i32
      "tpu.region"() ({
        %run_scoped3A = tpu.sem_alloc : memref<!tpu.dma_semaphore, #tpu.memory_space<semaphore_mem>>
        %dma_start3A = arith.constant 0 : i32
        %dma_start3A_232 = tpu.memref_slice %arg9[%add3A_214, %dma_start3A] : memref<250x80xi32, #tpu.memory_space<vmem>> -> memref<1x80xi32, #tpu.memory_space<vmem>>
        %dma_start3A_233 = tpu.memref_squeeze %dma_start3A_232 : memref<1x80xi32, #tpu.memory_space<vmem>> -> memref<80xi32, #tpu.memory_space<vmem>>
        %dma_start3A_234 = arith.constant 0 : i32
        %dma_start3A_235 = arith.constant 0 : i32
        %dma_start3A_236 = tpu.memref_slice %arg18[%dma_start3A_234, %dma_start3A_235] : memref<10240x64xf32, #tpu.memory_space<vmem_shared>> -> memref<10240x64xf32, #tpu.memory_space<vmem_shared>>
        tpu.enqueue_indirect_dma source(%arg14 : memref<80x64xf32, #tpu.memory_space<vmem>>) target(%dma_start3A_236 : memref<10240x64xf32, #tpu.memory_space<vmem_shared>>) offsets(%dma_start3A_233 : memref<80xi32, #tpu.memory_space<vmem>>) semaphore(%run_scoped3A : memref<!tpu.dma_semaphore, #tpu.memory_space<semaphore_mem>>) {add = true}
        %dma_wait3A_237 = arith.constant 0 : i32
        %dma_wait3A_238 = tpu.memref_slice %arg9[%add3A_214, %dma_wait3A_237] : memref<250x80xi32, #tpu.memory_space<vmem>> -> memref<1x80xi32, #tpu.memory_space<vmem>>
        %dma_wait3A_239 = tpu.memref_squeeze %dma_wait3A_238 : memref<1x80xi32, #tpu.memory_space<vmem>> -> memref<80xi32, #tpu.memory_space<vmem>>
        %dma_wait3A_240 = arith.constant 0 : i32
        %dma_wait3A_241 = arith.constant 0 : i32
        %dma_wait3A_242 = tpu.memref_slice %arg18[%dma_wait3A_240, %dma_wait3A_241] : memref<10240x64xf32, #tpu.memory_space<vmem_shared>> -> memref<10240x64xf32, #tpu.memory_space<vmem_shared>>
        tpu.wait_indirect_dma semaphore(%run_scoped3A : memref<!tpu.dma_semaphore, #tpu.memory_space<semaphore_mem>>) src(%arg14 : memref<80x64xf32, #tpu.memory_space<vmem>>) dst(%dma_wait3A_242 : memref<10240x64xf32, #tpu.memory_space<vmem_shared>>)
        tpu.yield
      }) : () -> ()
      %eq3A_215 = arith.constant 1 : i32
      %eq3A_216 = arith.cmpi eq, %arg0, %eq3A_215 : i32
      %lt3A_217 = arith.constant 125 : i32
      %lt3A_218 = arith.cmpi slt, %add3A_214, %lt3A_217 : i32
      %xor3A_219 = arith.xori %eq3A_216, %lt3A_218 : i1
      %convert_element_type3A_220 = arith.extui %xor3A_219 : i1 to i32
      %cond3A_221 = arith.constant 0 : i32
      %cond3A_222 = arith.cmpi ne, %convert_element_type3A_220, %cond3A_221 : i32
      scf.if %cond3A_222 {
        %dma_start3A = arith.constant 0 : i32
        %dma_start3A_232 = tpu.memref_slice %arg9[%add3A_214, %dma_start3A] : memref<250x80xi32, #tpu.memory_space<vmem>> -> memref<1x80xi32, #tpu.memory_space<vmem>>
        %dma_start3A_233 = tpu.memref_squeeze %dma_start3A_232 : memref<1x80xi32, #tpu.memory_space<vmem>> -> memref<80xi32, #tpu.memory_space<vmem>>
        %dma_start3A_234 = arith.constant 0 : i32
        %dma_start3A_235 = arith.constant 0 : i32
        %dma_start3A_236 = tpu.memref_slice %arg19[%dma_start3A_234, %dma_start3A_235] : memref<10240x16xf32, #tpu.memory_space<vmem_shared>> -> memref<10240x16xf32, #tpu.memory_space<vmem_shared>>
        tpu.enqueue_indirect_dma source(%arg15 : memref<80x16xf32, #tpu.memory_space<vmem>>) target(%dma_start3A_236 : memref<10240x16xf32, #tpu.memory_space<vmem_shared>>) offsets(%dma_start3A_233 : memref<80xi32, #tpu.memory_space<vmem>>) semaphore(%arg25 : memref<!tpu.dma_semaphore, #tpu.memory_space<semaphore_mem>>) {add = true}
      } else {
      }
      %add3A_223 = arith.constant 4 : i32
      %add3A_224 = arith.addi %mul3A_104, %add3A_223 : i32
      %add3A_225 = arith.constant 5 : i32
      %add3A_226 = arith.addi %add3A_224, %add3A_225 : i32
      %lt3A_227 = arith.constant 250 : i32
      %lt3A_228 = arith.cmpi slt, %add3A_226, %lt3A_227 : i32
      %convert_element_type3A_229 = arith.extui %lt3A_228 : i1 to i32
      %cond3A_230 = arith.constant 0 : i32
      %cond3A_231 = arith.cmpi ne, %convert_element_type3A_229, %cond3A_230 : i32
      scf.if %cond3A_231 {
        %add3A_232 = arith.constant 4 : i32
        %add3A_233 = arith.addi %mul3A_104, %add3A_232 : i32
        %add3A_234 = arith.constant 5 : i32
        %add3A_235 = arith.addi %add3A_233, %add3A_234 : i32
        %eq3A_236 = arith.constant 0 : i32
        %eq3A_237 = arith.cmpi eq, %arg0, %eq3A_236 : i32
        %convert_element_type3A_238 = arith.extui %eq3A_237 : i1 to i32
        %cond3A_239 = arith.constant 0 : i32
        %cond3A_240 = arith.cmpi ne, %convert_element_type3A_238, %cond3A_239 : i32
        scf.if %cond3A_240 {
          %dma_start3A = arith.constant 0 : i32
          %dma_start3A_246 = tpu.memref_slice %arg8[%add3A_235, %dma_start3A] : memref<250x80xi32, #tpu.memory_space<vmem>> -> memref<1x80xi32, #tpu.memory_space<vmem>>
          %dma_start3A_247 = tpu.memref_squeeze %dma_start3A_246 : memref<1x80xi32, #tpu.memory_space<vmem>> -> memref<80xi32, #tpu.memory_space<vmem>>
          %dma_start3A_248 = arith.constant 0 : i32
          %dma_start3A_249 = arith.constant 0 : i32
          %dma_start3A_250 = tpu.memref_slice %arg2[%dma_start3A_248, %dma_start3A_249] : memref<10000x64xf32, #tpu.memory_space<hbm>> -> memref<10000x64xf32, #tpu.memory_space<hbm>>
          tpu.enqueue_indirect_dma source(%dma_start3A_250 : memref<10000x64xf32, #tpu.memory_space<hbm>>) target(%arg14 : memref<80x64xf32, #tpu.memory_space<vmem>>) offsets(%dma_start3A_247 : memref<80xi32, #tpu.memory_space<vmem>>) semaphore(%arg24 : memref<!tpu.dma_semaphore, #tpu.memory_space<semaphore_mem>>)
        } else {
        }
        %eq3A_241 = arith.constant 1 : i32
        %eq3A_242 = arith.cmpi eq, %arg0, %eq3A_241 : i32
        %convert_element_type3A_243 = arith.extui %eq3A_242 : i1 to i32
        %cond3A_244 = arith.constant 0 : i32
        %cond3A_245 = arith.cmpi ne, %convert_element_type3A_243, %cond3A_244 : i32
        scf.if %cond3A_245 {
          %dma_start3A = arith.constant 0 : i32
          %dma_start3A_246 = tpu.memref_slice %arg8[%add3A_235, %dma_start3A] : memref<250x80xi32, #tpu.memory_space<vmem>> -> memref<1x80xi32, #tpu.memory_space<vmem>>
          %dma_start3A_247 = tpu.memref_squeeze %dma_start3A_246 : memref<1x80xi32, #tpu.memory_space<vmem>> -> memref<80xi32, #tpu.memory_space<vmem>>
          %dma_start3A_248 = arith.constant 0 : i32
          %dma_start3A_249 = arith.constant 0 : i32
          %dma_start3A_250 = tpu.memref_slice %arg3[%dma_start3A_248, %dma_start3A_249] : memref<10000x64xf32, #tpu.memory_space<hbm>> -> memref<10000x64xf32, #tpu.memory_space<hbm>>
          tpu.enqueue_indirect_dma source(%dma_start3A_250 : memref<10000x64xf32, #tpu.memory_space<hbm>>) target(%arg14 : memref<80x64xf32, #tpu.memory_space<vmem>>) offsets(%dma_start3A_247 : memref<80xi32, #tpu.memory_space<vmem>>) semaphore(%arg24 : memref<!tpu.dma_semaphore, #tpu.memory_space<semaphore_mem>>)
        } else {
        }
      } else {
      }
    }
    %scan3A_91 = arith.constant 50 : i32
    %scan3A_92 = arith.constant 0 : i32
    %scan3A_93 = arith.constant 0 : i32
    %scan3A_94 = arith.constant 125 : i32
    %scan3A_95 = arith.addi %scan3A_93, %scan3A_94 : i32
    %scan3A_96 = arith.constant 1 : i32
    scf.for %scan3A_102 = %scan3A_93 to %scan3A_95 step %scan3A_96  : i32 {
      %dma_wait3A = arith.constant 0 : i32
      %dma_wait3A_103 = arith.constant 0 : i32
      %dma_wait3A_104 = tpu.memref_slice %arg9[%dma_wait3A, %dma_wait3A_103] : memref<250x80xi32, #tpu.memory_space<vmem>> -> memref<1x80xi32, #tpu.memory_space<vmem>>
      %dma_wait3A_105 = tpu.memref_squeeze %dma_wait3A_104 : memref<1x80xi32, #tpu.memory_space<vmem>> -> memref<80xi32, #tpu.memory_space<vmem>>
      %dma_wait3A_106 = arith.constant 0 : i32
      %dma_wait3A_107 = arith.constant 0 : i32
      %dma_wait3A_108 = tpu.memref_slice %arg19[%dma_wait3A_106, %dma_wait3A_107] : memref<10240x16xf32, #tpu.memory_space<vmem_shared>> -> memref<10240x16xf32, #tpu.memory_space<vmem_shared>>
      tpu.wait_indirect_dma semaphore(%arg25 : memref<!tpu.dma_semaphore, #tpu.memory_space<semaphore_mem>>) src(%arg15 : memref<80x16xf32, #tpu.memory_space<vmem>>) dst(%dma_wait3A_108 : memref<10240x16xf32, #tpu.memory_space<vmem_shared>>)
    }
    %scan3A_97 = arith.constant 125 : i32
    %barrier3A_98 = arith.constant 0 : index
    tpu.barrier barrier_id(%barrier3A_98)
    %mul3A_99 = arith.constant 640 : i32
    %mul3A_100 = arith.muli %arg1, %mul3A_99 : i32
    %multiple_of3A_101 = tpu.assume_multiple %mul3A_100, 640 : i32
    "tpu.region"() ({
      %run_scoped3A = tpu.sem_alloc : memref<!tpu.dma_semaphore, #tpu.memory_space<semaphore_mem>>
      %dma_start3A = arith.constant 0 : i32
      %dma_start3A_102 = tpu.memref_slice %arg6[%arg0, %multiple_of3A_101, %dma_start3A] : memref<2x10240x64xf32, #tpu.memory_space<hbm>> -> memref<1x640x64xf32, #tpu.memory_space<hbm>>
      %dma_start3A_103 = tpu.memref_squeeze %dma_start3A_102 : memref<1x640x64xf32, #tpu.memory_space<hbm>> -> memref<640x64xf32, #tpu.memory_space<hbm>>
      %dma_start3A_104 = arith.constant 0 : i32
      %dma_start3A_105 = tpu.memref_slice %arg18[%multiple_of3A_101, %dma_start3A_104] : memref<10240x64xf32, #tpu.memory_space<vmem_shared>> -> memref<640x64xf32, #tpu.memory_space<vmem_shared>>
      tpu.enqueue_dma source(%dma_start3A_105 : memref<640x64xf32, #tpu.memory_space<vmem_shared>>) target(%dma_start3A_103 : memref<640x64xf32, #tpu.memory_space<hbm>>) target_semaphore(%run_scoped3A : memref<!tpu.dma_semaphore, #tpu.memory_space<semaphore_mem>>)
      %dma_wait3A = arith.constant 0 : i32
      %dma_wait3A_106 = tpu.memref_slice %arg6[%arg0, %multiple_of3A_101, %dma_wait3A] : memref<2x10240x64xf32, #tpu.memory_space<hbm>> -> memref<1x640x64xf32, #tpu.memory_space<hbm>>
      %dma_wait3A_107 = tpu.memref_squeeze %dma_wait3A_106 : memref<1x640x64xf32, #tpu.memory_space<hbm>> -> memref<640x64xf32, #tpu.memory_space<hbm>>
      %dma_wait3A_108 = arith.constant 0 : i32
      %dma_wait3A_109 = tpu.memref_slice %arg18[%multiple_of3A_101, %dma_wait3A_108] : memref<10240x64xf32, #tpu.memory_space<vmem_shared>> -> memref<640x64xf32, #tpu.memory_space<vmem_shared>>
      tpu.wait_dma2 semaphore(%run_scoped3A : memref<!tpu.dma_semaphore, #tpu.memory_space<semaphore_mem>>) src(%dma_wait3A_109 : memref<640x64xf32, #tpu.memory_space<vmem_shared>>) dst(%dma_wait3A_107 : memref<640x64xf32, #tpu.memory_space<hbm>>)
      tpu.yield
    }) : () -> ()
    "tpu.region"() ({
      %run_scoped3A = tpu.sem_alloc : memref<!tpu.dma_semaphore, #tpu.memory_space<semaphore_mem>>
      %dma_start3A = arith.constant 0 : i32
      %dma_start3A_102 = tpu.memref_slice %arg7[%arg0, %multiple_of3A_101, %dma_start3A] : memref<2x10240x16xf32, #tpu.memory_space<hbm>> -> memref<1x640x16xf32, #tpu.memory_space<hbm>>
      %dma_start3A_103 = tpu.memref_squeeze %dma_start3A_102 : memref<1x640x16xf32, #tpu.memory_space<hbm>> -> memref<640x16xf32, #tpu.memory_space<hbm>>
      %dma_start3A_104 = arith.constant 0 : i32
      %dma_start3A_105 = tpu.memref_slice %arg19[%multiple_of3A_101, %dma_start3A_104] : memref<10240x16xf32, #tpu.memory_space<vmem_shared>> -> memref<640x16xf32, #tpu.memory_space<vmem_shared>>
      tpu.enqueue_dma source(%dma_start3A_105 : memref<640x16xf32, #tpu.memory_space<vmem_shared>>) target(%dma_start3A_103 : memref<640x16xf32, #tpu.memory_space<hbm>>) target_semaphore(%run_scoped3A : memref<!tpu.dma_semaphore, #tpu.memory_space<semaphore_mem>>)
      %dma_wait3A = arith.constant 0 : i32
      %dma_wait3A_106 = tpu.memref_slice %arg7[%arg0, %multiple_of3A_101, %dma_wait3A] : memref<2x10240x16xf32, #tpu.memory_space<hbm>> -> memref<1x640x16xf32, #tpu.memory_space<hbm>>
      %dma_wait3A_107 = tpu.memref_squeeze %dma_wait3A_106 : memref<1x640x16xf32, #tpu.memory_space<hbm>> -> memref<640x16xf32, #tpu.memory_space<hbm>>
      %dma_wait3A_108 = arith.constant 0 : i32
      %dma_wait3A_109 = tpu.memref_slice %arg19[%multiple_of3A_101, %dma_wait3A_108] : memref<10240x16xf32, #tpu.memory_space<vmem_shared>> -> memref<640x16xf32, #tpu.memory_space<vmem_shared>>
      tpu.wait_dma2 semaphore(%run_scoped3A : memref<!tpu.dma_semaphore, #tpu.memory_space<semaphore_mem>>) src(%dma_wait3A_109 : memref<640x16xf32, #tpu.memory_space<vmem_shared>>) dst(%dma_wait3A_107 : memref<640x16xf32, #tpu.memory_space<hbm>>)
      tpu.yield
    }) : () -> ()
    return
  }
}

#map = affine_map<(d0, d1) -> (0, 0)>
#map1 = affine_map<(d0, d1) -> (0, 0, 0)>
module attributes {stable_mosaic.version = 14 : i64} {
  func.func @body(%arg0: i32, %arg1: i32, %arg2: memref<10000x64xf32, #tpu.memory_space<hbm>>, %arg3: memref<10000x64xf32, #tpu.memory_space<hbm>>, %arg4: memref<4000x80xi32, #tpu.memory_space<hbm>>, %arg5: memref<4000x80xi32, #tpu.memory_space<hbm>>, %arg6: memref<2x10240x64xf32, #tpu.memory_space<hbm>>, %arg7: memref<250x80xi32, #tpu.memory_space<vmem>>, %arg8: memref<250x80xi32, #tpu.memory_space<vmem>>, %arg9: memref<80x64xf32, #tpu.memory_space<vmem>>, %arg10: memref<80x64xf32, #tpu.memory_space<vmem>>, %arg11: memref<80x64xf32, #tpu.memory_space<vmem>>, %arg12: memref<80x64xf32, #tpu.memory_space<vmem>>, %arg13: memref<80x64xf32, #tpu.memory_space<vmem>>, %arg14: memref<80x16xf32, #tpu.memory_space<vmem>>, %arg15: memref<128x64xf32, #tpu.memory_space<vmem>>, %arg16: memref<128x16xf32, #tpu.memory_space<vmem>>, %arg17: memref<10240x64xf32, #tpu.memory_space<vmem_shared>>, %arg18: memref<10240x16xf32, #tpu.memory_space<vmem_shared>>, %arg19: memref<!tpu.dma_semaphore, #tpu.memory_space<semaphore_mem>>, %arg20: memref<!tpu.dma_semaphore, #tpu.memory_space<semaphore_mem>>, %arg21: memref<!tpu.dma_semaphore, #tpu.memory_space<semaphore_mem>>, %arg22: memref<!tpu.dma_semaphore, #tpu.memory_space<semaphore_mem>>, %arg23: memref<!tpu.dma_semaphore, #tpu.memory_space<semaphore_mem>>, %arg24: memref<!tpu.dma_semaphore, #tpu.memory_space<semaphore_mem>>) attributes {dimension_semantics = [#tpu.dimension_semantics<core_parallel>, #tpu.dimension_semantics<subcore_parallel>], iteration_bounds = array<i64: 2, 16>, scalar_prefetch = 0 : i64, scratch_operands = 18 : i64, tpu.core_type = #tpu.core_type<sc_vector_subcore>, window_params = [{transform_indices = #map}, {transform_indices = #map}, {transform_indices = #map}, {transform_indices = #map}, {transform_indices = #map1}]} {
    %mul3A = arith.constant 250 : i32
    %mul3A_0 = arith.muli %arg1, %mul3A : i32
    %multiple_of3A = tpu.assume_multiple %mul3A_0, 250 : i32
    "tpu.region"() ({
      %run_scoped3A = tpu.sem_alloc : memref<!tpu.dma_semaphore, #tpu.memory_space<semaphore_mem>>
      %dma_start3A = arith.constant 0 : i32
      %dma_start3A_90 = tpu.memref_slice %arg4[%multiple_of3A, %dma_start3A] : memref<4000x80xi32, #tpu.memory_space<hbm>> -> memref<250x80xi32, #tpu.memory_space<hbm>>
      %dma_start3A_91 = arith.constant 0 : i32
      %dma_start3A_92 = tpu.memref_slice %arg4[%multiple_of3A, %dma_start3A_91] : memref<4000x80xi32, #tpu.memory_space<hbm>> -> memref<250x80xi32, #tpu.memory_space<hbm>>
      tpu.enqueue_dma source(%dma_start3A_92 : memref<250x80xi32, #tpu.memory_space<hbm>>) target(%arg7 : memref<250x80xi32, #tpu.memory_space<vmem>>) target_semaphore(%run_scoped3A : memref<!tpu.dma_semaphore, #tpu.memory_space<semaphore_mem>>)
      %dma_wait3A = arith.constant 0 : i32
      %dma_wait3A_93 = tpu.memref_slice %arg4[%multiple_of3A, %dma_wait3A] : memref<4000x80xi32, #tpu.memory_space<hbm>> -> memref<250x80xi32, #tpu.memory_space<hbm>>
      %dma_wait3A_94 = arith.constant 0 : i32
      %dma_wait3A_95 = tpu.memref_slice %arg4[%multiple_of3A, %dma_wait3A_94] : memref<4000x80xi32, #tpu.memory_space<hbm>> -> memref<250x80xi32, #tpu.memory_space<hbm>>
      tpu.wait_dma2 semaphore(%run_scoped3A : memref<!tpu.dma_semaphore, #tpu.memory_space<semaphore_mem>>) src(%dma_wait3A_95 : memref<250x80xi32, #tpu.memory_space<hbm>>) dst(%arg7 : memref<250x80xi32, #tpu.memory_space<vmem>>)
      tpu.yield
    }) : () -> ()
    "tpu.region"() ({
      %run_scoped3A = tpu.sem_alloc : memref<!tpu.dma_semaphore, #tpu.memory_space<semaphore_mem>>
      %dma_start3A = arith.constant 0 : i32
      %dma_start3A_90 = tpu.memref_slice %arg5[%multiple_of3A, %dma_start3A] : memref<4000x80xi32, #tpu.memory_space<hbm>> -> memref<250x80xi32, #tpu.memory_space<hbm>>
      %dma_start3A_91 = arith.constant 0 : i32
      %dma_start3A_92 = tpu.memref_slice %arg5[%multiple_of3A, %dma_start3A_91] : memref<4000x80xi32, #tpu.memory_space<hbm>> -> memref<250x80xi32, #tpu.memory_space<hbm>>
      tpu.enqueue_dma source(%dma_start3A_92 : memref<250x80xi32, #tpu.memory_space<hbm>>) target(%arg8 : memref<250x80xi32, #tpu.memory_space<vmem>>) target_semaphore(%run_scoped3A : memref<!tpu.dma_semaphore, #tpu.memory_space<semaphore_mem>>)
      %dma_wait3A = arith.constant 0 : i32
      %dma_wait3A_93 = tpu.memref_slice %arg5[%multiple_of3A, %dma_wait3A] : memref<4000x80xi32, #tpu.memory_space<hbm>> -> memref<250x80xi32, #tpu.memory_space<hbm>>
      %dma_wait3A_94 = arith.constant 0 : i32
      %dma_wait3A_95 = tpu.memref_slice %arg5[%multiple_of3A, %dma_wait3A_94] : memref<4000x80xi32, #tpu.memory_space<hbm>> -> memref<250x80xi32, #tpu.memory_space<hbm>>
      tpu.wait_dma2 semaphore(%run_scoped3A : memref<!tpu.dma_semaphore, #tpu.memory_space<semaphore_mem>>) src(%dma_wait3A_95 : memref<250x80xi32, #tpu.memory_space<hbm>>) dst(%arg8 : memref<250x80xi32, #tpu.memory_space<vmem>>)
      tpu.yield
    }) : () -> ()
    %broadcast_in_dim3A = arith.constant 0.000000e+00 : f32
    %broadcast_in_dim3A_1 = vector.broadcast %broadcast_in_dim3A : f32 to vector<16xf32>
    %broadcast_in_dim3A_2 = arith.constant 1.000000e+00 : f32
    %broadcast_in_dim3A_3 = vector.broadcast %broadcast_in_dim3A_2 : f32 to vector<16xf32>
    %scan3A = arith.constant 0 : i32
    %scan3A_4 = arith.constant 0 : i32
    %scan3A_5 = arith.constant 128 : i32
    %scan3A_6 = arith.addi %scan3A_4, %scan3A_5 : i32
    %scan3A_7 = arith.constant 1 : i32
    scf.for %scan3A_90 = %scan3A_4 to %scan3A_6 step %scan3A_7  : i32 {
      %swap3A = arith.index_cast %scan3A_90 : i32 to index
      %swap3A_91 = arith.constant 0 : index
      %swap3A_92 = tpu.vector_load %arg15[%swap3A, %swap3A_91] {strides = array<i32>} : memref<128x64xf32, #tpu.memory_space<vmem>>, vector<1x16xf32>,
      %swap3A_93 = vector.shape_cast %swap3A_92 : vector<1x16xf32> to vector<16xf32>
      %swap3A_94 = vector.shape_cast %broadcast_in_dim3A_1 : vector<16xf32> to vector<1x16xf32>
      tpu.vector_store %arg15[%swap3A, %swap3A_91], %swap3A_94 {strides = array<i32>} : memref<128x64xf32, #tpu.memory_space<vmem>>, vector<1x16xf32>,
      %swap3A_95 = arith.index_cast %scan3A_90 : i32 to index
      %swap3A_96 = arith.constant 16 : index
      %swap3A_97 = tpu.vector_load %arg15[%swap3A_95, %swap3A_96] {strides = array<i32>} : memref<128x64xf32, #tpu.memory_space<vmem>>, vector<1x16xf32>,
      %swap3A_98 = vector.shape_cast %swap3A_97 : vector<1x16xf32> to vector<16xf32>
      %swap3A_99 = vector.shape_cast %broadcast_in_dim3A_1 : vector<16xf32> to vector<1x16xf32>
      tpu.vector_store %arg15[%swap3A_95, %swap3A_96], %swap3A_99 {strides = array<i32>} : memref<128x64xf32, #tpu.memory_space<vmem>>, vector<1x16xf32>,
      %swap3A_100 = arith.index_cast %scan3A_90 : i32 to index
      %swap3A_101 = arith.constant 32 : index
      %swap3A_102 = tpu.vector_load %arg15[%swap3A_100, %swap3A_101] {strides = array<i32>} : memref<128x64xf32, #tpu.memory_space<vmem>>, vector<1x16xf32>,
      %swap3A_103 = vector.shape_cast %swap3A_102 : vector<1x16xf32> to vector<16xf32>
      %swap3A_104 = vector.shape_cast %broadcast_in_dim3A_1 : vector<16xf32> to vector<1x16xf32>
      tpu.vector_store %arg15[%swap3A_100, %swap3A_101], %swap3A_104 {strides = array<i32>} : memref<128x64xf32, #tpu.memory_space<vmem>>, vector<1x16xf32>,
      %swap3A_105 = arith.index_cast %scan3A_90 : i32 to index
      %swap3A_106 = arith.constant 48 : index
      %swap3A_107 = tpu.vector_load %arg15[%swap3A_105, %swap3A_106] {strides = array<i32>} : memref<128x64xf32, #tpu.memory_space<vmem>>, vector<1x16xf32>,
      %swap3A_108 = vector.shape_cast %swap3A_107 : vector<1x16xf32> to vector<16xf32>
      %swap3A_109 = vector.shape_cast %broadcast_in_dim3A_1 : vector<16xf32> to vector<1x16xf32>
      tpu.vector_store %arg15[%swap3A_105, %swap3A_106], %swap3A_109 {strides = array<i32>} : memref<128x64xf32, #tpu.memory_space<vmem>>, vector<1x16xf32>,
      %swap3A_110 = arith.index_cast %scan3A_90 : i32 to index
      %swap3A_111 = arith.constant 0 : index
      %swap3A_112 = tpu.vector_load %arg16[%swap3A_110, %swap3A_111] {strides = array<i32>} : memref<128x16xf32, #tpu.memory_space<vmem>>, vector<1x16xf32>,
      %swap3A_113 = vector.shape_cast %swap3A_112 : vector<1x16xf32> to vector<16xf32>
      %swap3A_114 = vector.shape_cast %broadcast_in_dim3A_1 : vector<16xf32> to vector<1x16xf32>
      tpu.vector_store %arg16[%swap3A_110, %swap3A_111], %swap3A_114 {strides = array<i32>} : memref<128x16xf32, #tpu.memory_space<vmem>>, vector<1x16xf32>,
    }
    %scan3A_8 = arith.constant 128 : i32
    %mul3A_9 = arith.constant 640 : i32
    %mul3A_10 = arith.muli %arg1, %mul3A_9 : i32
    %add3A = arith.constant 0 : i32
    %add3A_11 = arith.addi %mul3A_10, %add3A : i32
    %multiple_of3A_12 = tpu.assume_multiple %add3A_11, 128 : i32
    "tpu.region"() ({
      %run_scoped3A = tpu.sem_alloc : memref<!tpu.dma_semaphore, #tpu.memory_space<semaphore_mem>>
      %dma_start3A = arith.constant 0 : i32
      %dma_start3A_90 = tpu.memref_slice %arg17[%multiple_of3A_12, %dma_start3A] : memref<10240x64xf32, #tpu.memory_space<vmem_shared>> -> memref<128x64xf32, #tpu.memory_space<vmem_shared>>
      %dma_start3A_91 = arith.constant 0 : i32
      %dma_start3A_92 = tpu.memref_slice %arg17[%multiple_of3A_12, %dma_start3A_91] : memref<10240x64xf32, #tpu.memory_space<vmem_shared>> -> memref<128x64xf32, #tpu.memory_space<vmem_shared>>
      tpu.enqueue_dma source(%arg15 : memref<128x64xf32, #tpu.memory_space<vmem>>) target(%dma_start3A_92 : memref<128x64xf32, #tpu.memory_space<vmem_shared>>) target_semaphore(%run_scoped3A : memref<!tpu.dma_semaphore, #tpu.memory_space<semaphore_mem>>)
      %dma_wait3A = arith.constant 0 : i32
      %dma_wait3A_93 = tpu.memref_slice %arg17[%multiple_of3A_12, %dma_wait3A] : memref<10240x64xf32, #tpu.memory_space<vmem_shared>> -> memref<128x64xf32, #tpu.memory_space<vmem_shared>>
      %dma_wait3A_94 = arith.constant 0 : i32
      %dma_wait3A_95 = tpu.memref_slice %arg17[%multiple_of3A_12, %dma_wait3A_94] : memref<10240x64xf32, #tpu.memory_space<vmem_shared>> -> memref<128x64xf32, #tpu.memory_space<vmem_shared>>
      tpu.wait_dma2 semaphore(%run_scoped3A : memref<!tpu.dma_semaphore, #tpu.memory_space<semaphore_mem>>) src(%arg15 : memref<128x64xf32, #tpu.memory_space<vmem>>) dst(%dma_wait3A_95 : memref<128x64xf32, #tpu.memory_space<vmem_shared>>)
      tpu.yield
    }) : () -> ()
    %mul3A_13 = arith.constant 640 : i32
    %mul3A_14 = arith.muli %arg1, %mul3A_13 : i32
    %add3A_15 = arith.constant 128 : i32
    %add3A_16 = arith.addi %mul3A_14, %add3A_15 : i32
    %multiple_of3A_17 = tpu.assume_multiple %add3A_16, 128 : i32
    "tpu.region"() ({
      %run_scoped3A = tpu.sem_alloc : memref<!tpu.dma_semaphore, #tpu.memory_space<semaphore_mem>>
      %dma_start3A = arith.constant 0 : i32
      %dma_start3A_90 = tpu.memref_slice %arg17[%multiple_of3A_17, %dma_start3A] : memref<10240x64xf32, #tpu.memory_space<vmem_shared>> -> memref<128x64xf32, #tpu.memory_space<vmem_shared>>
      %dma_start3A_91 = arith.constant 0 : i32
      %dma_start3A_92 = tpu.memref_slice %arg17[%multiple_of3A_17, %dma_start3A_91] : memref<10240x64xf32, #tpu.memory_space<vmem_shared>> -> memref<128x64xf32, #tpu.memory_space<vmem_shared>>
      tpu.enqueue_dma source(%arg15 : memref<128x64xf32, #tpu.memory_space<vmem>>) target(%dma_start3A_92 : memref<128x64xf32, #tpu.memory_space<vmem_shared>>) target_semaphore(%run_scoped3A : memref<!tpu.dma_semaphore, #tpu.memory_space<semaphore_mem>>)
      %dma_wait3A = arith.constant 0 : i32
      %dma_wait3A_93 = tpu.memref_slice %arg17[%multiple_of3A_17, %dma_wait3A] : memref<10240x64xf32, #tpu.memory_space<vmem_shared>> -> memref<128x64xf32, #tpu.memory_space<vmem_shared>>
      %dma_wait3A_94 = arith.constant 0 : i32
      %dma_wait3A_95 = tpu.memref_slice %arg17[%multiple_of3A_17, %dma_wait3A_94] : memref<10240x64xf32, #tpu.memory_space<vmem_shared>> -> memref<128x64xf32, #tpu.memory_space<vmem_shared>>
      tpu.wait_dma2 semaphore(%run_scoped3A : memref<!tpu.dma_semaphore, #tpu.memory_space<semaphore_mem>>) src(%arg15 : memref<128x64xf32, #tpu.memory_space<vmem>>) dst(%dma_wait3A_95 : memref<128x64xf32, #tpu.memory_space<vmem_shared>>)
      tpu.yield
    }) : () -> ()
    %mul3A_18 = arith.constant 640 : i32
    %mul3A_19 = arith.muli %arg1, %mul3A_18 : i32
    %add3A_20 = arith.constant 256 : i32
    %add3A_21 = arith.addi %mul3A_19, %add3A_20 : i32
    %multiple_of3A_22 = tpu.assume_multiple %add3A_21, 128 : i32
    "tpu.region"() ({
      %run_scoped3A = tpu.sem_alloc : memref<!tpu.dma_semaphore, #tpu.memory_space<semaphore_mem>>
      %dma_start3A = arith.constant 0 : i32
      %dma_start3A_90 = tpu.memref_slice %arg17[%multiple_of3A_22, %dma_start3A] : memref<10240x64xf32, #tpu.memory_space<vmem_shared>> -> memref<128x64xf32, #tpu.memory_space<vmem_shared>>
      %dma_start3A_91 = arith.constant 0 : i32
      %dma_start3A_92 = tpu.memref_slice %arg17[%multiple_of3A_22, %dma_start3A_91] : memref<10240x64xf32, #tpu.memory_space<vmem_shared>> -> memref<128x64xf32, #tpu.memory_space<vmem_shared>>
      tpu.enqueue_dma source(%arg15 : memref<128x64xf32, #tpu.memory_space<vmem>>) target(%dma_start3A_92 : memref<128x64xf32, #tpu.memory_space<vmem_shared>>) target_semaphore(%run_scoped3A : memref<!tpu.dma_semaphore, #tpu.memory_space<semaphore_mem>>)
      %dma_wait3A = arith.constant 0 : i32
      %dma_wait3A_93 = tpu.memref_slice %arg17[%multiple_of3A_22, %dma_wait3A] : memref<10240x64xf32, #tpu.memory_space<vmem_shared>> -> memref<128x64xf32, #tpu.memory_space<vmem_shared>>
      %dma_wait3A_94 = arith.constant 0 : i32
      %dma_wait3A_95 = tpu.memref_slice %arg17[%multiple_of3A_22, %dma_wait3A_94] : memref<10240x64xf32, #tpu.memory_space<vmem_shared>> -> memref<128x64xf32, #tpu.memory_space<vmem_shared>>
      tpu.wait_dma2 semaphore(%run_scoped3A : memref<!tpu.dma_semaphore, #tpu.memory_space<semaphore_mem>>) src(%arg15 : memref<128x64xf32, #tpu.memory_space<vmem>>) dst(%dma_wait3A_95 : memref<128x64xf32, #tpu.memory_space<vmem_shared>>)
      tpu.yield
    }) : () -> ()
    %mul3A_23 = arith.constant 640 : i32
    %mul3A_24 = arith.muli %arg1, %mul3A_23 : i32
    %add3A_25 = arith.constant 384 : i32
    %add3A_26 = arith.addi %mul3A_24, %add3A_25 : i32
    %multiple_of3A_27 = tpu.assume_multiple %add3A_26, 128 : i32
    "tpu.region"() ({
      %run_scoped3A = tpu.sem_alloc : memref<!tpu.dma_semaphore, #tpu.memory_space<semaphore_mem>>
      %dma_start3A = arith.constant 0 : i32
      %dma_start3A_90 = tpu.memref_slice %arg17[%multiple_of3A_27, %dma_start3A] : memref<10240x64xf32, #tpu.memory_space<vmem_shared>> -> memref<128x64xf32, #tpu.memory_space<vmem_shared>>
      %dma_start3A_91 = arith.constant 0 : i32
      %dma_start3A_92 = tpu.memref_slice %arg17[%multiple_of3A_27, %dma_start3A_91] : memref<10240x64xf32, #tpu.memory_space<vmem_shared>> -> memref<128x64xf32, #tpu.memory_space<vmem_shared>>
      tpu.enqueue_dma source(%arg15 : memref<128x64xf32, #tpu.memory_space<vmem>>) target(%dma_start3A_92 : memref<128x64xf32, #tpu.memory_space<vmem_shared>>) target_semaphore(%run_scoped3A : memref<!tpu.dma_semaphore, #tpu.memory_space<semaphore_mem>>)
      %dma_wait3A = arith.constant 0 : i32
      %dma_wait3A_93 = tpu.memref_slice %arg17[%multiple_of3A_27, %dma_wait3A] : memref<10240x64xf32, #tpu.memory_space<vmem_shared>> -> memref<128x64xf32, #tpu.memory_space<vmem_shared>>
      %dma_wait3A_94 = arith.constant 0 : i32
      %dma_wait3A_95 = tpu.memref_slice %arg17[%multiple_of3A_27, %dma_wait3A_94] : memref<10240x64xf32, #tpu.memory_space<vmem_shared>> -> memref<128x64xf32, #tpu.memory_space<vmem_shared>>
      tpu.wait_dma2 semaphore(%run_scoped3A : memref<!tpu.dma_semaphore, #tpu.memory_space<semaphore_mem>>) src(%arg15 : memref<128x64xf32, #tpu.memory_space<vmem>>) dst(%dma_wait3A_95 : memref<128x64xf32, #tpu.memory_space<vmem_shared>>)
      tpu.yield
    }) : () -> ()
    %mul3A_28 = arith.constant 640 : i32
    %mul3A_29 = arith.muli %arg1, %mul3A_28 : i32
    %add3A_30 = arith.constant 512 : i32
    %add3A_31 = arith.addi %mul3A_29, %add3A_30 : i32
    %multiple_of3A_32 = tpu.assume_multiple %add3A_31, 128 : i32
    "tpu.region"() ({
      %run_scoped3A = tpu.sem_alloc : memref<!tpu.dma_semaphore, #tpu.memory_space<semaphore_mem>>
      %dma_start3A = arith.constant 0 : i32
      %dma_start3A_90 = tpu.memref_slice %arg17[%multiple_of3A_32, %dma_start3A] : memref<10240x64xf32, #tpu.memory_space<vmem_shared>> -> memref<128x64xf32, #tpu.memory_space<vmem_shared>>
      %dma_start3A_91 = arith.constant 0 : i32
      %dma_start3A_92 = tpu.memref_slice %arg17[%multiple_of3A_32, %dma_start3A_91] : memref<10240x64xf32, #tpu.memory_space<vmem_shared>> -> memref<128x64xf32, #tpu.memory_space<vmem_shared>>
      tpu.enqueue_dma source(%arg15 : memref<128x64xf32, #tpu.memory_space<vmem>>) target(%dma_start3A_92 : memref<128x64xf32, #tpu.memory_space<vmem_shared>>) target_semaphore(%run_scoped3A : memref<!tpu.dma_semaphore, #tpu.memory_space<semaphore_mem>>)
      %dma_wait3A = arith.constant 0 : i32
      %dma_wait3A_93 = tpu.memref_slice %arg17[%multiple_of3A_32, %dma_wait3A] : memref<10240x64xf32, #tpu.memory_space<vmem_shared>> -> memref<128x64xf32, #tpu.memory_space<vmem_shared>>
      %dma_wait3A_94 = arith.constant 0 : i32
      %dma_wait3A_95 = tpu.memref_slice %arg17[%multiple_of3A_32, %dma_wait3A_94] : memref<10240x64xf32, #tpu.memory_space<vmem_shared>> -> memref<128x64xf32, #tpu.memory_space<vmem_shared>>
      tpu.wait_dma2 semaphore(%run_scoped3A : memref<!tpu.dma_semaphore, #tpu.memory_space<semaphore_mem>>) src(%arg15 : memref<128x64xf32, #tpu.memory_space<vmem>>) dst(%dma_wait3A_95 : memref<128x64xf32, #tpu.memory_space<vmem_shared>>)
      tpu.yield
    }) : () -> ()
    %barrier3A = arith.constant 0 : index
    tpu.barrier barrier_id(%barrier3A)
    %eq3A = arith.constant 0 : i32
    %eq3A_33 = arith.cmpi eq, %arg0, %eq3A : i32
    %convert_element_type3A = arith.extui %eq3A_33 : i1 to i32
    %cond3A = arith.constant 0 : i32
    %cond3A_34 = arith.cmpi ne, %convert_element_type3A, %cond3A : i32
    scf.if %cond3A_34 {
      %dma_start3A = arith.constant 0 : i32
      %dma_start3A_90 = arith.constant 0 : i32
      %dma_start3A_91 = tpu.memref_slice %arg7[%dma_start3A, %dma_start3A_90] : memref<250x80xi32, #tpu.memory_space<vmem>> -> memref<1x80xi32, #tpu.memory_space<vmem>>
      %dma_start3A_92 = tpu.memref_squeeze %dma_start3A_91 : memref<1x80xi32, #tpu.memory_space<vmem>> -> memref<80xi32, #tpu.memory_space<vmem>>
      %dma_start3A_93 = arith.constant 0 : i32
      %dma_start3A_94 = arith.constant 0 : i32
      %dma_start3A_95 = tpu.memref_slice %arg2[%dma_start3A_93, %dma_start3A_94] : memref<10000x64xf32, #tpu.memory_space<hbm>> -> memref<10000x64xf32, #tpu.memory_space<hbm>>
      tpu.enqueue_indirect_dma source(%dma_start3A_95 : memref<10000x64xf32, #tpu.memory_space<hbm>>) target(%arg9 : memref<80x64xf32, #tpu.memory_space<vmem>>) offsets(%dma_start3A_92 : memref<80xi32, #tpu.memory_space<vmem>>) semaphore(%arg19 : memref<!tpu.dma_semaphore, #tpu.memory_space<semaphore_mem>>)
    } else {
    }
    %eq3A_35 = arith.constant 1 : i32
    %eq3A_36 = arith.cmpi eq, %arg0, %eq3A_35 : i32
    %convert_element_type3A_37 = arith.extui %eq3A_36 : i1 to i32
    %cond3A_38 = arith.constant 0 : i32
    %cond3A_39 = arith.cmpi ne, %convert_element_type3A_37, %cond3A_38 : i32
    scf.if %cond3A_39 {
      %dma_start3A = arith.constant 0 : i32
      %dma_start3A_90 = arith.constant 0 : i32
      %dma_start3A_91 = tpu.memref_slice %arg7[%dma_start3A, %dma_start3A_90] : memref<250x80xi32, #tpu.memory_space<vmem>> -> memref<1x80xi32, #tpu.memory_space<vmem>>
      %dma_start3A_92 = tpu.memref_squeeze %dma_start3A_91 : memref<1x80xi32, #tpu.memory_space<vmem>> -> memref<80xi32, #tpu.memory_space<vmem>>
      %dma_start3A_93 = arith.constant 0 : i32
      %dma_start3A_94 = arith.constant 0 : i32
      %dma_start3A_95 = tpu.memref_slice %arg3[%dma_start3A_93, %dma_start3A_94] : memref<10000x64xf32, #tpu.memory_space<hbm>> -> memref<10000x64xf32, #tpu.memory_space<hbm>>
      tpu.enqueue_indirect_dma source(%dma_start3A_95 : memref<10000x64xf32, #tpu.memory_space<hbm>>) target(%arg9 : memref<80x64xf32, #tpu.memory_space<vmem>>) offsets(%dma_start3A_92 : memref<80xi32, #tpu.memory_space<vmem>>) semaphore(%arg19 : memref<!tpu.dma_semaphore, #tpu.memory_space<semaphore_mem>>)
    } else {
    }
    %eq3A_40 = arith.constant 0 : i32
    %eq3A_41 = arith.cmpi eq, %arg0, %eq3A_40 : i32
    %convert_element_type3A_42 = arith.extui %eq3A_41 : i1 to i32
    %cond3A_43 = arith.constant 0 : i32
    %cond3A_44 = arith.cmpi ne, %convert_element_type3A_42, %cond3A_43 : i32
    scf.if %cond3A_44 {
      %dma_start3A = arith.constant 1 : i32
      %dma_start3A_90 = arith.constant 0 : i32
      %dma_start3A_91 = tpu.memref_slice %arg7[%dma_start3A, %dma_start3A_90] : memref<250x80xi32, #tpu.memory_space<vmem>> -> memref<1x80xi32, #tpu.memory_space<vmem>>
      %dma_start3A_92 = tpu.memref_squeeze %dma_start3A_91 : memref<1x80xi32, #tpu.memory_space<vmem>> -> memref<80xi32, #tpu.memory_space<vmem>>
      %dma_start3A_93 = arith.constant 0 : i32
      %dma_start3A_94 = arith.constant 0 : i32
      %dma_start3A_95 = tpu.memref_slice %arg2[%dma_start3A_93, %dma_start3A_94] : memref<10000x64xf32, #tpu.memory_space<hbm>> -> memref<10000x64xf32, #tpu.memory_space<hbm>>
      tpu.enqueue_indirect_dma source(%dma_start3A_95 : memref<10000x64xf32, #tpu.memory_space<hbm>>) target(%arg10 : memref<80x64xf32, #tpu.memory_space<vmem>>) offsets(%dma_start3A_92 : memref<80xi32, #tpu.memory_space<vmem>>) semaphore(%arg20 : memref<!tpu.dma_semaphore, #tpu.memory_space<semaphore_mem>>)
    } else {
    }
    %eq3A_45 = arith.constant 1 : i32
    %eq3A_46 = arith.cmpi eq, %arg0, %eq3A_45 : i32
    %convert_element_type3A_47 = arith.extui %eq3A_46 : i1 to i32
    %cond3A_48 = arith.constant 0 : i32
    %cond3A_49 = arith.cmpi ne, %convert_element_type3A_47, %cond3A_48 : i32
    scf.if %cond3A_49 {
      %dma_start3A = arith.constant 1 : i32
      %dma_start3A_90 = arith.constant 0 : i32
      %dma_start3A_91 = tpu.memref_slice %arg7[%dma_start3A, %dma_start3A_90] : memref<250x80xi32, #tpu.memory_space<vmem>> -> memref<1x80xi32, #tpu.memory_space<vmem>>
      %dma_start3A_92 = tpu.memref_squeeze %dma_start3A_91 : memref<1x80xi32, #tpu.memory_space<vmem>> -> memref<80xi32, #tpu.memory_space<vmem>>
      %dma_start3A_93 = arith.constant 0 : i32
      %dma_start3A_94 = arith.constant 0 : i32
      %dma_start3A_95 = tpu.memref_slice %arg3[%dma_start3A_93, %dma_start3A_94] : memref<10000x64xf32, #tpu.memory_space<hbm>> -> memref<10000x64xf32, #tpu.memory_space<hbm>>
      tpu.enqueue_indirect_dma source(%dma_start3A_95 : memref<10000x64xf32, #tpu.memory_space<hbm>>) target(%arg10 : memref<80x64xf32, #tpu.memory_space<vmem>>) offsets(%dma_start3A_92 : memref<80xi32, #tpu.memory_space<vmem>>) semaphore(%arg20 : memref<!tpu.dma_semaphore, #tpu.memory_space<semaphore_mem>>)
    } else {
    }
    %eq3A_50 = arith.constant 0 : i32
    %eq3A_51 = arith.cmpi eq, %arg0, %eq3A_50 : i32
    %convert_element_type3A_52 = arith.extui %eq3A_51 : i1 to i32
    %cond3A_53 = arith.constant 0 : i32
    %cond3A_54 = arith.cmpi ne, %convert_element_type3A_52, %cond3A_53 : i32
    scf.if %cond3A_54 {
      %dma_start3A = arith.constant 2 : i32
      %dma_start3A_90 = arith.constant 0 : i32
      %dma_start3A_91 = tpu.memref_slice %arg7[%dma_start3A, %dma_start3A_90] : memref<250x80xi32, #tpu.memory_space<vmem>> -> memref<1x80xi32, #tpu.memory_space<vmem>>
      %dma_start3A_92 = tpu.memref_squeeze %dma_start3A_91 : memref<1x80xi32, #tpu.memory_space<vmem>> -> memref<80xi32, #tpu.memory_space<vmem>>
      %dma_start3A_93 = arith.constant 0 : i32
      %dma_start3A_94 = arith.constant 0 : i32
      %dma_start3A_95 = tpu.memref_slice %arg2[%dma_start3A_93, %dma_start3A_94] : memref<10000x64xf32, #tpu.memory_space<hbm>> -> memref<10000x64xf32, #tpu.memory_space<hbm>>
      tpu.enqueue_indirect_dma source(%dma_start3A_95 : memref<10000x64xf32, #tpu.memory_space<hbm>>) target(%arg11 : memref<80x64xf32, #tpu.memory_space<vmem>>) offsets(%dma_start3A_92 : memref<80xi32, #tpu.memory_space<vmem>>) semaphore(%arg21 : memref<!tpu.dma_semaphore, #tpu.memory_space<semaphore_mem>>)
    } else {
    }
    %eq3A_55 = arith.constant 1 : i32
    %eq3A_56 = arith.cmpi eq, %arg0, %eq3A_55 : i32
    %convert_element_type3A_57 = arith.extui %eq3A_56 : i1 to i32
    %cond3A_58 = arith.constant 0 : i32
    %cond3A_59 = arith.cmpi ne, %convert_element_type3A_57, %cond3A_58 : i32
    scf.if %cond3A_59 {
      %dma_start3A = arith.constant 2 : i32
      %dma_start3A_90 = arith.constant 0 : i32
      %dma_start3A_91 = tpu.memref_slice %arg7[%dma_start3A, %dma_start3A_90] : memref<250x80xi32, #tpu.memory_space<vmem>> -> memref<1x80xi32, #tpu.memory_space<vmem>>
      %dma_start3A_92 = tpu.memref_squeeze %dma_start3A_91 : memref<1x80xi32, #tpu.memory_space<vmem>> -> memref<80xi32, #tpu.memory_space<vmem>>
      %dma_start3A_93 = arith.constant 0 : i32
      %dma_start3A_94 = arith.constant 0 : i32
      %dma_start3A_95 = tpu.memref_slice %arg3[%dma_start3A_93, %dma_start3A_94] : memref<10000x64xf32, #tpu.memory_space<hbm>> -> memref<10000x64xf32, #tpu.memory_space<hbm>>
      tpu.enqueue_indirect_dma source(%dma_start3A_95 : memref<10000x64xf32, #tpu.memory_space<hbm>>) target(%arg11 : memref<80x64xf32, #tpu.memory_space<vmem>>) offsets(%dma_start3A_92 : memref<80xi32, #tpu.memory_space<vmem>>) semaphore(%arg21 : memref<!tpu.dma_semaphore, #tpu.memory_space<semaphore_mem>>)
    } else {
    }
    %eq3A_60 = arith.constant 0 : i32
    %eq3A_61 = arith.cmpi eq, %arg0, %eq3A_60 : i32
    %convert_element_type3A_62 = arith.extui %eq3A_61 : i1 to i32
    %cond3A_63 = arith.constant 0 : i32
    %cond3A_64 = arith.cmpi ne, %convert_element_type3A_62, %cond3A_63 : i32
    scf.if %cond3A_64 {
      %dma_start3A = arith.constant 3 : i32
      %dma_start3A_90 = arith.constant 0 : i32
      %dma_start3A_91 = tpu.memref_slice %arg7[%dma_start3A, %dma_start3A_90] : memref<250x80xi32, #tpu.memory_space<vmem>> -> memref<1x80xi32, #tpu.memory_space<vmem>>
      %dma_start3A_92 = tpu.memref_squeeze %dma_start3A_91 : memref<1x80xi32, #tpu.memory_space<vmem>> -> memref<80xi32, #tpu.memory_space<vmem>>
      %dma_start3A_93 = arith.constant 0 : i32
      %dma_start3A_94 = arith.constant 0 : i32
      %dma_start3A_95 = tpu.memref_slice %arg2[%dma_start3A_93, %dma_start3A_94] : memref<10000x64xf32, #tpu.memory_space<hbm>> -> memref<10000x64xf32, #tpu.memory_space<hbm>>
      tpu.enqueue_indirect_dma source(%dma_start3A_95 : memref<10000x64xf32, #tpu.memory_space<hbm>>) target(%arg12 : memref<80x64xf32, #tpu.memory_space<vmem>>) offsets(%dma_start3A_92 : memref<80xi32, #tpu.memory_space<vmem>>) semaphore(%arg22 : memref<!tpu.dma_semaphore, #tpu.memory_space<semaphore_mem>>)
    } else {
    }
    %eq3A_65 = arith.constant 1 : i32
    %eq3A_66 = arith.cmpi eq, %arg0, %eq3A_65 : i32
    %convert_element_type3A_67 = arith.extui %eq3A_66 : i1 to i32
    %cond3A_68 = arith.constant 0 : i32
    %cond3A_69 = arith.cmpi ne, %convert_element_type3A_67, %cond3A_68 : i32
    scf.if %cond3A_69 {
      %dma_start3A = arith.constant 3 : i32
      %dma_start3A_90 = arith.constant 0 : i32
      %dma_start3A_91 = tpu.memref_slice %arg7[%dma_start3A, %dma_start3A_90] : memref<250x80xi32, #tpu.memory_space<vmem>> -> memref<1x80xi32, #tpu.memory_space<vmem>>
      %dma_start3A_92 = tpu.memref_squeeze %dma_start3A_91 : memref<1x80xi32, #tpu.memory_space<vmem>> -> memref<80xi32, #tpu.memory_space<vmem>>
      %dma_start3A_93 = arith.constant 0 : i32
      %dma_start3A_94 = arith.constant 0 : i32
      %dma_start3A_95 = tpu.memref_slice %arg3[%dma_start3A_93, %dma_start3A_94] : memref<10000x64xf32, #tpu.memory_space<hbm>> -> memref<10000x64xf32, #tpu.memory_space<hbm>>
      tpu.enqueue_indirect_dma source(%dma_start3A_95 : memref<10000x64xf32, #tpu.memory_space<hbm>>) target(%arg12 : memref<80x64xf32, #tpu.memory_space<vmem>>) offsets(%dma_start3A_92 : memref<80xi32, #tpu.memory_space<vmem>>) semaphore(%arg22 : memref<!tpu.dma_semaphore, #tpu.memory_space<semaphore_mem>>)
    } else {
    }
    %eq3A_70 = arith.constant 0 : i32
    %eq3A_71 = arith.cmpi eq, %arg0, %eq3A_70 : i32
    %convert_element_type3A_72 = arith.extui %eq3A_71 : i1 to i32
    %cond3A_73 = arith.constant 0 : i32
    %cond3A_74 = arith.cmpi ne, %convert_element_type3A_72, %cond3A_73 : i32
    scf.if %cond3A_74 {
      %dma_start3A = arith.constant 4 : i32
      %dma_start3A_90 = arith.constant 0 : i32
      %dma_start3A_91 = tpu.memref_slice %arg7[%dma_start3A, %dma_start3A_90] : memref<250x80xi32, #tpu.memory_space<vmem>> -> memref<1x80xi32, #tpu.memory_space<vmem>>
      %dma_start3A_92 = tpu.memref_squeeze %dma_start3A_91 : memref<1x80xi32, #tpu.memory_space<vmem>> -> memref<80xi32, #tpu.memory_space<vmem>>
      %dma_start3A_93 = arith.constant 0 : i32
      %dma_start3A_94 = arith.constant 0 : i32
      %dma_start3A_95 = tpu.memref_slice %arg2[%dma_start3A_93, %dma_start3A_94] : memref<10000x64xf32, #tpu.memory_space<hbm>> -> memref<10000x64xf32, #tpu.memory_space<hbm>>
      tpu.enqueue_indirect_dma source(%dma_start3A_95 : memref<10000x64xf32, #tpu.memory_space<hbm>>) target(%arg13 : memref<80x64xf32, #tpu.memory_space<vmem>>) offsets(%dma_start3A_92 : memref<80xi32, #tpu.memory_space<vmem>>) semaphore(%arg23 : memref<!tpu.dma_semaphore, #tpu.memory_space<semaphore_mem>>)
    } else {
    }
    %eq3A_75 = arith.constant 1 : i32
    %eq3A_76 = arith.cmpi eq, %arg0, %eq3A_75 : i32
    %convert_element_type3A_77 = arith.extui %eq3A_76 : i1 to i32
    %cond3A_78 = arith.constant 0 : i32
    %cond3A_79 = arith.cmpi ne, %convert_element_type3A_77, %cond3A_78 : i32
    scf.if %cond3A_79 {
      %dma_start3A = arith.constant 4 : i32
      %dma_start3A_90 = arith.constant 0 : i32
      %dma_start3A_91 = tpu.memref_slice %arg7[%dma_start3A, %dma_start3A_90] : memref<250x80xi32, #tpu.memory_space<vmem>> -> memref<1x80xi32, #tpu.memory_space<vmem>>
      %dma_start3A_92 = tpu.memref_squeeze %dma_start3A_91 : memref<1x80xi32, #tpu.memory_space<vmem>> -> memref<80xi32, #tpu.memory_space<vmem>>
      %dma_start3A_93 = arith.constant 0 : i32
      %dma_start3A_94 = arith.constant 0 : i32
      %dma_start3A_95 = tpu.memref_slice %arg3[%dma_start3A_93, %dma_start3A_94] : memref<10000x64xf32, #tpu.memory_space<hbm>> -> memref<10000x64xf32, #tpu.memory_space<hbm>>
      tpu.enqueue_indirect_dma source(%dma_start3A_95 : memref<10000x64xf32, #tpu.memory_space<hbm>>) target(%arg13 : memref<80x64xf32, #tpu.memory_space<vmem>>) offsets(%dma_start3A_92 : memref<80xi32, #tpu.memory_space<vmem>>) semaphore(%arg23 : memref<!tpu.dma_semaphore, #tpu.memory_space<semaphore_mem>>)
    } else {
    }
    %scan3A_80 = arith.constant 0 : i32
    %scan3A_81 = arith.constant 0 : i32
    %scan3A_82 = arith.constant 50 : i32
    %scan3A_83 = arith.addi %scan3A_81, %scan3A_82 : i32
    %scan3A_84 = arith.constant 1 : i32
    scf.for %scan3A_90 = %scan3A_81 to %scan3A_83 step %scan3A_84  : i32 {
      %mul3A_91 = arith.constant 5 : i32
      %mul3A_92 = arith.muli %scan3A_90, %mul3A_91 : i32
      %dma_wait3A = arith.constant 0 : i32
      %dma_wait3A_93 = arith.constant 0 : i32
      %dma_wait3A_94 = tpu.memref_slice %arg7[%dma_wait3A, %dma_wait3A_93] : memref<250x80xi32, #tpu.memory_space<vmem>> -> memref<1x80xi32, #tpu.memory_space<vmem>>
      %dma_wait3A_95 = tpu.memref_squeeze %dma_wait3A_94 : memref<1x80xi32, #tpu.memory_space<vmem>> -> memref<80xi32, #tpu.memory_space<vmem>>
      %dma_wait3A_96 = arith.constant 0 : i32
      %dma_wait3A_97 = arith.constant 0 : i32
      %dma_wait3A_98 = tpu.memref_slice %arg2[%dma_wait3A_96, %dma_wait3A_97] : memref<10000x64xf32, #tpu.memory_space<hbm>> -> memref<10000x64xf32, #tpu.memory_space<hbm>>
      tpu.wait_indirect_dma semaphore(%arg19 : memref<!tpu.dma_semaphore, #tpu.memory_space<semaphore_mem>>) src(%dma_wait3A_98 : memref<10000x64xf32, #tpu.memory_space<hbm>>) dst(%arg9 : memref<80x64xf32, #tpu.memory_space<vmem>>)
      %add3A_99 = arith.constant 0 : i32
      %add3A_100 = arith.addi %mul3A_92, %add3A_99 : i32
      "tpu.region"() ({
        %run_scoped3A = tpu.sem_alloc : memref<!tpu.dma_semaphore, #tpu.memory_space<semaphore_mem>>
        %dma_start3A = arith.constant 0 : i32
        %dma_start3A_181 = tpu.memref_slice %arg8[%add3A_100, %dma_start3A] : memref<250x80xi32, #tpu.memory_space<vmem>> -> memref<1x80xi32, #tpu.memory_space<vmem>>
        %dma_start3A_182 = tpu.memref_squeeze %dma_start3A_181 : memref<1x80xi32, #tpu.memory_space<vmem>> -> memref<80xi32, #tpu.memory_space<vmem>>
        %dma_start3A_183 = arith.constant 0 : i32
        %dma_start3A_184 = arith.constant 0 : i32
        %dma_start3A_185 = tpu.memref_slice %arg17[%dma_start3A_183, %dma_start3A_184] : memref<10240x64xf32, #tpu.memory_space<vmem_shared>> -> memref<10240x64xf32, #tpu.memory_space<vmem_shared>>
        tpu.enqueue_indirect_dma source(%arg9 : memref<80x64xf32, #tpu.memory_space<vmem>>) target(%dma_start3A_185 : memref<10240x64xf32, #tpu.memory_space<vmem_shared>>) offsets(%dma_start3A_182 : memref<80xi32, #tpu.memory_space<vmem>>) semaphore(%run_scoped3A : memref<!tpu.dma_semaphore, #tpu.memory_space<semaphore_mem>>) {add = true}
        %dma_wait3A_186 = arith.constant 0 : i32
        %dma_wait3A_187 = tpu.memref_slice %arg8[%add3A_100, %dma_wait3A_186] : memref<250x80xi32, #tpu.memory_space<vmem>> -> memref<1x80xi32, #tpu.memory_space<vmem>>
        %dma_wait3A_188 = tpu.memref_squeeze %dma_wait3A_187 : memref<1x80xi32, #tpu.memory_space<vmem>> -> memref<80xi32, #tpu.memory_space<vmem>>
        %dma_wait3A_189 = arith.constant 0 : i32
        %dma_wait3A_190 = arith.constant 0 : i32
        %dma_wait3A_191 = tpu.memref_slice %arg17[%dma_wait3A_189, %dma_wait3A_190] : memref<10240x64xf32, #tpu.memory_space<vmem_shared>> -> memref<10240x64xf32, #tpu.memory_space<vmem_shared>>
        tpu.wait_indirect_dma semaphore(%run_scoped3A : memref<!tpu.dma_semaphore, #tpu.memory_space<semaphore_mem>>) src(%arg9 : memref<80x64xf32, #tpu.memory_space<vmem>>) dst(%dma_wait3A_191 : memref<10240x64xf32, #tpu.memory_space<vmem_shared>>)
        tpu.yield
      }) : () -> ()
      %add3A_101 = arith.constant 0 : i32
      %add3A_102 = arith.addi %mul3A_92, %add3A_101 : i32
      %add3A_103 = arith.constant 5 : i32
      %add3A_104 = arith.addi %add3A_102, %add3A_103 : i32
      %lt3A = arith.constant 250 : i32
      %lt3A_105 = arith.cmpi slt, %add3A_104, %lt3A : i32
      %convert_element_type3A_106 = arith.extui %lt3A_105 : i1 to i32
      %cond3A_107 = arith.constant 0 : i32
      %cond3A_108 = arith.cmpi ne, %convert_element_type3A_106, %cond3A_107 : i32
      scf.if %cond3A_108 {
        %add3A_181 = arith.constant 0 : i32
        %add3A_182 = arith.addi %mul3A_92, %add3A_181 : i32
        %add3A_183 = arith.constant 5 : i32
        %add3A_184 = arith.addi %add3A_182, %add3A_183 : i32
        %eq3A_185 = arith.constant 0 : i32
        %eq3A_186 = arith.cmpi eq, %arg0, %eq3A_185 : i32
        %convert_element_type3A_187 = arith.extui %eq3A_186 : i1 to i32
        %cond3A_188 = arith.constant 0 : i32
        %cond3A_189 = arith.cmpi ne, %convert_element_type3A_187, %cond3A_188 : i32
        scf.if %cond3A_189 {
          %dma_start3A = arith.constant 0 : i32
          %dma_start3A_195 = tpu.memref_slice %arg7[%add3A_184, %dma_start3A] : memref<250x80xi32, #tpu.memory_space<vmem>> -> memref<1x80xi32, #tpu.memory_space<vmem>>
          %dma_start3A_196 = tpu.memref_squeeze %dma_start3A_195 : memref<1x80xi32, #tpu.memory_space<vmem>> -> memref<80xi32, #tpu.memory_space<vmem>>
          %dma_start3A_197 = arith.constant 0 : i32
          %dma_start3A_198 = arith.constant 0 : i32
          %dma_start3A_199 = tpu.memref_slice %arg2[%dma_start3A_197, %dma_start3A_198] : memref<10000x64xf32, #tpu.memory_space<hbm>> -> memref<10000x64xf32, #tpu.memory_space<hbm>>
          tpu.enqueue_indirect_dma source(%dma_start3A_199 : memref<10000x64xf32, #tpu.memory_space<hbm>>) target(%arg9 : memref<80x64xf32, #tpu.memory_space<vmem>>) offsets(%dma_start3A_196 : memref<80xi32, #tpu.memory_space<vmem>>) semaphore(%arg19 : memref<!tpu.dma_semaphore, #tpu.memory_space<semaphore_mem>>)
        } else {
        }
        %eq3A_190 = arith.constant 1 : i32
        %eq3A_191 = arith.cmpi eq, %arg0, %eq3A_190 : i32
        %convert_element_type3A_192 = arith.extui %eq3A_191 : i1 to i32
        %cond3A_193 = arith.constant 0 : i32
        %cond3A_194 = arith.cmpi ne, %convert_element_type3A_192, %cond3A_193 : i32
        scf.if %cond3A_194 {
          %dma_start3A = arith.constant 0 : i32
          %dma_start3A_195 = tpu.memref_slice %arg7[%add3A_184, %dma_start3A] : memref<250x80xi32, #tpu.memory_space<vmem>> -> memref<1x80xi32, #tpu.memory_space<vmem>>
          %dma_start3A_196 = tpu.memref_squeeze %dma_start3A_195 : memref<1x80xi32, #tpu.memory_space<vmem>> -> memref<80xi32, #tpu.memory_space<vmem>>
          %dma_start3A_197 = arith.constant 0 : i32
          %dma_start3A_198 = arith.constant 0 : i32
          %dma_start3A_199 = tpu.memref_slice %arg3[%dma_start3A_197, %dma_start3A_198] : memref<10000x64xf32, #tpu.memory_space<hbm>> -> memref<10000x64xf32, #tpu.memory_space<hbm>>
          tpu.enqueue_indirect_dma source(%dma_start3A_199 : memref<10000x64xf32, #tpu.memory_space<hbm>>) target(%arg9 : memref<80x64xf32, #tpu.memory_space<vmem>>) offsets(%dma_start3A_196 : memref<80xi32, #tpu.memory_space<vmem>>) semaphore(%arg19 : memref<!tpu.dma_semaphore, #tpu.memory_space<semaphore_mem>>)
        } else {
        }
      } else {
      }
      %dma_wait3A_109 = arith.constant 0 : i32
      %dma_wait3A_110 = arith.constant 0 : i32
      %dma_wait3A_111 = tpu.memref_slice %arg7[%dma_wait3A_109, %dma_wait3A_110] : memref<250x80xi32, #tpu.memory_space<vmem>> -> memref<1x80xi32, #tpu.memory_space<vmem>>
      %dma_wait3A_112 = tpu.memref_squeeze %dma_wait3A_111 : memref<1x80xi32, #tpu.memory_space<vmem>> -> memref<80xi32, #tpu.memory_space<vmem>>
      %dma_wait3A_113 = arith.constant 0 : i32
      %dma_wait3A_114 = arith.constant 0 : i32
      %dma_wait3A_115 = tpu.memref_slice %arg2[%dma_wait3A_113, %dma_wait3A_114] : memref<10000x64xf32, #tpu.memory_space<hbm>> -> memref<10000x64xf32, #tpu.memory_space<hbm>>
      tpu.wait_indirect_dma semaphore(%arg20 : memref<!tpu.dma_semaphore, #tpu.memory_space<semaphore_mem>>) src(%dma_wait3A_115 : memref<10000x64xf32, #tpu.memory_space<hbm>>) dst(%arg10 : memref<80x64xf32, #tpu.memory_space<vmem>>)
      %add3A_116 = arith.constant 1 : i32
      %add3A_117 = arith.addi %mul3A_92, %add3A_116 : i32
      "tpu.region"() ({
        %run_scoped3A = tpu.sem_alloc : memref<!tpu.dma_semaphore, #tpu.memory_space<semaphore_mem>>
        %dma_start3A = arith.constant 0 : i32
        %dma_start3A_181 = tpu.memref_slice %arg8[%add3A_117, %dma_start3A] : memref<250x80xi32, #tpu.memory_space<vmem>> -> memref<1x80xi32, #tpu.memory_space<vmem>>
        %dma_start3A_182 = tpu.memref_squeeze %dma_start3A_181 : memref<1x80xi32, #tpu.memory_space<vmem>> -> memref<80xi32, #tpu.memory_space<vmem>>
        %dma_start3A_183 = arith.constant 0 : i32
        %dma_start3A_184 = arith.constant 0 : i32
        %dma_start3A_185 = tpu.memref_slice %arg17[%dma_start3A_183, %dma_start3A_184] : memref<10240x64xf32, #tpu.memory_space<vmem_shared>> -> memref<10240x64xf32, #tpu.memory_space<vmem_shared>>
        tpu.enqueue_indirect_dma source(%arg10 : memref<80x64xf32, #tpu.memory_space<vmem>>) target(%dma_start3A_185 : memref<10240x64xf32, #tpu.memory_space<vmem_shared>>) offsets(%dma_start3A_182 : memref<80xi32, #tpu.memory_space<vmem>>) semaphore(%run_scoped3A : memref<!tpu.dma_semaphore, #tpu.memory_space<semaphore_mem>>) {add = true}
        %dma_wait3A_186 = arith.constant 0 : i32
        %dma_wait3A_187 = tpu.memref_slice %arg8[%add3A_117, %dma_wait3A_186] : memref<250x80xi32, #tpu.memory_space<vmem>> -> memref<1x80xi32, #tpu.memory_space<vmem>>
        %dma_wait3A_188 = tpu.memref_squeeze %dma_wait3A_187 : memref<1x80xi32, #tpu.memory_space<vmem>> -> memref<80xi32, #tpu.memory_space<vmem>>
        %dma_wait3A_189 = arith.constant 0 : i32
        %dma_wait3A_190 = arith.constant 0 : i32
        %dma_wait3A_191 = tpu.memref_slice %arg17[%dma_wait3A_189, %dma_wait3A_190] : memref<10240x64xf32, #tpu.memory_space<vmem_shared>> -> memref<10240x64xf32, #tpu.memory_space<vmem_shared>>
        tpu.wait_indirect_dma semaphore(%run_scoped3A : memref<!tpu.dma_semaphore, #tpu.memory_space<semaphore_mem>>) src(%arg10 : memref<80x64xf32, #tpu.memory_space<vmem>>) dst(%dma_wait3A_191 : memref<10240x64xf32, #tpu.memory_space<vmem_shared>>)
        tpu.yield
      }) : () -> ()
      %add3A_118 = arith.constant 1 : i32
      %add3A_119 = arith.addi %mul3A_92, %add3A_118 : i32
      %add3A_120 = arith.constant 5 : i32
      %add3A_121 = arith.addi %add3A_119, %add3A_120 : i32
      %lt3A_122 = arith.constant 250 : i32
      %lt3A_123 = arith.cmpi slt, %add3A_121, %lt3A_122 : i32
      %convert_element_type3A_124 = arith.extui %lt3A_123 : i1 to i32
      %cond3A_125 = arith.constant 0 : i32
      %cond3A_126 = arith.cmpi ne, %convert_element_type3A_124, %cond3A_125 : i32
      scf.if %cond3A_126 {
        %add3A_181 = arith.constant 1 : i32
        %add3A_182 = arith.addi %mul3A_92, %add3A_181 : i32
        %add3A_183 = arith.constant 5 : i32
        %add3A_184 = arith.addi %add3A_182, %add3A_183 : i32
        %eq3A_185 = arith.constant 0 : i32
        %eq3A_186 = arith.cmpi eq, %arg0, %eq3A_185 : i32
        %convert_element_type3A_187 = arith.extui %eq3A_186 : i1 to i32
        %cond3A_188 = arith.constant 0 : i32
        %cond3A_189 = arith.cmpi ne, %convert_element_type3A_187, %cond3A_188 : i32
        scf.if %cond3A_189 {
          %dma_start3A = arith.constant 0 : i32
          %dma_start3A_195 = tpu.memref_slice %arg7[%add3A_184, %dma_start3A] : memref<250x80xi32, #tpu.memory_space<vmem>> -> memref<1x80xi32, #tpu.memory_space<vmem>>
          %dma_start3A_196 = tpu.memref_squeeze %dma_start3A_195 : memref<1x80xi32, #tpu.memory_space<vmem>> -> memref<80xi32, #tpu.memory_space<vmem>>
          %dma_start3A_197 = arith.constant 0 : i32
          %dma_start3A_198 = arith.constant 0 : i32
          %dma_start3A_199 = tpu.memref_slice %arg2[%dma_start3A_197, %dma_start3A_198] : memref<10000x64xf32, #tpu.memory_space<hbm>> -> memref<10000x64xf32, #tpu.memory_space<hbm>>
          tpu.enqueue_indirect_dma source(%dma_start3A_199 : memref<10000x64xf32, #tpu.memory_space<hbm>>) target(%arg10 : memref<80x64xf32, #tpu.memory_space<vmem>>) offsets(%dma_start3A_196 : memref<80xi32, #tpu.memory_space<vmem>>) semaphore(%arg20 : memref<!tpu.dma_semaphore, #tpu.memory_space<semaphore_mem>>)
        } else {
        }
        %eq3A_190 = arith.constant 1 : i32
        %eq3A_191 = arith.cmpi eq, %arg0, %eq3A_190 : i32
        %convert_element_type3A_192 = arith.extui %eq3A_191 : i1 to i32
        %cond3A_193 = arith.constant 0 : i32
        %cond3A_194 = arith.cmpi ne, %convert_element_type3A_192, %cond3A_193 : i32
        scf.if %cond3A_194 {
          %dma_start3A = arith.constant 0 : i32
          %dma_start3A_195 = tpu.memref_slice %arg7[%add3A_184, %dma_start3A] : memref<250x80xi32, #tpu.memory_space<vmem>> -> memref<1x80xi32, #tpu.memory_space<vmem>>
          %dma_start3A_196 = tpu.memref_squeeze %dma_start3A_195 : memref<1x80xi32, #tpu.memory_space<vmem>> -> memref<80xi32, #tpu.memory_space<vmem>>
          %dma_start3A_197 = arith.constant 0 : i32
          %dma_start3A_198 = arith.constant 0 : i32
          %dma_start3A_199 = tpu.memref_slice %arg3[%dma_start3A_197, %dma_start3A_198] : memref<10000x64xf32, #tpu.memory_space<hbm>> -> memref<10000x64xf32, #tpu.memory_space<hbm>>
          tpu.enqueue_indirect_dma source(%dma_start3A_199 : memref<10000x64xf32, #tpu.memory_space<hbm>>) target(%arg10 : memref<80x64xf32, #tpu.memory_space<vmem>>) offsets(%dma_start3A_196 : memref<80xi32, #tpu.memory_space<vmem>>) semaphore(%arg20 : memref<!tpu.dma_semaphore, #tpu.memory_space<semaphore_mem>>)
        } else {
        }
      } else {
      }
      %dma_wait3A_127 = arith.constant 0 : i32
      %dma_wait3A_128 = arith.constant 0 : i32
      %dma_wait3A_129 = tpu.memref_slice %arg7[%dma_wait3A_127, %dma_wait3A_128] : memref<250x80xi32, #tpu.memory_space<vmem>> -> memref<1x80xi32, #tpu.memory_space<vmem>>
      %dma_wait3A_130 = tpu.memref_squeeze %dma_wait3A_129 : memref<1x80xi32, #tpu.memory_space<vmem>> -> memref<80xi32, #tpu.memory_space<vmem>>
      %dma_wait3A_131 = arith.constant 0 : i32
      %dma_wait3A_132 = arith.constant 0 : i32
      %dma_wait3A_133 = tpu.memref_slice %arg2[%dma_wait3A_131, %dma_wait3A_132] : memref<10000x64xf32, #tpu.memory_space<hbm>> -> memref<10000x64xf32, #tpu.memory_space<hbm>>
      tpu.wait_indirect_dma semaphore(%arg21 : memref<!tpu.dma_semaphore, #tpu.memory_space<semaphore_mem>>) src(%dma_wait3A_133 : memref<10000x64xf32, #tpu.memory_space<hbm>>) dst(%arg11 : memref<80x64xf32, #tpu.memory_space<vmem>>)
      %add3A_134 = arith.constant 2 : i32
      %add3A_135 = arith.addi %mul3A_92, %add3A_134 : i32
      "tpu.region"() ({
        %run_scoped3A = tpu.sem_alloc : memref<!tpu.dma_semaphore, #tpu.memory_space<semaphore_mem>>
        %dma_start3A = arith.constant 0 : i32
        %dma_start3A_181 = tpu.memref_slice %arg8[%add3A_135, %dma_start3A] : memref<250x80xi32, #tpu.memory_space<vmem>> -> memref<1x80xi32, #tpu.memory_space<vmem>>
        %dma_start3A_182 = tpu.memref_squeeze %dma_start3A_181 : memref<1x80xi32, #tpu.memory_space<vmem>> -> memref<80xi32, #tpu.memory_space<vmem>>
        %dma_start3A_183 = arith.constant 0 : i32
        %dma_start3A_184 = arith.constant 0 : i32
        %dma_start3A_185 = tpu.memref_slice %arg17[%dma_start3A_183, %dma_start3A_184] : memref<10240x64xf32, #tpu.memory_space<vmem_shared>> -> memref<10240x64xf32, #tpu.memory_space<vmem_shared>>
        tpu.enqueue_indirect_dma source(%arg11 : memref<80x64xf32, #tpu.memory_space<vmem>>) target(%dma_start3A_185 : memref<10240x64xf32, #tpu.memory_space<vmem_shared>>) offsets(%dma_start3A_182 : memref<80xi32, #tpu.memory_space<vmem>>) semaphore(%run_scoped3A : memref<!tpu.dma_semaphore, #tpu.memory_space<semaphore_mem>>) {add = true}
        %dma_wait3A_186 = arith.constant 0 : i32
        %dma_wait3A_187 = tpu.memref_slice %arg8[%add3A_135, %dma_wait3A_186] : memref<250x80xi32, #tpu.memory_space<vmem>> -> memref<1x80xi32, #tpu.memory_space<vmem>>
        %dma_wait3A_188 = tpu.memref_squeeze %dma_wait3A_187 : memref<1x80xi32, #tpu.memory_space<vmem>> -> memref<80xi32, #tpu.memory_space<vmem>>
        %dma_wait3A_189 = arith.constant 0 : i32
        %dma_wait3A_190 = arith.constant 0 : i32
        %dma_wait3A_191 = tpu.memref_slice %arg17[%dma_wait3A_189, %dma_wait3A_190] : memref<10240x64xf32, #tpu.memory_space<vmem_shared>> -> memref<10240x64xf32, #tpu.memory_space<vmem_shared>>
        tpu.wait_indirect_dma semaphore(%run_scoped3A : memref<!tpu.dma_semaphore, #tpu.memory_space<semaphore_mem>>) src(%arg11 : memref<80x64xf32, #tpu.memory_space<vmem>>) dst(%dma_wait3A_191 : memref<10240x64xf32, #tpu.memory_space<vmem_shared>>)
        tpu.yield
      }) : () -> ()
      %add3A_136 = arith.constant 2 : i32
      %add3A_137 = arith.addi %mul3A_92, %add3A_136 : i32
      %add3A_138 = arith.constant 5 : i32
      %add3A_139 = arith.addi %add3A_137, %add3A_138 : i32
      %lt3A_140 = arith.constant 250 : i32
      %lt3A_141 = arith.cmpi slt, %add3A_139, %lt3A_140 : i32
      %convert_element_type3A_142 = arith.extui %lt3A_141 : i1 to i32
      %cond3A_143 = arith.constant 0 : i32
      %cond3A_144 = arith.cmpi ne, %convert_element_type3A_142, %cond3A_143 : i32
      scf.if %cond3A_144 {
        %add3A_181 = arith.constant 2 : i32
        %add3A_182 = arith.addi %mul3A_92, %add3A_181 : i32
        %add3A_183 = arith.constant 5 : i32
        %add3A_184 = arith.addi %add3A_182, %add3A_183 : i32
        %eq3A_185 = arith.constant 0 : i32
        %eq3A_186 = arith.cmpi eq, %arg0, %eq3A_185 : i32
        %convert_element_type3A_187 = arith.extui %eq3A_186 : i1 to i32
        %cond3A_188 = arith.constant 0 : i32
        %cond3A_189 = arith.cmpi ne, %convert_element_type3A_187, %cond3A_188 : i32
        scf.if %cond3A_189 {
          %dma_start3A = arith.constant 0 : i32
          %dma_start3A_195 = tpu.memref_slice %arg7[%add3A_184, %dma_start3A] : memref<250x80xi32, #tpu.memory_space<vmem>> -> memref<1x80xi32, #tpu.memory_space<vmem>>
          %dma_start3A_196 = tpu.memref_squeeze %dma_start3A_195 : memref<1x80xi32, #tpu.memory_space<vmem>> -> memref<80xi32, #tpu.memory_space<vmem>>
          %dma_start3A_197 = arith.constant 0 : i32
          %dma_start3A_198 = arith.constant 0 : i32
          %dma_start3A_199 = tpu.memref_slice %arg2[%dma_start3A_197, %dma_start3A_198] : memref<10000x64xf32, #tpu.memory_space<hbm>> -> memref<10000x64xf32, #tpu.memory_space<hbm>>
          tpu.enqueue_indirect_dma source(%dma_start3A_199 : memref<10000x64xf32, #tpu.memory_space<hbm>>) target(%arg11 : memref<80x64xf32, #tpu.memory_space<vmem>>) offsets(%dma_start3A_196 : memref<80xi32, #tpu.memory_space<vmem>>) semaphore(%arg21 : memref<!tpu.dma_semaphore, #tpu.memory_space<semaphore_mem>>)
        } else {
        }
        %eq3A_190 = arith.constant 1 : i32
        %eq3A_191 = arith.cmpi eq, %arg0, %eq3A_190 : i32
        %convert_element_type3A_192 = arith.extui %eq3A_191 : i1 to i32
        %cond3A_193 = arith.constant 0 : i32
        %cond3A_194 = arith.cmpi ne, %convert_element_type3A_192, %cond3A_193 : i32
        scf.if %cond3A_194 {
          %dma_start3A = arith.constant 0 : i32
          %dma_start3A_195 = tpu.memref_slice %arg7[%add3A_184, %dma_start3A] : memref<250x80xi32, #tpu.memory_space<vmem>> -> memref<1x80xi32, #tpu.memory_space<vmem>>
          %dma_start3A_196 = tpu.memref_squeeze %dma_start3A_195 : memref<1x80xi32, #tpu.memory_space<vmem>> -> memref<80xi32, #tpu.memory_space<vmem>>
          %dma_start3A_197 = arith.constant 0 : i32
          %dma_start3A_198 = arith.constant 0 : i32
          %dma_start3A_199 = tpu.memref_slice %arg3[%dma_start3A_197, %dma_start3A_198] : memref<10000x64xf32, #tpu.memory_space<hbm>> -> memref<10000x64xf32, #tpu.memory_space<hbm>>
          tpu.enqueue_indirect_dma source(%dma_start3A_199 : memref<10000x64xf32, #tpu.memory_space<hbm>>) target(%arg11 : memref<80x64xf32, #tpu.memory_space<vmem>>) offsets(%dma_start3A_196 : memref<80xi32, #tpu.memory_space<vmem>>) semaphore(%arg21 : memref<!tpu.dma_semaphore, #tpu.memory_space<semaphore_mem>>)
        } else {
        }
      } else {
      }
      %dma_wait3A_145 = arith.constant 0 : i32
      %dma_wait3A_146 = arith.constant 0 : i32
      %dma_wait3A_147 = tpu.memref_slice %arg7[%dma_wait3A_145, %dma_wait3A_146] : memref<250x80xi32, #tpu.memory_space<vmem>> -> memref<1x80xi32, #tpu.memory_space<vmem>>
      %dma_wait3A_148 = tpu.memref_squeeze %dma_wait3A_147 : memref<1x80xi32, #tpu.memory_space<vmem>> -> memref<80xi32, #tpu.memory_space<vmem>>
      %dma_wait3A_149 = arith.constant 0 : i32
      %dma_wait3A_150 = arith.constant 0 : i32
      %dma_wait3A_151 = tpu.memref_slice %arg2[%dma_wait3A_149, %dma_wait3A_150] : memref<10000x64xf32, #tpu.memory_space<hbm>> -> memref<10000x64xf32, #tpu.memory_space<hbm>>
      tpu.wait_indirect_dma semaphore(%arg22 : memref<!tpu.dma_semaphore, #tpu.memory_space<semaphore_mem>>) src(%dma_wait3A_151 : memref<10000x64xf32, #tpu.memory_space<hbm>>) dst(%arg12 : memref<80x64xf32, #tpu.memory_space<vmem>>)
      %add3A_152 = arith.constant 3 : i32
      %add3A_153 = arith.addi %mul3A_92, %add3A_152 : i32
      "tpu.region"() ({
        %run_scoped3A = tpu.sem_alloc : memref<!tpu.dma_semaphore, #tpu.memory_space<semaphore_mem>>
        %dma_start3A = arith.constant 0 : i32
        %dma_start3A_181 = tpu.memref_slice %arg8[%add3A_153, %dma_start3A] : memref<250x80xi32, #tpu.memory_space<vmem>> -> memref<1x80xi32, #tpu.memory_space<vmem>>
        %dma_start3A_182 = tpu.memref_squeeze %dma_start3A_181 : memref<1x80xi32, #tpu.memory_space<vmem>> -> memref<80xi32, #tpu.memory_space<vmem>>
        %dma_start3A_183 = arith.constant 0 : i32
        %dma_start3A_184 = arith.constant 0 : i32
        %dma_start3A_185 = tpu.memref_slice %arg17[%dma_start3A_183, %dma_start3A_184] : memref<10240x64xf32, #tpu.memory_space<vmem_shared>> -> memref<10240x64xf32, #tpu.memory_space<vmem_shared>>
        tpu.enqueue_indirect_dma source(%arg12 : memref<80x64xf32, #tpu.memory_space<vmem>>) target(%dma_start3A_185 : memref<10240x64xf32, #tpu.memory_space<vmem_shared>>) offsets(%dma_start3A_182 : memref<80xi32, #tpu.memory_space<vmem>>) semaphore(%run_scoped3A : memref<!tpu.dma_semaphore, #tpu.memory_space<semaphore_mem>>) {add = true}
        %dma_wait3A_186 = arith.constant 0 : i32
        %dma_wait3A_187 = tpu.memref_slice %arg8[%add3A_153, %dma_wait3A_186] : memref<250x80xi32, #tpu.memory_space<vmem>> -> memref<1x80xi32, #tpu.memory_space<vmem>>
        %dma_wait3A_188 = tpu.memref_squeeze %dma_wait3A_187 : memref<1x80xi32, #tpu.memory_space<vmem>> -> memref<80xi32, #tpu.memory_space<vmem>>
        %dma_wait3A_189 = arith.constant 0 : i32
        %dma_wait3A_190 = arith.constant 0 : i32
        %dma_wait3A_191 = tpu.memref_slice %arg17[%dma_wait3A_189, %dma_wait3A_190] : memref<10240x64xf32, #tpu.memory_space<vmem_shared>> -> memref<10240x64xf32, #tpu.memory_space<vmem_shared>>
        tpu.wait_indirect_dma semaphore(%run_scoped3A : memref<!tpu.dma_semaphore, #tpu.memory_space<semaphore_mem>>) src(%arg12 : memref<80x64xf32, #tpu.memory_space<vmem>>) dst(%dma_wait3A_191 : memref<10240x64xf32, #tpu.memory_space<vmem_shared>>)
        tpu.yield
      }) : () -> ()
      %add3A_154 = arith.constant 3 : i32
      %add3A_155 = arith.addi %mul3A_92, %add3A_154 : i32
      %add3A_156 = arith.constant 5 : i32
      %add3A_157 = arith.addi %add3A_155, %add3A_156 : i32
      %lt3A_158 = arith.constant 250 : i32
      %lt3A_159 = arith.cmpi slt, %add3A_157, %lt3A_158 : i32
      %convert_element_type3A_160 = arith.extui %lt3A_159 : i1 to i32
      %cond3A_161 = arith.constant 0 : i32
      %cond3A_162 = arith.cmpi ne, %convert_element_type3A_160, %cond3A_161 : i32
      scf.if %cond3A_162 {
        %add3A_181 = arith.constant 3 : i32
        %add3A_182 = arith.addi %mul3A_92, %add3A_181 : i32
        %add3A_183 = arith.constant 5 : i32
        %add3A_184 = arith.addi %add3A_182, %add3A_183 : i32
        %eq3A_185 = arith.constant 0 : i32
        %eq3A_186 = arith.cmpi eq, %arg0, %eq3A_185 : i32
        %convert_element_type3A_187 = arith.extui %eq3A_186 : i1 to i32
        %cond3A_188 = arith.constant 0 : i32
        %cond3A_189 = arith.cmpi ne, %convert_element_type3A_187, %cond3A_188 : i32
        scf.if %cond3A_189 {
          %dma_start3A = arith.constant 0 : i32
          %dma_start3A_195 = tpu.memref_slice %arg7[%add3A_184, %dma_start3A] : memref<250x80xi32, #tpu.memory_space<vmem>> -> memref<1x80xi32, #tpu.memory_space<vmem>>
          %dma_start3A_196 = tpu.memref_squeeze %dma_start3A_195 : memref<1x80xi32, #tpu.memory_space<vmem>> -> memref<80xi32, #tpu.memory_space<vmem>>
          %dma_start3A_197 = arith.constant 0 : i32
          %dma_start3A_198 = arith.constant 0 : i32
          %dma_start3A_199 = tpu.memref_slice %arg2[%dma_start3A_197, %dma_start3A_198] : memref<10000x64xf32, #tpu.memory_space<hbm>> -> memref<10000x64xf32, #tpu.memory_space<hbm>>
          tpu.enqueue_indirect_dma source(%dma_start3A_199 : memref<10000x64xf32, #tpu.memory_space<hbm>>) target(%arg12 : memref<80x64xf32, #tpu.memory_space<vmem>>) offsets(%dma_start3A_196 : memref<80xi32, #tpu.memory_space<vmem>>) semaphore(%arg22 : memref<!tpu.dma_semaphore, #tpu.memory_space<semaphore_mem>>)
        } else {
        }
        %eq3A_190 = arith.constant 1 : i32
        %eq3A_191 = arith.cmpi eq, %arg0, %eq3A_190 : i32
        %convert_element_type3A_192 = arith.extui %eq3A_191 : i1 to i32
        %cond3A_193 = arith.constant 0 : i32
        %cond3A_194 = arith.cmpi ne, %convert_element_type3A_192, %cond3A_193 : i32
        scf.if %cond3A_194 {
          %dma_start3A = arith.constant 0 : i32
          %dma_start3A_195 = tpu.memref_slice %arg7[%add3A_184, %dma_start3A] : memref<250x80xi32, #tpu.memory_space<vmem>> -> memref<1x80xi32, #tpu.memory_space<vmem>>
          %dma_start3A_196 = tpu.memref_squeeze %dma_start3A_195 : memref<1x80xi32, #tpu.memory_space<vmem>> -> memref<80xi32, #tpu.memory_space<vmem>>
          %dma_start3A_197 = arith.constant 0 : i32
          %dma_start3A_198 = arith.constant 0 : i32
          %dma_start3A_199 = tpu.memref_slice %arg3[%dma_start3A_197, %dma_start3A_198] : memref<10000x64xf32, #tpu.memory_space<hbm>> -> memref<10000x64xf32, #tpu.memory_space<hbm>>
          tpu.enqueue_indirect_dma source(%dma_start3A_199 : memref<10000x64xf32, #tpu.memory_space<hbm>>) target(%arg12 : memref<80x64xf32, #tpu.memory_space<vmem>>) offsets(%dma_start3A_196 : memref<80xi32, #tpu.memory_space<vmem>>) semaphore(%arg22 : memref<!tpu.dma_semaphore, #tpu.memory_space<semaphore_mem>>)
        } else {
        }
      } else {
      }
      %dma_wait3A_163 = arith.constant 0 : i32
      %dma_wait3A_164 = arith.constant 0 : i32
      %dma_wait3A_165 = tpu.memref_slice %arg7[%dma_wait3A_163, %dma_wait3A_164] : memref<250x80xi32, #tpu.memory_space<vmem>> -> memref<1x80xi32, #tpu.memory_space<vmem>>
      %dma_wait3A_166 = tpu.memref_squeeze %dma_wait3A_165 : memref<1x80xi32, #tpu.memory_space<vmem>> -> memref<80xi32, #tpu.memory_space<vmem>>
      %dma_wait3A_167 = arith.constant 0 : i32
      %dma_wait3A_168 = arith.constant 0 : i32
      %dma_wait3A_169 = tpu.memref_slice %arg2[%dma_wait3A_167, %dma_wait3A_168] : memref<10000x64xf32, #tpu.memory_space<hbm>> -> memref<10000x64xf32, #tpu.memory_space<hbm>>
      tpu.wait_indirect_dma semaphore(%arg23 : memref<!tpu.dma_semaphore, #tpu.memory_space<semaphore_mem>>) src(%dma_wait3A_169 : memref<10000x64xf32, #tpu.memory_space<hbm>>) dst(%arg13 : memref<80x64xf32, #tpu.memory_space<vmem>>)
      %add3A_170 = arith.constant 4 : i32
      %add3A_171 = arith.addi %mul3A_92, %add3A_170 : i32
      "tpu.region"() ({
        %run_scoped3A = tpu.sem_alloc : memref<!tpu.dma_semaphore, #tpu.memory_space<semaphore_mem>>
        %dma_start3A = arith.constant 0 : i32
        %dma_start3A_181 = tpu.memref_slice %arg8[%add3A_171, %dma_start3A] : memref<250x80xi32, #tpu.memory_space<vmem>> -> memref<1x80xi32, #tpu.memory_space<vmem>>
        %dma_start3A_182 = tpu.memref_squeeze %dma_start3A_181 : memref<1x80xi32, #tpu.memory_space<vmem>> -> memref<80xi32, #tpu.memory_space<vmem>>
        %dma_start3A_183 = arith.constant 0 : i32
        %dma_start3A_184 = arith.constant 0 : i32
        %dma_start3A_185 = tpu.memref_slice %arg17[%dma_start3A_183, %dma_start3A_184] : memref<10240x64xf32, #tpu.memory_space<vmem_shared>> -> memref<10240x64xf32, #tpu.memory_space<vmem_shared>>
        tpu.enqueue_indirect_dma source(%arg13 : memref<80x64xf32, #tpu.memory_space<vmem>>) target(%dma_start3A_185 : memref<10240x64xf32, #tpu.memory_space<vmem_shared>>) offsets(%dma_start3A_182 : memref<80xi32, #tpu.memory_space<vmem>>) semaphore(%run_scoped3A : memref<!tpu.dma_semaphore, #tpu.memory_space<semaphore_mem>>) {add = true}
        %dma_wait3A_186 = arith.constant 0 : i32
        %dma_wait3A_187 = tpu.memref_slice %arg8[%add3A_171, %dma_wait3A_186] : memref<250x80xi32, #tpu.memory_space<vmem>> -> memref<1x80xi32, #tpu.memory_space<vmem>>
        %dma_wait3A_188 = tpu.memref_squeeze %dma_wait3A_187 : memref<1x80xi32, #tpu.memory_space<vmem>> -> memref<80xi32, #tpu.memory_space<vmem>>
        %dma_wait3A_189 = arith.constant 0 : i32
        %dma_wait3A_190 = arith.constant 0 : i32
        %dma_wait3A_191 = tpu.memref_slice %arg17[%dma_wait3A_189, %dma_wait3A_190] : memref<10240x64xf32, #tpu.memory_space<vmem_shared>> -> memref<10240x64xf32, #tpu.memory_space<vmem_shared>>
        tpu.wait_indirect_dma semaphore(%run_scoped3A : memref<!tpu.dma_semaphore, #tpu.memory_space<semaphore_mem>>) src(%arg13 : memref<80x64xf32, #tpu.memory_space<vmem>>) dst(%dma_wait3A_191 : memref<10240x64xf32, #tpu.memory_space<vmem_shared>>)
        tpu.yield
      }) : () -> ()
      %add3A_172 = arith.constant 4 : i32
      %add3A_173 = arith.addi %mul3A_92, %add3A_172 : i32
      %add3A_174 = arith.constant 5 : i32
      %add3A_175 = arith.addi %add3A_173, %add3A_174 : i32
      %lt3A_176 = arith.constant 250 : i32
      %lt3A_177 = arith.cmpi slt, %add3A_175, %lt3A_176 : i32
      %convert_element_type3A_178 = arith.extui %lt3A_177 : i1 to i32
      %cond3A_179 = arith.constant 0 : i32
      %cond3A_180 = arith.cmpi ne, %convert_element_type3A_178, %cond3A_179 : i32
      scf.if %cond3A_180 {
        %add3A_181 = arith.constant 4 : i32
        %add3A_182 = arith.addi %mul3A_92, %add3A_181 : i32
        %add3A_183 = arith.constant 5 : i32
        %add3A_184 = arith.addi %add3A_182, %add3A_183 : i32
        %eq3A_185 = arith.constant 0 : i32
        %eq3A_186 = arith.cmpi eq, %arg0, %eq3A_185 : i32
        %convert_element_type3A_187 = arith.extui %eq3A_186 : i1 to i32
        %cond3A_188 = arith.constant 0 : i32
        %cond3A_189 = arith.cmpi ne, %convert_element_type3A_187, %cond3A_188 : i32
        scf.if %cond3A_189 {
          %dma_start3A = arith.constant 0 : i32
          %dma_start3A_195 = tpu.memref_slice %arg7[%add3A_184, %dma_start3A] : memref<250x80xi32, #tpu.memory_space<vmem>> -> memref<1x80xi32, #tpu.memory_space<vmem>>
          %dma_start3A_196 = tpu.memref_squeeze %dma_start3A_195 : memref<1x80xi32, #tpu.memory_space<vmem>> -> memref<80xi32, #tpu.memory_space<vmem>>
          %dma_start3A_197 = arith.constant 0 : i32
          %dma_start3A_198 = arith.constant 0 : i32
          %dma_start3A_199 = tpu.memref_slice %arg2[%dma_start3A_197, %dma_start3A_198] : memref<10000x64xf32, #tpu.memory_space<hbm>> -> memref<10000x64xf32, #tpu.memory_space<hbm>>
          tpu.enqueue_indirect_dma source(%dma_start3A_199 : memref<10000x64xf32, #tpu.memory_space<hbm>>) target(%arg13 : memref<80x64xf32, #tpu.memory_space<vmem>>) offsets(%dma_start3A_196 : memref<80xi32, #tpu.memory_space<vmem>>) semaphore(%arg23 : memref<!tpu.dma_semaphore, #tpu.memory_space<semaphore_mem>>)
        } else {
        }
        %eq3A_190 = arith.constant 1 : i32
        %eq3A_191 = arith.cmpi eq, %arg0, %eq3A_190 : i32
        %convert_element_type3A_192 = arith.extui %eq3A_191 : i1 to i32
        %cond3A_193 = arith.constant 0 : i32
        %cond3A_194 = arith.cmpi ne, %convert_element_type3A_192, %cond3A_193 : i32
        scf.if %cond3A_194 {
          %dma_start3A = arith.constant 0 : i32
          %dma_start3A_195 = tpu.memref_slice %arg7[%add3A_184, %dma_start3A] : memref<250x80xi32, #tpu.memory_space<vmem>> -> memref<1x80xi32, #tpu.memory_space<vmem>>
          %dma_start3A_196 = tpu.memref_squeeze %dma_start3A_195 : memref<1x80xi32, #tpu.memory_space<vmem>> -> memref<80xi32, #tpu.memory_space<vmem>>
          %dma_start3A_197 = arith.constant 0 : i32
          %dma_start3A_198 = arith.constant 0 : i32
          %dma_start3A_199 = tpu.memref_slice %arg3[%dma_start3A_197, %dma_start3A_198] : memref<10000x64xf32, #tpu.memory_space<hbm>> -> memref<10000x64xf32, #tpu.memory_space<hbm>>
          tpu.enqueue_indirect_dma source(%dma_start3A_199 : memref<10000x64xf32, #tpu.memory_space<hbm>>) target(%arg13 : memref<80x64xf32, #tpu.memory_space<vmem>>) offsets(%dma_start3A_196 : memref<80xi32, #tpu.memory_space<vmem>>) semaphore(%arg23 : memref<!tpu.dma_semaphore, #tpu.memory_space<semaphore_mem>>)
        } else {
        }
      } else {
      }
    }
    %scan3A_85 = arith.constant 50 : i32
    %barrier3A_86 = arith.constant 0 : index
    tpu.barrier barrier_id(%barrier3A_86)
    %mul3A_87 = arith.constant 640 : i32
    %mul3A_88 = arith.muli %arg1, %mul3A_87 : i32
    %multiple_of3A_89 = tpu.assume_multiple %mul3A_88, 640 : i32
    "tpu.region"() ({
      %run_scoped3A = tpu.sem_alloc : memref<!tpu.dma_semaphore, #tpu.memory_space<semaphore_mem>>
      %dma_start3A = arith.constant 0 : i32
      %dma_start3A_90 = tpu.memref_slice %arg6[%arg0, %multiple_of3A_89, %dma_start3A] : memref<2x10240x64xf32, #tpu.memory_space<hbm>> -> memref<1x640x64xf32, #tpu.memory_space<hbm>>
      %dma_start3A_91 = tpu.memref_squeeze %dma_start3A_90 : memref<1x640x64xf32, #tpu.memory_space<hbm>> -> memref<640x64xf32, #tpu.memory_space<hbm>>
      %dma_start3A_92 = arith.constant 0 : i32
      %dma_start3A_93 = tpu.memref_slice %arg17[%multiple_of3A_89, %dma_start3A_92] : memref<10240x64xf32, #tpu.memory_space<vmem_shared>> -> memref<640x64xf32, #tpu.memory_space<vmem_shared>>
      tpu.enqueue_dma source(%dma_start3A_93 : memref<640x64xf32, #tpu.memory_space<vmem_shared>>) target(%dma_start3A_91 : memref<640x64xf32, #tpu.memory_space<hbm>>) target_semaphore(%run_scoped3A : memref<!tpu.dma_semaphore, #tpu.memory_space<semaphore_mem>>)
      %dma_wait3A = arith.constant 0 : i32
      %dma_wait3A_94 = tpu.memref_slice %arg6[%arg0, %multiple_of3A_89, %dma_wait3A] : memref<2x10240x64xf32, #tpu.memory_space<hbm>> -> memref<1x640x64xf32, #tpu.memory_space<hbm>>
      %dma_wait3A_95 = tpu.memref_squeeze %dma_wait3A_94 : memref<1x640x64xf32, #tpu.memory_space<hbm>> -> memref<640x64xf32, #tpu.memory_space<hbm>>
      %dma_wait3A_96 = arith.constant 0 : i32
      %dma_wait3A_97 = tpu.memref_slice %arg17[%multiple_of3A_89, %dma_wait3A_96] : memref<10240x64xf32, #tpu.memory_space<vmem_shared>> -> memref<640x64xf32, #tpu.memory_space<vmem_shared>>
      tpu.wait_dma2 semaphore(%run_scoped3A : memref<!tpu.dma_semaphore, #tpu.memory_space<semaphore_mem>>) src(%dma_wait3A_97 : memref<640x64xf32, #tpu.memory_space<vmem_shared>>) dst(%dma_wait3A_95 : memref<640x64xf32, #tpu.memory_space<hbm>>)
      tpu.yield
    }) : () -> ()
    return
  }
}

module attributes {stable_mosaic.version = 14 : i64} {
  func.func @_tc_body(%arg0: i32, %arg1: memref<2x2000x64xf32, #tpu.memory_space<vmem>>, %arg2: memref<2x2000x16xf32, #tpu.memory_space<vmem>>, %arg3: memref<2000x64xf32, #tpu.memory_space<vmem>>, %arg4: memref<2000x64xf32, #tpu.memory_space<vmem>>, %arg5: memref<128x128xf32, #tpu.memory_space<vmem>>, %arg6: memref<128x128xf32, #tpu.memory_space<vmem>>, %arg7: memref<1x128xf32, #tpu.memory_space<vmem>>, %arg8: memref<2000x64xf32, #tpu.memory_space<vmem>>, %arg9: memref<2000x64xf32, #tpu.memory_space<vmem>>) attributes {dimension_semantics = [#tpu.dimension_semantics<arbitrary>], iteration_bounds = array<i64: 5>, scalar_prefetch = 0 : i64, scratch_operands = 0 : i64, tpu.core_type = #tpu.core_type<tc>, window_params = [{transform_indices = @transform_0, window_bounds = array<i64: 2, 2000, 64>}, {transform_indices = @transform_1, window_bounds = array<i64: 2, 2000, 16>}, {transform_indices = @transform_2, window_bounds = array<i64: 2000, 64>}, {transform_indices = @transform_3, window_bounds = array<i64: 2000, 64>}, {pipeline_mode = #tpu.pipeline_mode<synchronous>, transform_indices = @transform_4, window_bounds = array<i64: 128, 128>}, {pipeline_mode = #tpu.pipeline_mode<synchronous>, transform_indices = @transform_5, window_bounds = array<i64: 128, 128>}, {pipeline_mode = #tpu.pipeline_mode<synchronous>, transform_indices = @transform_6, window_bounds = array<i64: 1, 128>}, {transform_indices = @transform_7, window_bounds = array<i64: 2000, 64>}, {transform_indices = @transform_8, window_bounds = array<i64: 2000, 64>}]} {
    %get3A = arith.constant 0 : index
    %get3A_0 = arith.constant 0 : index
    %get3A_1 = arith.constant 0 : index
    %get3A_2 = vector.load %arg2[%get3A, %get3A_0, %get3A_1] : memref<2x2000x16xf32, #tpu.memory_space<vmem>>, vector<1x2000x1xf32>
    %get3A_3 = vector.shape_cast %get3A_2 : vector<1x2000x1xf32> to vector<2000x1xf32>
    %get3A_4 = arith.constant 1 : index
    %get3A_5 = arith.constant 0 : index
    %get3A_6 = arith.constant 0 : index
    %get3A_7 = vector.load %arg2[%get3A_4, %get3A_5, %get3A_6] : memref<2x2000x16xf32, #tpu.memory_space<vmem>>, vector<1x2000x1xf32>
    %get3A_8 = vector.shape_cast %get3A_7 : vector<1x2000x1xf32> to vector<2000x1xf32>
    %add3A = arith.addf %get3A_3, %get3A_8 : vector<2000x1xf32>
    %max3A = arith.constant 1.000000e+00 : f32
    %max3A_9 = vector.broadcast %max3A : f32 to vector<2000x1xf32>
    %max3A_10 = arith.maximumf %add3A, %max3A_9 : vector<2000x1xf32>
    %get3A_11 = arith.constant 0 : index
    %get3A_12 = arith.constant 0 : index
    %get3A_13 = arith.constant 0 : index
    %get3A_14 = vector.load %arg1[%get3A_11, %get3A_12, %get3A_13] : memref<2x2000x64xf32, #tpu.memory_space<vmem>>, vector<1x2000x64xf32>
    %get3A_15 = vector.shape_cast %get3A_14 : vector<1x2000x64xf32> to vector<2000x64xf32>
    %div3A = vector.broadcast %max3A_10 : vector<2000x1xf32> to vector<2000x64xf32>
    %div3A_16 = arith.divf %get3A_15, %div3A : vector<2000x64xf32>
    %get3A_17 = arith.constant 1 : index
    %get3A_18 = arith.constant 0 : index
    %get3A_19 = arith.constant 0 : index
    %get3A_20 = vector.load %arg1[%get3A_17, %get3A_18, %get3A_19] : memref<2x2000x64xf32, #tpu.memory_space<vmem>>, vector<1x2000x64xf32>
    %get3A_21 = vector.shape_cast %get3A_20 : vector<1x2000x64xf32> to vector<2000x64xf32>
    %div3A_22 = vector.broadcast %max3A_10 : vector<2000x1xf32> to vector<2000x64xf32>
    %div3A_23 = arith.divf %get3A_21, %div3A_22 : vector<2000x64xf32>
    %get3A_24 = arith.constant 0 : index
    %get3A_25 = arith.constant 0 : index
    %get3A_26 = vector.load %arg5[%get3A_24, %get3A_25] : memref<128x128xf32, #tpu.memory_space<vmem>>, vector<128x128xf32>
    %get3A_27 = arith.constant 0 : index
    %get3A_28 = arith.constant 0 : index
    %get3A_29 = vector.load %arg6[%get3A_27, %get3A_28] : memref<128x128xf32, #tpu.memory_space<vmem>>, vector<128x128xf32>
    %slice3A = vector.extract_strided_slice %get3A_26 {offsets = [0, 0], sizes = [64, 128], strides = [1, 1]} : vector<128x128xf32> to vector<64x128xf32>
    %dot_general3A = arith.constant dense<0.000000e+00> : vector<2000x128xf32>
    %dot_general3A_30 = tpu.matmul %div3A_16, %slice3A, %dot_general3A {dimension_numbers = #tpu.dot_dimension_numbers<[1], [0], [0], [1], [0, 0, 1, 1], [], []>, transpose_lhs_hint = false} : vector<2000x64xf32>, vector<64x128xf32>, vector<2000x128xf32> -> vector<2000x128xf32>
    %slice3A_31 = vector.extract_strided_slice %get3A_26 {offsets = [64, 0], sizes = [64, 128], strides = [1, 1]} : vector<128x128xf32> to vector<64x128xf32>
    %dot_general3A_32 = arith.constant dense<0.000000e+00> : vector<2000x128xf32>
    %dot_general3A_33 = tpu.matmul %div3A_23, %slice3A_31, %dot_general3A_32 {dimension_numbers = #tpu.dot_dimension_numbers<[1], [0], [0], [1], [0, 0, 1, 1], [], []>, transpose_lhs_hint = false} : vector<2000x64xf32>, vector<64x128xf32>, vector<2000x128xf32> -> vector<2000x128xf32>
    %add3A_34 = arith.addf %dot_general3A_30, %dot_general3A_33 : vector<2000x128xf32>
    %get3A_35 = arith.constant 0 : index
    %get3A_36 = arith.constant 0 : index
    %get3A_37 = vector.load %arg3[%get3A_35, %get3A_36] : memref<2000x64xf32, #tpu.memory_space<vmem>>, vector<2000x64xf32>
    %slice3A_38 = vector.extract_strided_slice %get3A_29 {offsets = [0, 0], sizes = [64, 128], strides = [1, 1]} : vector<128x128xf32> to vector<64x128xf32>
    %dot_general3A_39 = arith.constant dense<0.000000e+00> : vector<2000x128xf32>
    %dot_general3A_40 = tpu.matmul %get3A_37, %slice3A_38, %dot_general3A_39 {dimension_numbers = #tpu.dot_dimension_numbers<[1], [0], [0], [1], [0, 0, 1, 1], [], []>, transpose_lhs_hint = false} : vector<2000x64xf32>, vector<64x128xf32>, vector<2000x128xf32> -> vector<2000x128xf32>
    %add3A_41 = arith.addf %add3A_34, %dot_general3A_40 : vector<2000x128xf32>
    %get3A_42 = arith.constant 0 : index
    %get3A_43 = arith.constant 0 : index
    %get3A_44 = vector.load %arg4[%get3A_42, %get3A_43] : memref<2000x64xf32, #tpu.memory_space<vmem>>, vector<2000x64xf32>
    %slice3A_45 = vector.extract_strided_slice %get3A_29 {offsets = [64, 0], sizes = [64, 128], strides = [1, 1]} : vector<128x128xf32> to vector<64x128xf32>
    %dot_general3A_46 = arith.constant dense<0.000000e+00> : vector<2000x128xf32>
    %dot_general3A_47 = tpu.matmul %get3A_44, %slice3A_45, %dot_general3A_46 {dimension_numbers = #tpu.dot_dimension_numbers<[1], [0], [0], [1], [0, 0, 1, 1], [], []>, transpose_lhs_hint = false} : vector<2000x64xf32>, vector<64x128xf32>, vector<2000x128xf32> -> vector<2000x128xf32>
    %add3A_48 = arith.addf %add3A_41, %dot_general3A_47 : vector<2000x128xf32>
    %get3A_49 = arith.constant 0 : index
    %get3A_50 = arith.constant 0 : index
    %get3A_51 = vector.load %arg7[%get3A_49, %get3A_50] : memref<1x128xf32, #tpu.memory_space<vmem>>, vector<1x128xf32>
    %add3A_52 = vector.broadcast %get3A_51 : vector<1x128xf32> to vector<2000x128xf32>
    %add3A_53 = arith.addf %add3A_48, %add3A_52 : vector<2000x128xf32>
    %max3A_54 = arith.constant 0.000000e+00 : f32
    %max3A_55 = vector.broadcast %max3A_54 : f32 to vector<2000x128xf32>
    %max3A_56 = arith.maximumf %add3A_53, %max3A_55 : vector<2000x128xf32>
    %slice3A_57 = vector.extract_strided_slice %max3A_56 {offsets = [0, 0], sizes = [2000, 64], strides = [1, 1]} : vector<2000x128xf32> to vector<2000x64xf32>
    %swap3A = arith.constant 0 : index
    %swap3A_58 = arith.constant 0 : index
    %swap3A_59 = vector.load %arg8[%swap3A, %swap3A_58] : memref<2000x64xf32, #tpu.memory_space<vmem>>, vector<2000x64xf32>
    tpu.vector_store %arg8[%swap3A, %swap3A_58], %slice3A_57 {strides = array<i32>} : memref<2000x64xf32, #tpu.memory_space<vmem>>, vector<2000x64xf32>,
    %slice3A_60 = vector.extract_strided_slice %max3A_56 {offsets = [0, 64], sizes = [2000, 64], strides = [1, 1]} : vector<2000x128xf32> to vector<2000x64xf32>
    %swap3A_61 = arith.constant 0 : index
    %swap3A_62 = arith.constant 0 : index
    %swap3A_63 = vector.load %arg9[%swap3A_61, %swap3A_62] : memref<2000x64xf32, #tpu.memory_space<vmem>>, vector<2000x64xf32>
    tpu.vector_store %arg9[%swap3A_61, %swap3A_62], %slice3A_60 {strides = array<i32>} : memref<2000x64xf32, #tpu.memory_space<vmem>>, vector<2000x64xf32>,
    return
  }
  func.func @transform_0(%arg0: i32) -> (i32, i32, i32) {
    %c0_i32 = arith.constant 0 : i32
    %c0_i32_0 = arith.constant 0 : i32
    %c0_i32_1 = arith.constant 0 : i32
    return %c0_i32, %arg0, %c0_i32_0 : i32, i32, i32
  }
  func.func @transform_1(%arg0: i32) -> (i32, i32, i32) {
    %c0_i32 = arith.constant 0 : i32
    %c0_i32_0 = arith.constant 0 : i32
    %c0_i32_1 = arith.constant 0 : i32
    return %c0_i32, %arg0, %c0_i32_0 : i32, i32, i32
  }
  func.func @transform_2(%arg0: i32) -> (i32, i32) {
    %c0_i32 = arith.constant 0 : i32
    %c0_i32_0 = arith.constant 0 : i32
    return %arg0, %c0_i32 : i32, i32
  }
  func.func @transform_3(%arg0: i32) -> (i32, i32) {
    %c0_i32 = arith.constant 0 : i32
    %c0_i32_0 = arith.constant 0 : i32
    return %arg0, %c0_i32 : i32, i32
  }
  func.func @transform_4(%arg0: i32) -> (i32, i32) {
    %c0_i32 = arith.constant 0 : i32
    %c0_i32_0 = arith.constant 0 : i32
    %c0_i32_1 = arith.constant 0 : i32
    return %c0_i32, %c0_i32_0 : i32, i32
  }
  func.func @transform_5(%arg0: i32) -> (i32, i32) {
    %c0_i32 = arith.constant 0 : i32
    %c0_i32_0 = arith.constant 0 : i32
    %c0_i32_1 = arith.constant 0 : i32
    return %c0_i32, %c0_i32_0 : i32, i32
  }
  func.func @transform_6(%arg0: i32) -> (i32, i32) {
    %c0_i32 = arith.constant 0 : i32
    %c0_i32_0 = arith.constant 0 : i32
    %c0_i32_1 = arith.constant 0 : i32
    return %c0_i32, %c0_i32_0 : i32, i32
  }
  func.func @transform_7(%arg0: i32) -> (i32, i32) {
    %c0_i32 = arith.constant 0 : i32
    %c0_i32_0 = arith.constant 0 : i32
    return %arg0, %c0_i32 : i32, i32
  }
  func.func @transform_8(%arg0: i32) -> (i32, i32) {
    %c0_i32 = arith.constant 0 : i32
    %c0_i32_0 = arith.constant 0 : i32
    return %arg0, %c0_i32 : i32, i32
  }
}

module attributes {stable_mosaic.version = 14 : i64} {
  func.func @_tc_body(%arg0: i32, %arg1: memref<2x2000x64xf32, #tpu.memory_space<vmem>>, %arg2: memref<2x2000x16xf32, #tpu.memory_space<vmem>>, %arg3: memref<2000x64xf32, #tpu.memory_space<vmem>>, %arg4: memref<2000x64xf32, #tpu.memory_space<vmem>>, %arg5: memref<128x128xf32, #tpu.memory_space<vmem>>, %arg6: memref<128x128xf32, #tpu.memory_space<vmem>>, %arg7: memref<1x128xf32, #tpu.memory_space<vmem>>, %arg8: memref<2000x128xf32, #tpu.memory_space<vmem>>) attributes {dimension_semantics = [#tpu.dimension_semantics<arbitrary>], iteration_bounds = array<i64: 5>, scalar_prefetch = 0 : i64, scratch_operands = 0 : i64, tpu.core_type = #tpu.core_type<tc>, window_params = [{transform_indices = @transform_0, window_bounds = array<i64: 2, 2000, 64>}, {transform_indices = @transform_1, window_bounds = array<i64: 2, 2000, 16>}, {transform_indices = @transform_2, window_bounds = array<i64: 2000, 64>}, {transform_indices = @transform_3, window_bounds = array<i64: 2000, 64>}, {pipeline_mode = #tpu.pipeline_mode<synchronous>, transform_indices = @transform_4, window_bounds = array<i64: 128, 128>}, {pipeline_mode = #tpu.pipeline_mode<synchronous>, transform_indices = @transform_5, window_bounds = array<i64: 128, 128>}, {pipeline_mode = #tpu.pipeline_mode<synchronous>, transform_indices = @transform_6, window_bounds = array<i64: 1, 128>}, {transform_indices = @transform_7, window_bounds = array<i64: 2000, 128>}]} {
    %get3A = arith.constant 0 : index
    %get3A_0 = arith.constant 0 : index
    %get3A_1 = arith.constant 0 : index
    %get3A_2 = vector.load %arg2[%get3A, %get3A_0, %get3A_1] : memref<2x2000x16xf32, #tpu.memory_space<vmem>>, vector<1x2000x1xf32>
    %get3A_3 = vector.shape_cast %get3A_2 : vector<1x2000x1xf32> to vector<2000x1xf32>
    %get3A_4 = arith.constant 1 : index
    %get3A_5 = arith.constant 0 : index
    %get3A_6 = arith.constant 0 : index
    %get3A_7 = vector.load %arg2[%get3A_4, %get3A_5, %get3A_6] : memref<2x2000x16xf32, #tpu.memory_space<vmem>>, vector<1x2000x1xf32>
    %get3A_8 = vector.shape_cast %get3A_7 : vector<1x2000x1xf32> to vector<2000x1xf32>
    %add3A = arith.addf %get3A_3, %get3A_8 : vector<2000x1xf32>
    %max3A = arith.constant 1.000000e+00 : f32
    %max3A_9 = vector.broadcast %max3A : f32 to vector<2000x1xf32>
    %max3A_10 = arith.maximumf %add3A, %max3A_9 : vector<2000x1xf32>
    %get3A_11 = arith.constant 0 : index
    %get3A_12 = arith.constant 0 : index
    %get3A_13 = arith.constant 0 : index
    %get3A_14 = vector.load %arg1[%get3A_11, %get3A_12, %get3A_13] : memref<2x2000x64xf32, #tpu.memory_space<vmem>>, vector<1x2000x64xf32>
    %get3A_15 = vector.shape_cast %get3A_14 : vector<1x2000x64xf32> to vector<2000x64xf32>
    %div3A = vector.broadcast %max3A_10 : vector<2000x1xf32> to vector<2000x64xf32>
    %div3A_16 = arith.divf %get3A_15, %div3A : vector<2000x64xf32>
    %get3A_17 = arith.constant 1 : index
    %get3A_18 = arith.constant 0 : index
    %get3A_19 = arith.constant 0 : index
    %get3A_20 = vector.load %arg1[%get3A_17, %get3A_18, %get3A_19] : memref<2x2000x64xf32, #tpu.memory_space<vmem>>, vector<1x2000x64xf32>
    %get3A_21 = vector.shape_cast %get3A_20 : vector<1x2000x64xf32> to vector<2000x64xf32>
    %div3A_22 = vector.broadcast %max3A_10 : vector<2000x1xf32> to vector<2000x64xf32>
    %div3A_23 = arith.divf %get3A_21, %div3A_22 : vector<2000x64xf32>
    %get3A_24 = arith.constant 0 : index
    %get3A_25 = arith.constant 0 : index
    %get3A_26 = vector.load %arg5[%get3A_24, %get3A_25] : memref<128x128xf32, #tpu.memory_space<vmem>>, vector<128x128xf32>
    %get3A_27 = arith.constant 0 : index
    %get3A_28 = arith.constant 0 : index
    %get3A_29 = vector.load %arg6[%get3A_27, %get3A_28] : memref<128x128xf32, #tpu.memory_space<vmem>>, vector<128x128xf32>
    %slice3A = vector.extract_strided_slice %get3A_26 {offsets = [0, 0], sizes = [64, 128], strides = [1, 1]} : vector<128x128xf32> to vector<64x128xf32>
    %dot_general3A = arith.constant dense<0.000000e+00> : vector<2000x128xf32>
    %dot_general3A_30 = tpu.matmul %div3A_16, %slice3A, %dot_general3A {dimension_numbers = #tpu.dot_dimension_numbers<[1], [0], [0], [1], [0, 0, 1, 1], [], []>, transpose_lhs_hint = false} : vector<2000x64xf32>, vector<64x128xf32>, vector<2000x128xf32> -> vector<2000x128xf32>
    %slice3A_31 = vector.extract_strided_slice %get3A_26 {offsets = [64, 0], sizes = [64, 128], strides = [1, 1]} : vector<128x128xf32> to vector<64x128xf32>
    %dot_general3A_32 = arith.constant dense<0.000000e+00> : vector<2000x128xf32>
    %dot_general3A_33 = tpu.matmul %div3A_23, %slice3A_31, %dot_general3A_32 {dimension_numbers = #tpu.dot_dimension_numbers<[1], [0], [0], [1], [0, 0, 1, 1], [], []>, transpose_lhs_hint = false} : vector<2000x64xf32>, vector<64x128xf32>, vector<2000x128xf32> -> vector<2000x128xf32>
    %add3A_34 = arith.addf %dot_general3A_30, %dot_general3A_33 : vector<2000x128xf32>
    %get3A_35 = arith.constant 0 : index
    %get3A_36 = arith.constant 0 : index
    %get3A_37 = vector.load %arg3[%get3A_35, %get3A_36] : memref<2000x64xf32, #tpu.memory_space<vmem>>, vector<2000x64xf32>
    %slice3A_38 = vector.extract_strided_slice %get3A_29 {offsets = [0, 0], sizes = [64, 128], strides = [1, 1]} : vector<128x128xf32> to vector<64x128xf32>
    %dot_general3A_39 = arith.constant dense<0.000000e+00> : vector<2000x128xf32>
    %dot_general3A_40 = tpu.matmul %get3A_37, %slice3A_38, %dot_general3A_39 {dimension_numbers = #tpu.dot_dimension_numbers<[1], [0], [0], [1], [0, 0, 1, 1], [], []>, transpose_lhs_hint = false} : vector<2000x64xf32>, vector<64x128xf32>, vector<2000x128xf32> -> vector<2000x128xf32>
    %add3A_41 = arith.addf %add3A_34, %dot_general3A_40 : vector<2000x128xf32>
    %get3A_42 = arith.constant 0 : index
    %get3A_43 = arith.constant 0 : index
    %get3A_44 = vector.load %arg4[%get3A_42, %get3A_43] : memref<2000x64xf32, #tpu.memory_space<vmem>>, vector<2000x64xf32>
    %slice3A_45 = vector.extract_strided_slice %get3A_29 {offsets = [64, 0], sizes = [64, 128], strides = [1, 1]} : vector<128x128xf32> to vector<64x128xf32>
    %dot_general3A_46 = arith.constant dense<0.000000e+00> : vector<2000x128xf32>
    %dot_general3A_47 = tpu.matmul %get3A_44, %slice3A_45, %dot_general3A_46 {dimension_numbers = #tpu.dot_dimension_numbers<[1], [0], [0], [1], [0, 0, 1, 1], [], []>, transpose_lhs_hint = false} : vector<2000x64xf32>, vector<64x128xf32>, vector<2000x128xf32> -> vector<2000x128xf32>
    %add3A_48 = arith.addf %add3A_41, %dot_general3A_47 : vector<2000x128xf32>
    %get3A_49 = arith.constant 0 : index
    %get3A_50 = arith.constant 0 : index
    %get3A_51 = vector.load %arg7[%get3A_49, %get3A_50] : memref<1x128xf32, #tpu.memory_space<vmem>>, vector<1x128xf32>
    %add3A_52 = vector.broadcast %get3A_51 : vector<1x128xf32> to vector<2000x128xf32>
    %add3A_53 = arith.addf %add3A_48, %add3A_52 : vector<2000x128xf32>
    %swap3A = arith.constant 0 : index
    %swap3A_54 = arith.constant 0 : index
    %swap3A_55 = vector.load %arg8[%swap3A, %swap3A_54] : memref<2000x128xf32, #tpu.memory_space<vmem>>, vector<2000x128xf32>
    tpu.vector_store %arg8[%swap3A, %swap3A_54], %add3A_53 {strides = array<i32>} : memref<2000x128xf32, #tpu.memory_space<vmem>>, vector<2000x128xf32>,
    return
  }
  func.func @transform_0(%arg0: i32) -> (i32, i32, i32) {
    %c0_i32 = arith.constant 0 : i32
    %c0_i32_0 = arith.constant 0 : i32
    %c0_i32_1 = arith.constant 0 : i32
    return %c0_i32, %arg0, %c0_i32_0 : i32, i32, i32
  }
  func.func @transform_1(%arg0: i32) -> (i32, i32, i32) {
    %c0_i32 = arith.constant 0 : i32
    %c0_i32_0 = arith.constant 0 : i32
    %c0_i32_1 = arith.constant 0 : i32
    return %c0_i32, %arg0, %c0_i32_0 : i32, i32, i32
  }
  func.func @transform_2(%arg0: i32) -> (i32, i32) {
    %c0_i32 = arith.constant 0 : i32
    %c0_i32_0 = arith.constant 0 : i32
    return %arg0, %c0_i32 : i32, i32
  }
  func.func @transform_3(%arg0: i32) -> (i32, i32) {
    %c0_i32 = arith.constant 0 : i32
    %c0_i32_0 = arith.constant 0 : i32
    return %arg0, %c0_i32 : i32, i32
  }
  func.func @transform_4(%arg0: i32) -> (i32, i32) {
    %c0_i32 = arith.constant 0 : i32
    %c0_i32_0 = arith.constant 0 : i32
    %c0_i32_1 = arith.constant 0 : i32
    return %c0_i32, %c0_i32_0 : i32, i32
  }
  func.func @transform_5(%arg0: i32) -> (i32, i32) {
    %c0_i32 = arith.constant 0 : i32
    %c0_i32_0 = arith.constant 0 : i32
    %c0_i32_1 = arith.constant 0 : i32
    return %c0_i32, %c0_i32_0 : i32, i32
  }
  func.func @transform_6(%arg0: i32) -> (i32, i32) {
    %c0_i32 = arith.constant 0 : i32
    %c0_i32_0 = arith.constant 0 : i32
    %c0_i32_1 = arith.constant 0 : i32
    return %c0_i32, %c0_i32_0 : i32, i32
  }
  func.func @transform_7(%arg0: i32) -> (i32, i32) {
    %c0_i32 = arith.constant 0 : i32
    %c0_i32_0 = arith.constant 0 : i32
    return %arg0, %c0_i32 : i32, i32
  }
}

</mosaic_0001>

<sc_bundles>
// kernel: kernel.6.cloned.1.call-start
scs
__scs_entry_jumppad:
0x0: {  	(pc) =	sbr.rel $0x88, $3  }
0x1: {  	(tag) =	ssettag $0x0;
	lr =	simm.s32 $0x1  }
0x2: {  	[smem:$0x3F99] =	sst lr;
	_ =	strace $0xD0000000  }
0x3: {  	_ = 	snop  }
0x4: {  	_ = 	snop  }
0x5: {  	_ = 	snop  }
0x6: {  	_ = 	snop  }
0x7: {  	_ = 	snop  }
__scs_overlays_trampoline_lowered:
0x8: {  	[smem:$0x3FA8] =	sst s0  }
0x9: {  	[smem:$0x3FA9] =	sst s1  }
0xa: {  	[smem:$0x3FAA] =	sst s2  }
0xb: {  	[smem:$0x3FAB] =	sst s3  }
0xc: {  	[smem:$0x3FAC] =	sst s4  }
0xd: {  	[smem:$0x3FAD] =	sst s5  }
0xe: {  	[smem:$0x3FAE] =	sst s6  }
0xf: {  	[smem:$0x3FAF] =	sst s7  }
0x10: {  	[smem:$0x3FB0] =	sst s8  }
0x11: {  	[smem:$0x3FB1] =	sst s9;
	s0 =	simm.s32 @!p0 $0x0  }
0x12: {  	s1 =	sld [smem:$0x3F97];
	s0 =	simm.s32 @p0 $0x1  }
0x13: {  	[smem:$0x3FB2] =	sst s0;
	s0 =	simm.s32 @!p1 $0x0  }
0x14: {  	s2 =	sld [smem:$0x3F96];
	s0 =	simm.s32 @p1 $0x1  }
0x15: {  	[smem:$0x3FB3] =	sst s0;
	s0 =	simm.s32 @!p2 $0x0  }
0x16: {  	s3 =	sld [smem:$0x3FDB];
	s0 =	simm.s32 @p2 $0x1  }
0x17: {  	s4 =	simm.s32 $0x1BF5;
	[smem:$0x3FB5] =	sst s0  }
0x18: {  	s0 =	sld [smem:$0x3F98];
	_ =	swait.ge [sflag:s4], $0x0  }
0x19: {  	s7 =	sld [smem:$0x3F99]  }
0x1a: {  	s8 =	sadd.s32 $0xFFFFE003, lr  }
0x1b: {  	s9 =	sadd.s32 $0xFFFFFEF7, lr;
	s5 =	simm.s32 $0xFFFFFFFF;
	p2 =	slt.u32 s8, $0xFFFFF086  }
0x1c: {  	p1 =	slt.u32 s9, $0xF7A;
	s5 =	simm.s32 @!p2 $0x0  }
0x1d: {  	s5 =	simm.s32 @p1 $0x1;
	p0 =	seq.s32 s7, s2  }
0x1e: {  	s7 =	smul.u32 @!p0 $0xF7A, s2;
	p2 =	seq.s32 @!p0 s5, $0x0  }
0x1f: {  	s9 =	smul.u32 $0xF7A, s1;
	s8 =	simm.s32 @!p0 $0x1BF5;
	p2 =	por !p2, p0  }
0x20: {  	[sflag:s8] =	ssyncset.s32 @!p0 $0xFFFFF086;
	s6 =	sadd.s32 @!p0 s3, s7;
	s7 =	simm.s32 @!p0 $0x108  }
0x21: {  	s3 =	sadd.s32 s3, s9;
	s6 =	sadd.s32 @!p0 $0x88, s6;
	s7 =	simm.s32 @p2 $0x1082  }
0x22: {  	[simem:s7], [sflag:s8] =	dma.local @!p0 [hbm:s6], $0xF7A  }
0x23: {  	s9 =	sor.u32 $0xD0000000, s2;
	s6 =	simm.s32 $0x108;
	_ =	swait.ge @!p0 [sflag:s8], $0x0  }
0x24: {  	s3 =	sadd.s32 $0x88, s3;
	s6 =	simm.s32 @!p1 $0x1082;
	[sflag:s4] =	ssyncset.s32 $0xFFFFF086  }
0x25: {  	[simem:s6], [sflag:s4] =	dma.local [hbm:s3], $0xF7A  }
0x26: {  	[smem:$0x3F99] =	sst s1;
	(tag) =	ssettag s2;
	_ =	strace s9  }
0x27: {  	s1 =	sld [smem:$0x3FA9]  }
0x28: {  	s2 =	sld [smem:$0x3FAA]  }
0x29: {  	s4 =	sld [smem:$0x3FAC]  }
0x2a: {  	p0 =	seq.s32 s5, $0x0;
	s5 =	sld [smem:$0x3FAD]  }
0x2b: {  	s6 =	sld [smem:$0x3FAE]  }
0x2c: {  	s7 =	sld [smem:$0x3FAF]  }
0x2d: {  	s3 =	simm.s32 $0x108;
	s8 =	sld [smem:$0x3FB0]  }
0x2e: {  	s3 =	simm.s32 @!p0 $0x1082;
	s9 =	sld [smem:$0x3FB1]  }
0x2f: {  	lr =	sadd.s32 s0, s3;
	s0 =	sld [smem:$0x3FA8]  }
0x30: {  	s3 =	sld [smem:$0x3FAB]  }
0x31: {  	[smem:$0x3FB4] =	sst s10  }
0x32: {  	s10 =	sld [smem:$0x3FB2];
	_ =	sdelay $0x3  }
0x33: {  	p0 =	seq.s32 s10, $0x1;
	s10 =	sld [smem:$0x3FB4];
	_ =	sdelay $0x3  }
0x34: {  	[smem:$0x3FB4] =	sst s10  }
0x35: {  	s10 =	sld [smem:$0x3FB3];
	_ =	sdelay $0x3  }
0x36: {  	p1 =	seq.s32 s10, $0x1;
	s10 =	sld [smem:$0x3FB4];
	_ =	sdelay $0x3  }
0x37: {  	[smem:$0x3FB4] =	sst s10  }
0x38: {  	s10 =	sld [smem:$0x3FB5]  }
0x39: {  	_ = 	snop;
	(pc) =	sbr.ind lr, $3  }
0x3a: {  	_ = 	snop  }
0x3b: {  	_ = 	snop  }
0x3c: {  	p2 =	seq.s32 s10, $0x1;
	s10 =	sld [smem:$0x3FB4]  }
0x3d: {  	_ =	shalt  }
0x3e: {  	_ =	shalt  }
0x3f: {  	_ =	shalt  }
0x40: {  	_ =	shalt  }
0x41: {  	_ =	shalt  }
0x42: {  	_ =	shalt  }
0x43: {  	_ =	shalt  }
0x44: {  	_ =	shalt  }
0x45: {  	_ =	shalt  }
0x46: {  	_ =	shalt  }
0x47: {  	_ =	shalt  }
0x48: {  	_ =	shalt  }
0x49: {  	_ =	shalt  }
0x4a: {  	_ =	shalt  }
0x4b: {  	_ =	shalt  }
0x4c: {  	_ =	shalt  }
0x4d: {  	_ =	shalt  }
0x4e: {  	_ =	shalt  }
0x4f: {  	_ =	shalt  }
0x50: {  	_ =	shalt  }
0x51: {  	_ =	shalt  }
0x52: {  	_ =	shalt  }
0x53: {  	_ =	shalt  }
0x54: {  	_ =	shalt  }
0x55: {  	_ =	shalt  }
0x56: {  	_ =	shalt  }
0x57: {  	_ =	shalt  }
0x58: {  	_ =	shalt  }
0x59: {  	_ =	shalt  }
0x5a: {  	_ =	shalt  }
0x5b: {  	_ =	shalt  }
0x5c: {  	_ =	shalt  }
0x5d: {  	_ =	shalt  }
0x5e: {  	_ =	shalt  }
0x5f: {  	_ =	shalt  }
0x60: {  	_ =	shalt  }
0x61: {  	_ =	shalt  }
0x62: {  	_ =	shalt  }
0x63: {  	_ =	shalt  }
0x64: {  	_ =	shalt  }
0x65: {  	_ =	shalt  }
0x66: {  	_ =	shalt  }
0x67: {  	_ =	shalt  }
0x68: {  	_ =	shalt  }
0x69: {  	_ =	shalt  }
0x6a: {  	_ =	shalt  }
0x6b: {  	_ =	shalt  }
0x6c: {  	_ =	shalt  }
0x6d: {  	_ =	shalt  }
0x6e: {  	_ =	shalt  }
0x6f: {  	_ =	shalt  }
0x70: {  	_ =	shalt  }
0x71: {  	_ =	shalt  }
0x72: {  	_ =	shalt  }
0x73: {  	_ =	shalt  }
0x74: {  	_ =	shalt  }
0x75: {  	_ =	shalt  }
0x76: {  	_ =	shalt  }
0x77: {  	_ =	shalt  }
0x78: {  	_ =	shalt  }
0x79: {  	_ =	shalt  }
0x7a: {  	_ =	shalt  }
0x7b: {  	_ =	shalt  }
0x7c: {  	_ =	shalt  }
0x7d: {  	_ =	shalt  }
0x7e: {  	_ =	shalt  }
0x7f: {  	_ =	shalt  }
0x80: {  	_ =	shalt  }
0x81: {  	_ =	shalt  }
0x82: {  	_ =	shalt  }
0x83: {  	_ =	shalt  }
0x84: {  	_ =	shalt  }
0x85: {  	_ =	shalt  }
0x86: {  	_ =	shalt  }
0x87: {  	_ =	shalt  }
.Lfunc_end0:
.L_simem_size_0:
called_computation_lowered:
.L_overlay_start_0:
0x88: {  	s2 =	sld [smem:$0x3FD9]  }
0x89: {  	s3 =	sld [smem:$0x3FFE];
	_ =	sdelay $0x1  }
0x8a: {  	s1 =	srdreg.scid  }
0x8b: {  	s0 =	sand.u32 $0x1, s1  }
0x8c: {  	s17 =	sshll.u32 s0, $0xA;
	s2 =	sadd.s32 s3, s2  }
0x8d: {  	s2 =	sadd.s32 s2, s17  }
0x8e: {  	[smem:$0x3FC0] =	sst s2  }
0x8f: {  	_ = 	snop  }
0x90: {  	s2 =	sld [smem:$0x3FD0];
	(tm) =	ssettm $0x1  }
0x91: {  	s18 =	sld [smem:$0x3FFB];
	_ =	sdelay $0x3  }
0x92: {  	_ =	strace s18  }
0x93: {  	s3 =	sld [smem:$0x3FFC];
	_ =	sdelay $0x3  }
0x94: {  	_ =	strace s3  }
0x95: {  	s3 =	sld [smem:$0x3FFD];
	_ =	sdelay $0x3  }
0x96: {  	_ =	strace s3  }
0x97: {  	_ =	strace $0x8FFFFFFF  }
0x98: {  	s19 =	sld [smem:$0x3FDB];
	_ =	sdelay $0x1  }
0x99: {  	s4 =	simm.s32 $_scs_section_size  }
0x9a: {  	s5 =	simm.s32 $_size__tile_overlayer_lowered;
	s6 =	simm.s32 $_tile_overlayer_lowered  }
0x9b: {  	s22 =	simm.s32 $0x1BFF;
	s21 =	sshll.u32 s6, $0x1;
	s3 =	sadd.s32 s4, s19  }
0x9c: {  	s7 =	simm.s32 $0x0;
	s20 =	sshll.u32 s5, $0x1;
	s5 =	sadd.s32 s21, s3  }
0x9d: {  	[timem:s7], [sflag:s22] =	dma.local [hbm:s5], s20  }
0x9e: {  	_ =	swait.ge [sflag:s22], s20  }
0x9f: {  	s4 =	ssub.s32 $0x0, s20;
	[sflag:s22] =	ssyncset.done $0x0  }
0xa0: {  	[sflag:s22] =	ssyncadd.s32 s4;
	_ =	sdelay $0x1  }
0xa1: {  	s23 =	simm.s32 $0x1B8B  }
0xa2: {  	_ =	swait.ge [sflag:s23], $0x1  }
0xa3: {  	[sflag:s23] =	ssyncset.done $0x0  }
0xa4: {  	s25 =	simm.s32 $0x1B8E;
	s24 =	sld [smem:$0x3FFE];
	[sflag:s23] =	ssyncadd.s32 $0xFFFFFFFF  }
0xa5: {  	s26 =	simm.s32 $execute0_lowered;
	[smem:$0x3FD2] =	sst s25  }
0xa6: {  	s5 =	sshll.u32 s26, $0x1;
	_ =	strace $0x80000046;
	[dreg:$0x1] =	wrdreg $0xFFFFFFFF  }
0xa7: {  	s28 =	simm.s32 $_size_execute0_lowered;
	s3 =	sadd.s32 s3, s5;
	[dreg:$0x0] =	wrdreg $0x0  }
0xa8: {  	s5 =	sshll.u32 s28, $0x1;
	[dreg:$0x2] =	wrdreg s3  }
0xa9: {  	[dreg:$0x3] =	wrdreg s5  }
0xaa: {  	[dreg:$0x4] =	wrdreg $0xC0  }
0xab: {  	_ =	task [dreg:s7], $0x5FFFF  }
0xac: {  	[dreg:$0x1] =	wrdreg $0xFFFFFFFF  }
0xad: {  	[dreg:$0x0] =	wrdreg $0x60  }
0xae: {  	[dreg:$0x2] =	wrdreg s2  }
0xaf: {  	[dreg:$0x3] =	wrdreg s24  }
0xb0: {  	[dreg:$0x4] =	wrdreg $0x12D400  }
0xb1: {  	[dreg:$0x5] =	wrdreg $0x1CD400  }
0xb2: {  	[dreg:$0x6] =	wrdreg $0x9  }
0xb3: {  	_ =	task.clear_ibuf [dreg:s7], $0x7FFFF;
	_ =	strace $0x90000046  }
0xb4: {  	s29 =	simm.s32 $0x9;
	_ =	strace $0x80000048  }
0xb5: {  	_ =	swait.ge [sflag:s29], $0x1  }
0xb6: {  	[sflag:s29] =	ssyncadd.s32 $0xFFFFFFFF  }
0xb7: {  	_ =	strace $0x90000048  }
0xb8: {  	_ =	sfence  }
0xb9: {  	s30 =	sld [smem:$0x0];
	_ =	sdelay $0x2  }
0xba: {  	s31 =	sshll.u32 s1, $0xD;
	s1 =	sshrl.u32 s1, $0x2  }
0xbb: {  	s3 =	sand.u32 $0x4000, s31;
	s1 =	sadd.s32 s1, s30  }
0xbc: {  	s0 =	sor.u32 s3, s0;
	s1 =	sshll.u32 s1, $0x11  }
0xbd: {  	s0 =	sor.u32 s1, s0  }
0xbe: {  	s0 =	sadd.s32 $0x8F2B, s0  }
0xbf: {  	[sflag:s0] =	ssyncadd.remote.s32 $0x1  }
0xc0: {  	_ =	sfence.sel $0xFFFF  }
0xc1: {  	[dreg:$0x0] =	wrdreg $0xFFFFFFFF;
	(pc) =	sbr.abs _section_cstart, $3  }
0xc2: {  	[dreg:$0x1] =	wrdreg $0xFFFFFFFF  }
0xc3: {  	_ =	task.clear_ibuf [dreg:s7], $0x2FFFF;
	_ =	strace $0x9FFFFFFF  }
0xc4: {  	(tm) =	ssettm $0x7FFFFFFF  }
0xc5: {  	_ =	shalt  }
tec
execute0_lowered:
.L_overlay_start_1:
0x0: {  	(tag) =	ssettag $0x1  }
0x1: {  	s1 =	rddreg [dreg:$0x0]  }
0x2: {  	s0 =	rddreg [dreg:$0x1];
	s12 =	stileid.u32  }
0x3: {  	s4 =	srdreg.scid;
	s3 =	rddreg [dreg:$0x2]  }
0x4: {  	s5 =	rddreg [dreg:$0x3];
	s2 =	smul.u32 $0x9C4, s12  }
0x5: {  	s7 =	simm.s32 $0x0;
	s28 =	simm.s32 $0x1;
	s6 =	smul.u32 $0xA000, s12  }
0x6: {  	s29 =	simm.s32 $0x50;
	s30 =	simm.s32 $0x9C40;
	s9 =	smul.u32 $0x2800, s12  }
0x7: {  	s31 =	simm.s32 $0x2;
	s4 =	sand.u32 $0x1, s4;
	s12 =	smul.u32 $0x280, s12  }
0x8: {  	[smem:$0x7FF] =	sst s7;
	s7 =	sadd.s32 $0x15400, s0;
	s8 =	smul.u32 $0xA0000, s4  }
0x9: {  	s10 =	smul.u32 $0x28000, s4;
	_ =	strace $0x80000047;
	s11 =	ssub.s32 $0x2, s4  }
0xa: {  	p0 =	seq.s32 s4, $0x1;
	p1 =	sne.s32 s4, $0x0;
	s2 =	sadd.s32 s2, s0  }
0xb: {  	s25 =	sshrl.u32 s11, $0x1;
	s18 =	sadd.s32 s6, s3;
	s19 =	sadd.s32 s9, s5  }
0xc: {  	s16 =	sadd.s32 $0x180, s12;
	s20 =	sadd.s32 $0x200, s12;
	p2 =	por !p0, !p0  }
0xd: {  	s8 =	sadd.s32 s6, s8;
	s10 =	sadd.s32 s9, s10;
	s13 =	ssub.s32 s11, s25  }
0xe: {  	s26 =	sadd.s32 $0xB600, s2;
	s2 =	sadd.s32 $0x1800, s2;
	s9 =	sadd.s32 $0x80, s12  }
0xf: {  	s11 =	sadd.s32 $0x100, s12;
	s17 =	sshll.u32 s16, $0x6;
	s21 =	sshll.u32 s16, $0x4  }
0x10: {  	s22 =	sshll.u32 s20, $0x6;
	s24 =	sshll.u32 s20, $0x4;
	[dreg:$0x7] =	wrdreg s18  }
0x11: {  	s12 =	simm.s32 $0xEC40;
	s8 =	sshrl.u32 s8, $0x3;
	[dreg:$0x5] =	wrdreg s26  }
0x12: {  	s10 =	sshrl.u32 s10, $0x3;
	[dreg:$0x6] =	wrdreg s2;
	s2 =	sshll.u32 s9, $0x4  }
0x13: {  	s14 =	sshll.u32 s11, $0x6;
	s23 =	sadd.s32 s22, s3;
	s26 =	smax.u32 s13, $0x1  }
0x14: {  	s8 =	sadd.s32 s8, s0;
	s0 =	sadd.s32 s10, s0;
	[dreg:$0xe] =	wrdreg s23  }
0x15: {  	s10 =	sshll.u32 s9, $0x6;
	s2 =	sadd.s32 s2, s5;
	[dreg:$0x12] =	wrdreg s26  }
0x16: {  	s15 =	sshll.u32 s11, $0x4;
	s6 =	sadd.s32 s10, s3;
	[dreg:$0x9] =	wrdreg s2  }
0x17: {  	s13 =	simm.s32 $0x6;
	s2 =	sadd.s32 s14, s3;
	[dreg:$0x8] =	wrdreg s6  }
0x18: {  	s23 =	simm.s32 $0x7;
	s25 =	sadd.s32 $0x28E00, s8;
	[dreg:$0xa] =	wrdreg s2  }
0x19: {  	s9 =	simm.s32 $0x5;
	s0 =	sadd.s32 $0x50E00, s0;
	[dreg:$0x10] =	wrdreg s25  }
0x1a: {  	s8 =	simm.s32 $0xD840;
	s2 =	sadd.s32 s15, s5;
	[dreg:$0x11] =	wrdreg s0  }
0x1b: {  	s14 =	simm.s32 $0x0;
	[dreg:$0xb] =	wrdreg s2;
	s2 =	sadd.s32 s17, s3  }
0x1c: {  	s0 =	simm.s32 $0x3;
	[dreg:$0xc] =	wrdreg s2;
	s2 =	sadd.s32 s21, s5  }
0x1d: {  	s6 =	simm.s32 $0x4;
	[dreg:$0xd] =	wrdreg s2;
	s2 =	sadd.s32 s24, s5  }
0x1e: {  	v0 =	vimm.f32 $0.0e+00;
	v1 =	vimm.f32 $1.000000000e+00;
	s24 =	simm.s32 $0xC440;
	[dreg:$0xf] =	wrdreg s2;
	s2 =	simm.s32 $0xB040  }
.LBB2_1:
0x1f: {  	s10 =	simm.s32 $0x0;
	s11 =	rddreg [dreg:$0x5]  }
0x20: {  	[tilespmem:s10], [sflag:$0x7] =	stream.linear.gather [hbm4b:s11+s10], $0x4E20, $0x38;
	[tilespmem:$0x1F540] =	vst v63  }
0x21: {  	_ =	swait.ge [sflag:s23], $0x4E20  }
0x22: {  	[sflag:s23] =	ssyncset.done $0x0  }
0x23: {  	s15 =	simm.s32 $0x4E20;
	s26 =	rddreg [dreg:$0x6];
	[sflag:s23] =	ssyncadd.s32 $0xFFFFB1E0  }
0x24: {  	[tilespmem:s15], [sflag:$0x7] =	stream.linear.gather [hbm4b:s26+s10], $0x4E20, $0x38;
	[tilespmem:$0x1F540] =	vst v63  }
0x25: {  	_ =	swait.ge [sflag:s23], $0x4E20  }
0x26: {  	[sflag:s23] =	ssyncset.done $0x0  }
0x27: {  	s16 =	simm.s32 $0x0;
	s15 =	simm.s32 $0x10560;
	[sflag:s23] =	ssyncadd.s32 $0xFFFFB1E0  }
.LBB2_2:
0x28: {  	p3 =	sne.s32 s16, $0x1FC0  }
.Ltmp0:
0x29: {  	[tilespmem:s15+$0xFFFFFFE0] =	vst v0;
	(pc) =	sbr.rel @p3 .LBB2_2-.Ltmp0, $4  }
0x2a: {  	[tilespmem:s15+$0xFFFFFFF0] =	vst v0  }
0x2b: {  	[tilespmem:s15+$0x0] =	vst v0  }
0x2c: {  	[tilespmem:s15+$0x10] =	vst v0;
	s17 =	sshra.s32 s16, $0x2  }
0x2d: {  	s15 =	sadd.s32 $0x40, s15;
	s16 =	sadd.s32 $0x40, s16;
	[tilespmem:s17+$0x12540] =	vst v0  }
0x2e: {  	s15 =	simm.s32 $0x40;
	s16 =	simm.s32 $0x0  }
.LBB2_4:
0x2f: {  	p3 =	sne.s32 s15, $0x13C0;
	[tilespmem:s16+$0x10040] =	vst v1;
	s16 =	smov.u32 s15;
	s15 =	sadd.s32 $0x40, s15  }
.Ltmp1:
0x30: {  	(pc) =	sbr.rel @p3 .LBB2_4-.Ltmp1, $2  }
0x31: {  	_ =	sdelay $0x2  }
0x32: {  	s16 =	sshra.s32 s16, $0x2  }
0x33: {  	[tilespmem:s16+$0x10040] =	vst v1;
	s11 =	simm.s32 $0x10540  }
0x34: {  	[spmem:s18] =	stream.linear.scatter [tilespmem:s11], [sflag:$0x7], $0x2000, $0x38;
	[tilespmem:$0x1F540] =	vst v63  }
0x35: {  	_ =	swait.ge [sflag:s23], $0x2000  }
0x36: {  	[sflag:s23] =	ssyncset.done $0x0  }
0x37: {  	s15 =	simm.s32 $0x12540;
	[sflag:s23] =	ssyncadd.s32 $0xFFFFE000  }
0x38: {  	[spmem:s19] =	stream.linear.scatter [tilespmem:s15], [sflag:$0x7], $0x800, $0x38;
	[tilespmem:$0x1F540] =	vst v63  }
0x39: {  	_ =	swait.ge [sflag:s23], $0x800  }
0x3a: {  	[sflag:s23] =	ssyncset.done $0x0  }
0x3b: {  	s10 =	rddreg [dreg:$0x8];
	[sflag:s23] =	ssyncadd.s32 $0xFFFFF800  }
0x3c: {  	[spmem:s10] =	stream.linear.scatter [tilespmem:s11], [sflag:$0x7], $0x2000, $0x38;
	[tilespmem:$0x1F540] =	vst v63  }
0x3d: {  	_ =	swait.ge [sflag:s23], $0x2000  }
0x3e: {  	[sflag:s23] =	ssyncset.done $0x0  }
0x3f: {  	s17 =	rddreg [dreg:$0x9];
	[sflag:s23] =	ssyncadd.s32 $0xFFFFE000  }
0x40: {  	[spmem:s17] =	stream.linear.scatter [tilespmem:s15], [sflag:$0x7], $0x800, $0x38;
	[tilespmem:$0x1F540] =	vst v63  }
0x41: {  	_ =	swait.ge [sflag:s23], $0x800  }
0x42: {  	[sflag:s23] =	ssyncset.done $0x0  }
0x43: {  	s18 =	rddreg [dreg:$0xa];
	[sflag:s23] =	ssyncadd.s32 $0xFFFFF800  }
0x44: {  	[spmem:s18] =	stream.linear.scatter [tilespmem:s11], [sflag:$0x7], $0x2000, $0x38;
	[tilespmem:$0x1F540] =	vst v63  }
0x45: {  	_ =	swait.ge [sflag:s23], $0x2000  }
0x46: {  	[sflag:s23] =	ssyncset.done $0x0  }
0x47: {  	s26 =	smov.u32 s19;
	s19 =	rddreg [dreg:$0xb];
	[sflag:s23] =	ssyncadd.s32 $0xFFFFE000  }
0x48: {  	[spmem:s19] =	stream.linear.scatter [tilespmem:s15], [sflag:$0x7], $0x800, $0x38;
	[tilespmem:$0x1F540] =	vst v63  }
0x49: {  	_ =	swait.ge [sflag:s23], $0x800  }
0x4a: {  	[sflag:s23] =	ssyncset.done $0x0  }
0x4b: {  	s20 =	rddreg [dreg:$0xc];
	[sflag:s23] =	ssyncadd.s32 $0xFFFFF800  }
0x4c: {  	[spmem:s20] =	stream.linear.scatter [tilespmem:s11], [sflag:$0x7], $0x2000, $0x38;
	[tilespmem:$0x1F540] =	vst v63  }
0x4d: {  	_ =	swait.ge [sflag:s23], $0x2000  }
0x4e: {  	[sflag:s23] =	ssyncset.done $0x0  }
0x4f: {  	s21 =	rddreg [dreg:$0xd];
	[sflag:s23] =	ssyncadd.s32 $0xFFFFE000  }
0x50: {  	[spmem:s21] =	stream.linear.scatter [tilespmem:s15], [sflag:$0x7], $0x800, $0x38;
	[tilespmem:$0x1F540] =	vst v63  }
0x51: {  	_ =	swait.ge [sflag:s23], $0x800  }
0x52: {  	[sflag:s23] =	ssyncset.done $0x0  }
0x53: {  	s22 =	rddreg [dreg:$0xe];
	[sflag:s23] =	ssyncadd.s32 $0xFFFFF800  }
0x54: {  	[spmem:s22] =	stream.linear.scatter [tilespmem:s11], [sflag:$0x7], $0x2000, $0x38;
	[tilespmem:$0x1F540] =	vst v63  }
0x55: {  	_ =	swait.ge [sflag:s23], $0x2000  }
0x56: {  	[sflag:s23] =	ssyncset.done $0x0  }
0x57: {  	s25 =	rddreg [dreg:$0xf];
	[sflag:s23] =	ssyncadd.s32 $0xFFFFE000  }
0x58: {  	[spmem:s25] =	stream.linear.scatter [tilespmem:s15], [sflag:$0x7], $0x800, $0x38;
	[tilespmem:$0x1F540] =	vst v63  }
0x59: {  	_ =	swait.ge [sflag:s23], $0x800  }
0x5a: {  	[sflag:s23] =	ssyncset.done $0x0  }
0x5b: {  	s16 =	simm.s32 @!p1 $0x0;
	[sflag:s23] =	ssyncadd.s32 $0xFFFFF800  }
0x5c: {  	s17 =	simm.s32 @!p1 $0x9C40;
	s15 =	simm.s32 @!p1 $0x50;
	[bflag:$0x0] =	sbarrier.arrive $0xFFFF  }
0x5d: {  	[tilespmem:s17], [sflag:$0x1] =	stream.indirect.gather @!p1 [hbm4b:s1+s15], $0x40, s16, s15, $0xb8;
	[tilespmem:$0x1F540] =	vst v63  }
0x5e: {  	s18 =	simm.s32 @p0 $0x9C40;
	s16 =	simm.s32 @p0 $0x50;
	s17 =	simm.s32 @p0 $0x0  }
0x5f: {  	[tilespmem:s18], [sflag:$0x1] =	stream.indirect.gather @p0 [hbm4b:s7+s16], $0x40, s17, s16, $0xb8;
	[tilespmem:$0x1F540] =	vst v63  }
0x60: {  	s17 =	simm.s32 @!p1 $0xB040  }
0x61: {  	[tilespmem:s17], [sflag:$0x2] =	stream.indirect.gather @!p1 [hbm4b:s1+s15], $0x40, s15, s15, $0xb8;
	[tilespmem:$0x1F540] =	vst v63  }
0x62: {  	s17 =	simm.s32 @p0 $0xB040  }
0x63: {  	[tilespmem:s17], [sflag:$0x2] =	stream.indirect.gather @p0 [hbm4b:s7+s16], $0x40, s16, s16, $0xb8;
	[tilespmem:$0x1F540] =	vst v63  }
0x64: {  	s18 =	simm.s32 @!p1 $0xC440;
	s17 =	simm.s32 @!p1 $0xA0  }
0x65: {  	[tilespmem:s18], [sflag:$0x3] =	stream.indirect.gather @!p1 [hbm4b:s1+s15], $0x40, s17, s15, $0xb8;
	[tilespmem:$0x1F540] =	vst v63  }
0x66: {  	s17 =	simm.s32 @p0 $0xA0;
	s18 =	simm.s32 @p0 $0xC440  }
0x67: {  	[tilespmem:s18], [sflag:$0x3] =	stream.indirect.gather @p0 [hbm4b:s7+s16], $0x40, s17, s16, $0xb8;
	[tilespmem:$0x1F540] =	vst v63  }
0x68: {  	s17 =	simm.s32 @!p1 $0xF0;
	s18 =	simm.s32 @!p1 $0xD840  }
0x69: {  	[tilespmem:s18], [sflag:$0x4] =	stream.indirect.gather @!p1 [hbm4b:s1+s15], $0x40, s17, s15, $0xb8;
	[tilespmem:$0x1F540] =	vst v63  }
0x6a: {  	s17 =	simm.s32 @p0 $0xF0;
	s18 =	simm.s32 @p0 $0xD840  }
0x6b: {  	[tilespmem:s18], [sflag:$0x4] =	stream.indirect.gather @p0 [hbm4b:s7+s16], $0x40, s17, s16, $0xb8;
	[tilespmem:$0x1F540] =	vst v63  }
0x6c: {  	s17 =	simm.s32 @!p1 $0x140;
	s18 =	simm.s32 @!p1 $0xEC40  }
0x6d: {  	[tilespmem:s18], [sflag:$0x5] =	stream.indirect.gather @!p1 [hbm4b:s1+s15], $0x40, s17, s15, $0xb8;
	[tilespmem:$0x1F540] =	vst v63  }
0x6e: {  	s15 =	simm.s32 @p0 $0x140;
	s17 =	simm.s32 @p0 $0xEC40  }
0x6f: {  	[tilespmem:s17], [sflag:$0x5] =	stream.indirect.gather @p0 [hbm4b:s7+s16], $0x40, s15, s16, $0xb8;
	[tilespmem:$0x1F540] =	vst v63  }
0x70: {  	s15 =	simm.s32 $0x0;
	s16 =	simm.s32 $0x0  }
.LBB2_6:
0x71: {  	_ =	swait.ge [sflag:s28], $0x1400  }
0x72: {  	s17 =	sshra.s32 s15, $0x2;
	p4 =	slt.u32 s16, $0x19;
	[sflag:s28] =	ssyncset.done $0x0  }
0x73: {  	p3 =	por p2, p2;
	s20 =	sadd.s32 $0x4E20, s17;
	[sflag:s28] =	ssyncadd.s32 $0xFFFFEC00  }
0x74: {  	[spmem:s3] =	stream.indirect.scatter.add.f32 [tilespmem:s30], [sflag:$0x7], $0x40, s20, s29, $0xb8;
	[tilespmem:$0x1F540] =	vst v63  }
0x75: {  	p3 =	por @!p4 p0, p0;
	p4 =	seq.s32 s15, $0x13240;
	_ =	swait.ge [sflag:s23], $0x1400  }
0x76: {  	s18 =	simm.s32 @p3 $0x50;
	p5 =	sne.s32 @!p4 s4, $0x0;
	[sflag:s23] =	ssyncset.done $0x0  }
0x77: {  	s19 =	simm.s32 @p3 $0x10040;
	p5 =	por p5, p4;
	[sflag:s23] =	ssyncadd.s32 $0xFFFFEC00  }
0x78: {  	[spmem:s5] =	stream.indirect.scatter.add.f32 @p3 [tilespmem:s19], [sflag:$0x6], $0x10, s20, s18, $0xb8;
	[tilespmem:$0x1F540] =	vst v63  }
0x79: {  	p6 =	por !p0, p4;
	s20 =	sshra.s32 @!p5 s15, $0x2  }
0x7a: {  	s22 =	simm.s32 @!p5 $0x50;
	s10 =	simm.s32 @!p5 $0x9C40;
	s21 =	sadd.s32 @!p5 $0x190, s20  }
0x7b: {  	[tilespmem:s10], [sflag:$0x1] =	stream.indirect.gather @!p5 [hbm4b:s1+s22], $0x40, s21, s22, $0xb8;
	[tilespmem:$0x1F540] =	vst v63  }
0x7c: {  	s10 =	sshra.s32 @!p6 s15, $0x2  }
0x7d: {  	s11 =	simm.s32 @!p6 $0x50;
	s25 =	simm.s32 @!p6 $0x9C40;
	s21 =	sadd.s32 @!p6 $0x190, s10  }
0x7e: {  	[tilespmem:s25], [sflag:$0x1] =	stream.indirect.gather @!p6 [hbm4b:s7+s11], $0x40, s21, s11, $0xb8;
	[tilespmem:$0x1F540] =	vst v63  }
0x7f: {  	_ =	swait.ge [sflag:s31], $0x1400  }
0x80: {  	[sflag:s31] =	ssyncset.done $0x0  }
0x81: {  	s21 =	sadd.s32 $0x4E70, s17;
	[sflag:s31] =	ssyncadd.s32 $0xFFFFEC00  }
0x82: {  	[spmem:s3] =	stream.indirect.scatter.add.f32 [tilespmem:s2], [sflag:$0x7], $0x40, s21, s29, $0xb8;
	[tilespmem:$0x1F540] =	vst v63  }
0x83: {  	_ =	swait.ge [sflag:s23], $0x1400  }
0x84: {  	[sflag:s23] =	ssyncset.done $0x0  }
0x85: {  	[sflag:s23] =	ssyncadd.s32 $0xFFFFEC00  }
0x86: {  	[spmem:s5] =	stream.indirect.scatter.add.f32 @p3 [tilespmem:s19], [sflag:$0x6], $0x10, s21, s18, $0xb8;
	[tilespmem:$0x1F540] =	vst v63  }
0x87: {  	s25 =	simm.s32 @!p5 $0xB040;
	s21 =	sadd.s32 @!p5 $0x1E0, s20  }
0x88: {  	[tilespmem:s25], [sflag:$0x2] =	stream.indirect.gather @!p5 [hbm4b:s1+s22], $0x40, s21, s22, $0xb8;
	[tilespmem:$0x1F540] =	vst v63  }
0x89: {  	s21 =	sadd.s32 @!p6 $0x1E0, s10;
	s25 =	simm.s32 @!p6 $0xB040  }
0x8a: {  	[tilespmem:s25], [sflag:$0x2] =	stream.indirect.gather @!p6 [hbm4b:s7+s11], $0x40, s21, s11, $0xb8;
	[tilespmem:$0x1F540] =	vst v63  }
0x8b: {  	_ =	swait.ge [sflag:s0], $0x1400  }
0x8c: {  	[sflag:s0] =	ssyncset.done $0x0  }
0x8d: {  	s21 =	sadd.s32 $0x4EC0, s17;
	[sflag:s0] =	ssyncadd.s32 $0xFFFFEC00  }
0x8e: {  	[spmem:s3] =	stream.indirect.scatter.add.f32 [tilespmem:s24], [sflag:$0x7], $0x40, s21, s29, $0xb8;
	[tilespmem:$0x1F540] =	vst v63  }
0x8f: {  	_ =	swait.ge [sflag:s23], $0x1400  }
0x90: {  	[sflag:s23] =	ssyncset.done $0x0  }
0x91: {  	[sflag:s23] =	ssyncadd.s32 $0xFFFFEC00  }
0x92: {  	[spmem:s5] =	stream.indirect.scatter.add.f32 @p3 [tilespmem:s19], [sflag:$0x6], $0x10, s21, s18, $0xb8;
	[tilespmem:$0x1F540] =	vst v63  }
0x93: {  	s25 =	simm.s32 @!p5 $0xC440;
	s21 =	sadd.s32 @!p5 $0x230, s20  }
0x94: {  	[tilespmem:s25], [sflag:$0x3] =	stream.indirect.gather @!p5 [hbm4b:s1+s22], $0x40, s21, s22, $0xb8;
	[tilespmem:$0x1F540] =	vst v63  }
0x95: {  	s21 =	sadd.s32 @!p6 $0x230, s10;
	s25 =	simm.s32 @!p6 $0xC440  }
0x96: {  	[tilespmem:s25], [sflag:$0x3] =	stream.indirect.gather @!p6 [hbm4b:s7+s11], $0x40, s21, s11, $0xb8;
	[tilespmem:$0x1F540] =	vst v63  }
0x97: {  	_ =	swait.ge [sflag:s6], $0x1400  }
0x98: {  	[sflag:s6] =	ssyncset.done $0x0  }
0x99: {  	s21 =	sadd.s32 $0x4F10, s17;
	[sflag:s6] =	ssyncadd.s32 $0xFFFFEC00  }
0x9a: {  	[spmem:s3] =	stream.indirect.scatter.add.f32 [tilespmem:s8], [sflag:$0x7], $0x40, s21, s29, $0xb8;
	[tilespmem:$0x1F540] =	vst v63  }
0x9b: {  	_ =	swait.ge [sflag:s23], $0x1400  }
0x9c: {  	[sflag:s23] =	ssyncset.done $0x0  }
0x9d: {  	[sflag:s23] =	ssyncadd.s32 $0xFFFFEC00  }
0x9e: {  	[spmem:s5] =	stream.indirect.scatter.add.f32 @p3 [tilespmem:s19], [sflag:$0x6], $0x10, s21, s18, $0xb8;
	[tilespmem:$0x1F540] =	vst v63  }
0x9f: {  	s20 =	sadd.s32 @!p5 $0x280, s20;
	s21 =	simm.s32 @!p5 $0xD840  }
0xa0: {  	[tilespmem:s21], [sflag:$0x4] =	stream.indirect.gather @!p5 [hbm4b:s1+s22], $0x40, s20, s22, $0xb8;
	[tilespmem:$0x1F540] =	vst v63  }
0xa1: {  	s10 =	sadd.s32 @!p6 $0x280, s10;
	s20 =	simm.s32 @!p6 $0xD840  }
0xa2: {  	[tilespmem:s20], [sflag:$0x4] =	stream.indirect.gather @!p6 [hbm4b:s7+s11], $0x40, s10, s11, $0xb8;
	[tilespmem:$0x1F540] =	vst v63  }
0xa3: {  	_ =	swait.ge [sflag:s9], $0x1400  }
0xa4: {  	[sflag:s9] =	ssyncset.done $0x0  }
0xa5: {  	s10 =	sadd.s32 $0x4F60, s17;
	[sflag:s9] =	ssyncadd.s32 $0xFFFFEC00  }
0xa6: {  	[spmem:s3] =	stream.indirect.scatter.add.f32 [tilespmem:s12], [sflag:$0x7], $0x40, s10, s29, $0xb8;
	[tilespmem:$0x1F540] =	vst v63  }
.Ltmp2:
0xa7: {  	_ = 	snop;
	(pc) =	sbr.rel @p4 .LBB2_8-.Ltmp2, $4  }
0xa8: {  	_ =	swait.ge [sflag:s23], $0x1400  }
0xa9: {  	[sflag:s23] =	ssyncset.done $0x0  }
0xaa: {  	[sflag:s23] =	ssyncadd.s32 $0xFFFFEC00  }
0xab: {  	[spmem:s5] =	stream.indirect.scatter.add.f32 @p3 [tilespmem:s19], [sflag:$0x6], $0x10, s10, s18, $0xb8;
	[tilespmem:$0x1F540] =	vst v63  }
0xac: {  	s10 =	sshra.s32 @!p1 s15, $0x2;
	s11 =	simm.s32 @!p1 $0x50  }
.Ltmp3:
0xad: {  	s17 =	simm.s32 @!p1 $0xEC40;
	s10 =	sadd.s32 @!p1 $0x2D0, s10;
	(pc) =	sbr.rel .LBB2_6-.Ltmp3, $4  }
0xae: {  	[tilespmem:s17], [sflag:$0x5] =	stream.indirect.gather @!p1 [hbm4b:s1+s11], $0x40, s10, s11, $0xb8;
	[tilespmem:$0x1F540] =	vst v63  }
0xaf: {  	s16 =	sadd.s32 $0x1, s16;
	s10 =	sshra.s32 @p0 s15, $0x2;
	s11 =	simm.s32 @p0 $0x50  }
0xb0: {  	s17 =	simm.s32 @p0 $0xEC40;
	s15 =	sadd.s32 $0x640, s15;
	s10 =	sadd.s32 @p0 $0x2D0, s10  }
0xb1: {  	[tilespmem:s17], [sflag:$0x5] =	stream.indirect.gather @p0 [hbm4b:s7+s11], $0x40, s10, s11, $0xb8;
	[tilespmem:$0x1F540] =	vst v63  }
.LBB2_8:
0xb2: {  	_ =	swait.ge [sflag:s13], $0x500;
	s15 =	simm.s32 $0x7C  }
0xb3: {  	s19 =	smov.u32 s26;
	[sflag:s13] =	ssyncset.done $0x0;
	s18 =	rddreg [dreg:$0x7]  }
.LBB2_9:
0xb4: {  	p3 =	sne.s32 s15, $0x1;
	s15 =	sadd.s32 $0xFFFFFFFF, s15;
	[sflag:s13] =	ssyncadd.s32 $0xFFFFFB00  }
.Ltmp4:
0xb5: {  	(pc) =	sbr.rel @p3 .LBB2_9-.Ltmp4, $3  }
0xb6: {  	_ =	sdelay $0x1  }
0xb7: {  	_ =	swait.ge [sflag:s13], $0x500  }
0xb8: {  	[sflag:s13] =	ssyncset.done $0x0  }
0xb9: {  	[sflag:s13] =	ssyncadd.s32 $0xFFFFFB00;
	s10 =	stileid.u32  }
0xba: {  	s10 =	sshll.u32 s10, $0x6;
	[bflag:$0x0] =	sbarrier.arrive $0xFFFF  }
0xbb: {  	s11 =	sshrl.u32 s18, $0x3;
	s10 =	sor.u32 $0x1C07, s10;
	s15 =	rddreg [dreg:$0x10]  }
0xbc: {  	[hbm:s15], [sflag:s10] =	dma.local [spmem:s11], $0x1400  }
0xbd: {  	_ =	swait.ge [sflag:s23], $0x1400  }
0xbe: {  	[sflag:s23] =	ssyncset.done $0x0  }
0xbf: {  	s22 =	sshrl.u32 s19, $0x3;
	s25 =	rddreg [dreg:$0x11];
	[sflag:s23] =	ssyncadd.s32 $0xFFFFEC00  }
0xc0: {  	[hbm:s25], [sflag:s10] =	dma.local [spmem:s22], $0x500  }
0xc1: {  	_ =	swait.ge [sflag:s23], $0x500  }
0xc2: {  	s14 =	sadd.s32 $0x1, s14;
	s26 =	rddreg [dreg:$0x12]  }
0xc3: {  	p3 =	sne.s32 s14, s26  }
.Ltmp5:
0xc4: {  	_ = 	snop;
	(pc) =	sbr.rel @p3 .LBB2_1-.Ltmp5, $3  }
0xc5: {  	_ =	sdelay $0x1  }
0xc6: {  	[sflag:s23] =	ssyncset.done $0x0  }
0xc7: {  	[sflag:s23] =	ssyncadd.s32 $0xFFFFFB00  }
0xc8: {  	_ =	sfence.sel $0x180000  }
0xc9: {  	[bflag:$0x0] =	sbarrier.arrive $0xFFFF  }
0xca: {  	_ =	strace $0x90000047  }
0xcb: {  	s0 =	stileid.u32;
	[bflag:$0x2] =	sbarrier.arrive $0xFFFF  }
0xcc: {  	p0 =	sne.s32 s0, $0x0;
	s0 =	rddreg [dreg:$0x4]  }
0xcd: {  	s0 =	sadd.s32 @!p0 $0x100000, s0  }
0xce: {  	[sflag:s0] =	ssyncadd.tile.s32 @!p0 $0x1;
	_ =	shalt  }
.Lfunc_end2:
_tile_overlayer_lowered:
.L_overlay_start_2:
0xcf: {  	(tag) =	ssettag $0x2  }
0xd0: {  	s0 =	rddreg [dreg:$0x0];
	s2 =	stileid.u32  }
0xd1: {  	s1 =	rddreg [dreg:$0x1];
	p0 =	sne.s32 s2, $0x0  }
0xd2: {  	s3 =	rddreg [dreg:$0x2];
	[bflag:$0x3] =	sbarrier.arrive $0xFFFF;
	s2 =	simm.s32 @!p0 $0x1C07  }
0xd3: {  	[timem:s3], [sflag:s2] =	dma.local @!p0 [hbm:s0], s1  }
0xd4: {  	s0 =	simm.s32 @!p0 $0x7  }
0xd5: {  	_ =	swait.ge @!p0 [sflag:s0], s1  }
0xd6: {  	s1 =	ssub.s32 @!p0 $0x0, s1;
	[sflag:s0] =	ssyncset.done @!p0 $0x0  }
0xd7: {  	[sflag:s0] =	ssyncadd.s32 @!p0 s1  }
0xd8: {  	[bflag:$0x3] =	sbarrier.arrive $0xFFFF  }
0xd9: {  	_ =	shalt  }

// kernel: kernel.9.cloned.1.call-start
scs
__scs_entry_jumppad:
0x0: {  	(pc) =	sbr.rel $0x88, $3  }
0x1: {  	(tag) =	ssettag $0x0;
	lr =	simm.s32 $0x1  }
0x2: {  	[smem:$0x3F99] =	sst lr;
	_ =	strace $0xD0000000  }
0x3: {  	_ = 	snop  }
0x4: {  	_ = 	snop  }
0x5: {  	_ = 	snop  }
0x6: {  	_ = 	snop  }
0x7: {  	_ = 	snop  }
__scs_overlays_trampoline_lowered:
0x8: {  	[smem:$0x3FA8] =	sst s0  }
0x9: {  	[smem:$0x3FA9] =	sst s1  }
0xa: {  	[smem:$0x3FAA] =	sst s2  }
0xb: {  	[smem:$0x3FAB] =	sst s3  }
0xc: {  	[smem:$0x3FAC] =	sst s4  }
0xd: {  	[smem:$0x3FAD] =	sst s5  }
0xe: {  	[smem:$0x3FAE] =	sst s6  }
0xf: {  	[smem:$0x3FAF] =	sst s7  }
0x10: {  	[smem:$0x3FB0] =	sst s8  }
0x11: {  	[smem:$0x3FB1] =	sst s9;
	s0 =	simm.s32 @!p0 $0x0  }
0x12: {  	s1 =	sld [smem:$0x3F97];
	s0 =	simm.s32 @p0 $0x1  }
0x13: {  	[smem:$0x3FB2] =	sst s0;
	s0 =	simm.s32 @!p1 $0x0  }
0x14: {  	s2 =	sld [smem:$0x3F96];
	s0 =	simm.s32 @p1 $0x1  }
0x15: {  	[smem:$0x3FB3] =	sst s0;
	s0 =	simm.s32 @!p2 $0x0  }
0x16: {  	s3 =	sld [smem:$0x3FDB];
	s0 =	simm.s32 @p2 $0x1  }
0x17: {  	s4 =	simm.s32 $0x1BF5;
	[smem:$0x3FB5] =	sst s0  }
0x18: {  	s0 =	sld [smem:$0x3F98];
	_ =	swait.ge [sflag:s4], $0x0  }
0x19: {  	s7 =	sld [smem:$0x3F99]  }
0x1a: {  	s8 =	sadd.s32 $0xFFFFE003, lr  }
0x1b: {  	s9 =	sadd.s32 $0xFFFFFEF7, lr;
	s5 =	simm.s32 $0xFFFFFFFF;
	p2 =	slt.u32 s8, $0xFFFFF086  }
0x1c: {  	p1 =	slt.u32 s9, $0xF7A;
	s5 =	simm.s32 @!p2 $0x0  }
0x1d: {  	s5 =	simm.s32 @p1 $0x1;
	p0 =	seq.s32 s7, s2  }
0x1e: {  	s7 =	smul.u32 @!p0 $0xF7A, s2;
	p2 =	seq.s32 @!p0 s5, $0x0  }
0x1f: {  	s9 =	smul.u32 $0xF7A, s1;
	s8 =	simm.s32 @!p0 $0x1BF5;
	p2 =	por !p2, p0  }
0x20: {  	[sflag:s8] =	ssyncset.s32 @!p0 $0xFFFFF086;
	s6 =	sadd.s32 @!p0 s3, s7;
	s7 =	simm.s32 @!p0 $0x108  }
0x21: {  	s3 =	sadd.s32 s3, s9;
	s6 =	sadd.s32 @!p0 $0x88, s6;
	s7 =	simm.s32 @p2 $0x1082  }
0x22: {  	[simem:s7], [sflag:s8] =	dma.local @!p0 [hbm:s6], $0xF7A  }
0x23: {  	s9 =	sor.u32 $0xD0000000, s2;
	s6 =	simm.s32 $0x108;
	_ =	swait.ge @!p0 [sflag:s8], $0x0  }
0x24: {  	s3 =	sadd.s32 $0x88, s3;
	s6 =	simm.s32 @!p1 $0x1082;
	[sflag:s4] =	ssyncset.s32 $0xFFFFF086  }
0x25: {  	[simem:s6], [sflag:s4] =	dma.local [hbm:s3], $0xF7A  }
0x26: {  	[smem:$0x3F99] =	sst s1;
	(tag) =	ssettag s2;
	_ =	strace s9  }
0x27: {  	s1 =	sld [smem:$0x3FA9]  }
0x28: {  	s2 =	sld [smem:$0x3FAA]  }
0x29: {  	s4 =	sld [smem:$0x3FAC]  }
0x2a: {  	p0 =	seq.s32 s5, $0x0;
	s5 =	sld [smem:$0x3FAD]  }
0x2b: {  	s6 =	sld [smem:$0x3FAE]  }
0x2c: {  	s7 =	sld [smem:$0x3FAF]  }
0x2d: {  	s3 =	simm.s32 $0x108;
	s8 =	sld [smem:$0x3FB0]  }
0x2e: {  	s3 =	simm.s32 @!p0 $0x1082;
	s9 =	sld [smem:$0x3FB1]  }
0x2f: {  	lr =	sadd.s32 s0, s3;
	s0 =	sld [smem:$0x3FA8]  }
0x30: {  	s3 =	sld [smem:$0x3FAB]  }
0x31: {  	[smem:$0x3FB4] =	sst s10  }
0x32: {  	s10 =	sld [smem:$0x3FB2];
	_ =	sdelay $0x3  }
0x33: {  	p0 =	seq.s32 s10, $0x1;
	s10 =	sld [smem:$0x3FB4];
	_ =	sdelay $0x3  }
0x34: {  	[smem:$0x3FB4] =	sst s10  }
0x35: {  	s10 =	sld [smem:$0x3FB3];
	_ =	sdelay $0x3  }
0x36: {  	p1 =	seq.s32 s10, $0x1;
	s10 =	sld [smem:$0x3FB4];
	_ =	sdelay $0x3  }
0x37: {  	[smem:$0x3FB4] =	sst s10  }
0x38: {  	s10 =	sld [smem:$0x3FB5]  }
0x39: {  	_ = 	snop;
	(pc) =	sbr.ind lr, $3  }
0x3a: {  	_ = 	snop  }
0x3b: {  	_ = 	snop  }
0x3c: {  	p2 =	seq.s32 s10, $0x1;
	s10 =	sld [smem:$0x3FB4]  }
0x3d: {  	_ =	shalt  }
0x3e: {  	_ =	shalt  }
0x3f: {  	_ =	shalt  }
0x40: {  	_ =	shalt  }
0x41: {  	_ =	shalt  }
0x42: {  	_ =	shalt  }
0x43: {  	_ =	shalt  }
0x44: {  	_ =	shalt  }
0x45: {  	_ =	shalt  }
0x46: {  	_ =	shalt  }
0x47: {  	_ =	shalt  }
0x48: {  	_ =	shalt  }
0x49: {  	_ =	shalt  }
0x4a: {  	_ =	shalt  }
0x4b: {  	_ =	shalt  }
0x4c: {  	_ =	shalt  }
0x4d: {  	_ =	shalt  }
0x4e: {  	_ =	shalt  }
0x4f: {  	_ =	shalt  }
0x50: {  	_ =	shalt  }
0x51: {  	_ =	shalt  }
0x52: {  	_ =	shalt  }
0x53: {  	_ =	shalt  }
0x54: {  	_ =	shalt  }
0x55: {  	_ =	shalt  }
0x56: {  	_ =	shalt  }
0x57: {  	_ =	shalt  }
0x58: {  	_ =	shalt  }
0x59: {  	_ =	shalt  }
0x5a: {  	_ =	shalt  }
0x5b: {  	_ =	shalt  }
0x5c: {  	_ =	shalt  }
0x5d: {  	_ =	shalt  }
0x5e: {  	_ =	shalt  }
0x5f: {  	_ =	shalt  }
0x60: {  	_ =	shalt  }
0x61: {  	_ =	shalt  }
0x62: {  	_ =	shalt  }
0x63: {  	_ =	shalt  }
0x64: {  	_ =	shalt  }
0x65: {  	_ =	shalt  }
0x66: {  	_ =	shalt  }
0x67: {  	_ =	shalt  }
0x68: {  	_ =	shalt  }
0x69: {  	_ =	shalt  }
0x6a: {  	_ =	shalt  }
0x6b: {  	_ =	shalt  }
0x6c: {  	_ =	shalt  }
0x6d: {  	_ =	shalt  }
0x6e: {  	_ =	shalt  }
0x6f: {  	_ =	shalt  }
0x70: {  	_ =	shalt  }
0x71: {  	_ =	shalt  }
0x72: {  	_ =	shalt  }
0x73: {  	_ =	shalt  }
0x74: {  	_ =	shalt  }
0x75: {  	_ =	shalt  }
0x76: {  	_ =	shalt  }
0x77: {  	_ =	shalt  }
0x78: {  	_ =	shalt  }
0x79: {  	_ =	shalt  }
0x7a: {  	_ =	shalt  }
0x7b: {  	_ =	shalt  }
0x7c: {  	_ =	shalt  }
0x7d: {  	_ =	shalt  }
0x7e: {  	_ =	shalt  }
0x7f: {  	_ =	shalt  }
0x80: {  	_ =	shalt  }
0x81: {  	_ =	shalt  }
0x82: {  	_ =	shalt  }
0x83: {  	_ =	shalt  }
0x84: {  	_ =	shalt  }
0x85: {  	_ =	shalt  }
0x86: {  	_ =	shalt  }
0x87: {  	_ =	shalt  }
.Lfunc_end0:
.L_simem_size_0:
called_computation.1_lowered:
.L_overlay_start_0:
0x88: {  	s2 =	sld [smem:$0x3FD9]  }
0x89: {  	s3 =	sld [smem:$0x3FFE];
	_ =	sdelay $0x1  }
0x8a: {  	s1 =	srdreg.scid  }
0x8b: {  	s0 =	sand.u32 $0x1, s1  }
0x8c: {  	s17 =	sshll.u32 s0, $0xA;
	s2 =	sadd.s32 s3, s2  }
0x8d: {  	s2 =	sadd.s32 s2, s17  }
0x8e: {  	[smem:$0x3FC0] =	sst s2  }
0x8f: {  	_ = 	snop  }
0x90: {  	s2 =	sld [smem:$0x3FD0];
	(tm) =	ssettm $0x1  }
0x91: {  	s18 =	sld [smem:$0x3FFB];
	_ =	sdelay $0x3  }
0x92: {  	_ =	strace s18  }
0x93: {  	s3 =	sld [smem:$0x3FFC];
	_ =	sdelay $0x3  }
0x94: {  	_ =	strace s3  }
0x95: {  	s3 =	sld [smem:$0x3FFD];
	_ =	sdelay $0x3  }
0x96: {  	_ =	strace s3  }
0x97: {  	_ =	strace $0x8FFFFFFF  }
0x98: {  	s19 =	sld [smem:$0x3FDB];
	_ =	sdelay $0x1  }
0x99: {  	s4 =	simm.s32 $_scs_section_size  }
0x9a: {  	s5 =	simm.s32 $_size__tile_overlayer_lowered;
	s6 =	simm.s32 $_tile_overlayer_lowered  }
0x9b: {  	s22 =	simm.s32 $0x1BFF;
	s21 =	sshll.u32 s6, $0x1;
	s3 =	sadd.s32 s4, s19  }
0x9c: {  	s7 =	simm.s32 $0x0;
	s20 =	sshll.u32 s5, $0x1;
	s5 =	sadd.s32 s21, s3  }
0x9d: {  	[timem:s7], [sflag:s22] =	dma.local [hbm:s5], s20  }
0x9e: {  	_ =	swait.ge [sflag:s22], s20  }
0x9f: {  	s4 =	ssub.s32 $0x0, s20;
	[sflag:s22] =	ssyncset.done $0x0  }
0xa0: {  	[sflag:s22] =	ssyncadd.s32 s4;
	_ =	sdelay $0x1  }
0xa1: {  	s23 =	simm.s32 $0x1B8B  }
0xa2: {  	_ =	swait.ge [sflag:s23], $0x1  }
0xa3: {  	[sflag:s23] =	ssyncset.done $0x0  }
0xa4: {  	s25 =	simm.s32 $0x1B8E;
	s24 =	sld [smem:$0x3FFE];
	[sflag:s23] =	ssyncadd.s32 $0xFFFFFFFF  }
0xa5: {  	s26 =	simm.s32 $execute0_lowered;
	[smem:$0x3FD2] =	sst s25  }
0xa6: {  	s5 =	sshll.u32 s26, $0x1;
	_ =	strace $0x80000049;
	[dreg:$0x1] =	wrdreg $0xFFFFFFFF  }
0xa7: {  	s28 =	simm.s32 $_size_execute0_lowered;
	s3 =	sadd.s32 s3, s5;
	[dreg:$0x0] =	wrdreg $0x0  }
0xa8: {  	s5 =	sshll.u32 s28, $0x1;
	[dreg:$0x2] =	wrdreg s3  }
0xa9: {  	[dreg:$0x3] =	wrdreg s5  }
0xaa: {  	[dreg:$0x4] =	wrdreg $0xC0  }
0xab: {  	_ =	task [dreg:s7], $0x5FFFF  }
0xac: {  	[dreg:$0x1] =	wrdreg $0xFFFFFFFF  }
0xad: {  	[dreg:$0x0] =	wrdreg $0x60  }
0xae: {  	[dreg:$0x2] =	wrdreg s2  }
0xaf: {  	[dreg:$0x3] =	wrdreg s24  }
0xb0: {  	[dreg:$0x4] =	wrdreg $0x128400  }
0xb1: {  	[dreg:$0x5] =	wrdreg $0x9  }
0xb2: {  	_ =	task.clear_ibuf [dreg:s7], $0x6FFFF;
	_ =	strace $0x90000049  }
0xb3: {  	s29 =	simm.s32 $0x9;
	_ =	strace $0x8000004B  }
0xb4: {  	_ =	swait.ge [sflag:s29], $0x1  }
0xb5: {  	[sflag:s29] =	ssyncadd.s32 $0xFFFFFFFF  }
0xb6: {  	_ =	strace $0x9000004B  }
0xb7: {  	_ =	sfence  }
0xb8: {  	s30 =	sld [smem:$0x0];
	_ =	sdelay $0x2  }
0xb9: {  	s31 =	sshll.u32 s1, $0xD;
	s1 =	sshrl.u32 s1, $0x2  }
0xba: {  	s3 =	sand.u32 $0x4000, s31;
	s1 =	sadd.s32 s1, s30  }
0xbb: {  	s0 =	sor.u32 s3, s0;
	s1 =	sshll.u32 s1, $0x11  }
0xbc: {  	s0 =	sor.u32 s1, s0  }
0xbd: {  	s0 =	sadd.s32 $0x8F2B, s0  }
0xbe: {  	[sflag:s0] =	ssyncadd.remote.s32 $0x1  }
0xbf: {  	_ =	sfence.sel $0xFFFF  }
0xc0: {  	[dreg:$0x0] =	wrdreg $0xFFFFFFFF;
	(pc) =	sbr.abs _section_cstart, $3  }
0xc1: {  	[dreg:$0x1] =	wrdreg $0xFFFFFFFF  }
0xc2: {  	_ =	task.clear_ibuf [dreg:s7], $0x2FFFF;
	_ =	strace $0x9FFFFFFF  }
0xc3: {  	(tm) =	ssettm $0x7FFFFFFF  }
tec
execute0_lowered:
.L_overlay_start_1:
0x0: {  	(tag) =	ssettag $0x1  }
0x1: {  	s2 =	rddreg [dreg:$0x0]  }
0x2: {  	s0 =	rddreg [dreg:$0x1]  }
0x3: {  	s3 =	rddreg [dreg:$0x2]  }
0x4: {  	s4 =	stileid.u32;
	s1 =	srdreg.scid;
	s6 =	simm.s32 $0x0  }
0x5: {  	s17 =	simm.s32 $0x6;
	s19 =	simm.s32 $0x10040;
	s29 =	simm.s32 $0xEC40  }
0x6: {  	s30 =	simm.s32 $0x1;
	s31 =	simm.s32 $0x3;
	s20 =	smul.u32 $0xA000, s4  }
0x7: {  	s5 =	sand.u32 $0x1, s1;
	[smem:$0x7FF] =	sst s6;
	s8 =	smul.u32 $0x9C4, s4  }
0x8: {  	s6 =	sadd.s32 $0x15400, s0;
	s10 =	smul.u32 $0x28000, s4;
	s1 =	simm.s32 $0x0  }
0x9: {  	s7 =	smul.u32 $0xA0000, s5;
	_ =	strace $0x8000004A;
	s9 =	ssub.s32 $0x2, s5  }
0xa: {  	p0 =	seq.s32 s5, $0x0;
	s15 =	smov.u32 s6;
	s8 =	sadd.s32 s8, s0  }
0xb: {  	s21 =	sshrl.u32 s9, $0x1;
	s10 =	sshrl.u32 s10, $0x2;
	s15 =	smov.u32 @p0 s2  }
0xc: {  	s7 =	sadd.s32 s20, s7;
	s16 =	ssub.s32 s9, s21;
	s22 =	sadd.s32 $0xB600, s8  }
0xd: {  	s23 =	sadd.s32 $0x1800, s8;
	s9 =	sadd.s32 s20, s3;
	s24 =	sadd.s32 s10, s3  }
0xe: {  	s20 =	simm.s32 $0x50;
	s21 =	simm.s32 $0x9C40;
	[dreg:$0x4] =	wrdreg s22  }
.Ltmp0:
0xf: {  	s7 =	sshrl.u32 s7, $0x3;
	[dreg:$0x5] =	wrdreg s23;
	(pc) =	sbr.rel .LBB2_1-.Ltmp0, $4  }
0x10: {  	s25 =	sadd.s32 $0x2000, s24;
	s26 =	sadd.s32 $0x4000, s24;
	s28 =	sadd.s32 $0x6000, s24  }
0x11: {  	s13 =	sadd.s32 $0x8000, s24;
	s16 =	smax.u32 s16, $0x1;
	[dreg:$0x6] =	wrdreg s25  }
0x12: {  	s24 =	simm.s32 $0xC440;
	s0 =	sadd.s32 s7, s0;
	[dreg:$0x7] =	wrdreg s26  }
0x13: {  	v0 =	vimm.f32 $0.0e+00;
	[dreg:$0x8] =	wrdreg s28;
	s14 =	sadd.s32 $0x28E00, s0;
	s0 =	simm.s32 $0x5  }
.LBB2_6:
0x14: {  	s4 =	stileid.u32;
	s1 =	sadd.s32 $0x1, s1  }
0x15: {  	[bflag:$0x0] =	sbarrier.arrive $0xFFFF;
	s4 =	sshll.u32 s4, $0x6;
	p0 =	sne.s32 s1, s16  }
.Ltmp1:
0x16: {  	s7 =	sshrl.u32 s9, $0x3;
	s4 =	sor.u32 $0x1C06, s4;
	(pc) =	sbr.rel @!p0 .LBB2_7-.Ltmp1, $4  }
0x17: {  	[hbm:s14], [sflag:s4] =	dma.local [spmem:s7], $0x1400  }
0x18: {  	_ =	swait.ge [sflag:s17], $0x1400  }
0x19: {  	[sflag:s17] =	ssyncset.done $0x0  }
0x1a: {  	[sflag:s17] =	ssyncadd.s32 $0xFFFFEC00  }
.LBB2_1:
0x1b: {  	s4 =	simm.s32 $0x0;
	s7 =	rddreg [dreg:$0x4]  }
0x1c: {  	[tilespmem:s4], [sflag:$0x6] =	stream.linear.gather [hbm4b:s7+s4], $0x4E20, $0x38;
	[tilespmem:$0x1C840] =	vst v63  }
0x1d: {  	_ =	swait.ge [sflag:s17], $0x4E20  }
0x1e: {  	[sflag:s17] =	ssyncset.done $0x0  }
0x1f: {  	s8 =	simm.s32 $0x4E20;
	s28 =	rddreg [dreg:$0x5];
	[sflag:s17] =	ssyncadd.s32 $0xFFFFB1E0  }
0x20: {  	[tilespmem:s8], [sflag:$0x6] =	stream.linear.gather [hbm4b:s28+s4], $0x4E20, $0x38;
	[tilespmem:$0x1C840] =	vst v63  }
0x21: {  	_ =	swait.ge [sflag:s17], $0x4E20  }
0x22: {  	[sflag:s17] =	ssyncset.done $0x0  }
0x23: {  	s18 =	simm.s32 $0x10060;
	[sflag:s17] =	ssyncadd.s32 $0xFFFFB1E0  }
0x24: {  	[tilespmem:s18+$0x0] =	vst v0  }
0x25: {  	[tilespmem:s18+$0xFFFFFFE0] =	vst v0  }
0x26: {  	[tilespmem:s18+$0x10] =	vst v0  }
0x27: {  	s22 =	simm.s32 $0x40;
	s23 =	simm.s32 $0x0;
	[tilespmem:s18+$0xFFFFFFF0] =	vst v0  }
.LBB2_2:
0x28: {  	p0 =	sne.s32 s22, $0x1FC0  }
0x29: {  	[tilespmem:s23+$0x12040] =	vst v0;
	s18 =	sadd.s32 $0x40, s18;
	s23 =	smov.u32 s22;
	s22 =	sadd.s32 $0x40, s22  }
.Ltmp2:
0x2a: {  	[tilespmem:s18+$0x0] =	vst v0;
	(pc) =	sbr.rel @p0 .LBB2_2-.Ltmp2, $4  }
0x2b: {  	_ = 	snop  }
0x2c: {  	[tilespmem:s18+$0xFFFFFFE0] =	vst v0  }
0x2d: {  	[tilespmem:s18+$0x10] =	vst v0  }
0x2e: {  	s23 =	sshra.s32 s23, $0x2;
	[tilespmem:s18+$0xFFFFFFF0] =	vst v0  }
0x2f: {  	[tilespmem:s23+$0x12040] =	vst v0  }
0x30: {  	[spmem:s9] =	stream.linear.scatter [tilespmem:s19], [sflag:$0x6], $0x2000, $0x38;
	[tilespmem:$0x1C840] =	vst v63  }
0x31: {  	_ =	swait.ge [sflag:s17], $0x2000  }
0x32: {  	[sflag:s17] =	ssyncset.done $0x0  }
0x33: {  	s4 =	rddreg [dreg:$0x6];
	[sflag:s17] =	ssyncadd.s32 $0xFFFFE000  }
0x34: {  	[spmem:s4] =	stream.linear.scatter [tilespmem:s19], [sflag:$0x6], $0x2000, $0x38;
	[tilespmem:$0x1C840] =	vst v63  }
0x35: {  	_ =	swait.ge [sflag:s17], $0x2000  }
0x36: {  	[sflag:s17] =	ssyncset.done $0x0  }
0x37: {  	s18 =	rddreg [dreg:$0x7];
	[sflag:s17] =	ssyncadd.s32 $0xFFFFE000  }
0x38: {  	[spmem:s18] =	stream.linear.scatter [tilespmem:s19], [sflag:$0x6], $0x2000, $0x38;
	[tilespmem:$0x1C840] =	vst v63  }
0x39: {  	_ =	swait.ge [sflag:s17], $0x2000  }
0x3a: {  	[sflag:s17] =	ssyncset.done $0x0  }
0x3b: {  	s22 =	rddreg [dreg:$0x8];
	[sflag:s17] =	ssyncadd.s32 $0xFFFFE000  }
0x3c: {  	[spmem:s22] =	stream.linear.scatter [tilespmem:s19], [sflag:$0x6], $0x2000, $0x38;
	[tilespmem:$0x1C840] =	vst v63  }
0x3d: {  	_ =	swait.ge [sflag:s17], $0x2000  }
0x3e: {  	[sflag:s17] =	ssyncset.done $0x0  }
0x3f: {  	[sflag:s17] =	ssyncadd.s32 $0xFFFFE000  }
0x40: {  	[spmem:s13] =	stream.linear.scatter [tilespmem:s19], [sflag:$0x6], $0x2000, $0x38;
	[tilespmem:$0x1C840] =	vst v63  }
0x41: {  	_ =	swait.ge [sflag:s17], $0x2000  }
0x42: {  	[sflag:s17] =	ssyncset.done $0x0  }
0x43: {  	[sflag:s17] =	ssyncadd.s32 $0xFFFFE000  }
0x44: {  	s18 =	simm.s32 $0x0;
	[bflag:$0x0] =	sbarrier.arrive $0xFFFF  }
0x45: {  	[tilespmem:s21], [sflag:$0x1] =	stream.indirect.gather [hbm4b:s15+s20], $0x40, s18, s20, $0xb8;
	[tilespmem:$0x1C840] =	vst v63  }
0x46: {  	s23 =	simm.s32 $0xB040  }
0x47: {  	[tilespmem:s23], [sflag:$0x2] =	stream.indirect.gather [hbm4b:s15+s20], $0x40, s20, s20, $0xb8;
	[tilespmem:$0x1C840] =	vst v63  }
0x48: {  	s25 =	simm.s32 $0xA0  }
0x49: {  	[tilespmem:s24], [sflag:$0x3] =	stream.indirect.gather [hbm4b:s15+s20], $0x40, s25, s20, $0xb8;
	[tilespmem:$0x1C840] =	vst v63  }
0x4a: {  	s26 =	simm.s32 $0xF0;
	s7 =	simm.s32 $0xD840  }
0x4b: {  	[tilespmem:s7], [sflag:$0x4] =	stream.indirect.gather [hbm4b:s15+s20], $0x40, s26, s20, $0xb8;
	[tilespmem:$0x1C840] =	vst v63  }
0x4c: {  	s28 =	simm.s32 $0x140  }
0x4d: {  	[tilespmem:s29], [sflag:$0x5] =	stream.indirect.gather [hbm4b:s15+s20], $0x40, s28, s20, $0xb8;
	[tilespmem:$0x1C840] =	vst v63  }
.LBB2_4:
0x4e: {  	_ =	swait.ge [sflag:s30], $0x1400  }
0x4f: {  	s22 =	sshra.s32 s18, $0x2;
	[sflag:s30] =	ssyncset.done $0x0  }
0x50: {  	s23 =	sadd.s32 $0x4E20, s22;
	[sflag:s30] =	ssyncadd.s32 $0xFFFFEC00  }
0x51: {  	[spmem:s3] =	stream.indirect.scatter.add.f32 [tilespmem:s21], [sflag:$0x6], $0x40, s23, s20, $0xb8;
	[tilespmem:$0x1C840] =	vst v63  }
0x52: {  	_ =	swait.ge [sflag:s17], $0x1400  }
0x53: {  	p0 =	seq.s32 s18, $0x13240;
	[sflag:s17] =	ssyncset.done $0x0  }
0x54: {  	s23 =	simm.s32 @p0 $0x2;
	[sflag:s17] =	ssyncadd.s32 $0xFFFFEC00  }
0x55: {  	_ =	swait.ge @p0 [sflag:s23], $0x1400  }
0x56: {  	[sflag:s23] =	ssyncset.done @p0 $0x0  }
0x57: {  	[sflag:s23] =	ssyncadd.s32 @p0 $0xFFFFEC00;
	s23 =	sshra.s32 @p0 s18, $0x2  }
0x58: {  	s26 =	simm.s32 @p0 $0x50;
	s28 =	simm.s32 @p0 $0xB040;
	s25 =	sadd.s32 @p0 $0x4E70, s23  }
0x59: {  	[spmem:s3] =	stream.indirect.scatter.add.f32 @p0 [tilespmem:s28], [sflag:$0x6], $0x40, s25, s26, $0xb8;
	[tilespmem:$0x1C840] =	vst v63  }
0x5a: {  	s25 =	simm.s32 @p0 $0x6  }
0x5b: {  	_ =	swait.ge @p0 [sflag:s25], $0x1400  }
0x5c: {  	s7 =	simm.s32 @!p0 $0x50;
	s28 =	sshra.s32 @!p0 s18, $0x2;
	[sflag:s25] =	ssyncset.done @p0 $0x0  }
0x5d: {  	s8 =	simm.s32 @!p0 $0x9C40;
	s4 =	sadd.s32 @!p0 $0x190, s28;
	[sflag:s25] =	ssyncadd.s32 @p0 $0xFFFFEC00  }
0x5e: {  	[tilespmem:s8], [sflag:$0x1] =	stream.indirect.gather @!p0 [hbm4b:s15+s7], $0x40, s4, s7, $0xb8;
	[tilespmem:$0x1C840] =	vst v63  }
0x5f: {  	s4 =	simm.s32 @!p0 $0x2  }
0x60: {  	_ =	swait.ge @!p0 [sflag:s4], $0x1400  }
0x61: {  	[sflag:s4] =	ssyncset.done @!p0 $0x0  }
0x62: {  	s8 =	simm.s32 @!p0 $0xB040;
	[sflag:s4] =	ssyncadd.s32 @!p0 $0xFFFFEC00;
	s4 =	sadd.s32 @!p0 $0x4E70, s28  }
0x63: {  	[spmem:s3] =	stream.indirect.scatter.add.f32 @!p0 [tilespmem:s8], [sflag:$0x6], $0x40, s4, s7, $0xb8;
	[tilespmem:$0x1C840] =	vst v63  }
0x64: {  	p2 =	sne.s32 @!p0 s5, $0x0;
	s4 =	simm.s32 @!p0 $0x6  }
0x65: {  	p1 =	por !p2, p0;
	_ =	swait.ge @!p0 [sflag:s4], $0x1400  }
0x66: {  	p2 =	por p2, p0;
	s10 =	simm.s32 @!p1 $0x50;
	[sflag:s4] =	ssyncset.done @!p0 $0x0  }
0x67: {  	s11 =	simm.s32 @!p1 $0xB040;
	s8 =	sadd.s32 @!p0 $0x1E0, s28;
	[sflag:s4] =	ssyncadd.s32 @!p0 $0xFFFFEC00  }
0x68: {  	[tilespmem:s11], [sflag:$0x2] =	stream.indirect.gather @!p1 [hbm4b:s6+s10], $0x40, s8, s10, $0xb8;
	[tilespmem:$0x1C840] =	vst v63  }
0x69: {  	s12 =	simm.s32 @!p2 $0xB040;
	s11 =	simm.s32 @!p2 $0x50  }
0x6a: {  	[tilespmem:s12], [sflag:$0x2] =	stream.indirect.gather @!p2 [hbm4b:s2+s11], $0x40, s8, s11, $0xb8;
	[tilespmem:$0x1C840] =	vst v63  }
0x6b: {  	_ =	swait.ge [sflag:s31], $0x1400  }
0x6c: {  	[sflag:s31] =	ssyncset.done $0x0  }
0x6d: {  	s12 =	sadd.s32 $0x4EC0, s22;
	[sflag:s31] =	ssyncadd.s32 $0xFFFFEC00  }
0x6e: {  	[spmem:s3] =	stream.indirect.scatter.add.f32 [tilespmem:s24], [sflag:$0x6], $0x40, s12, s20, $0xb8;
	[tilespmem:$0x1C840] =	vst v63  }
0x6f: {  	_ =	swait.ge [sflag:s17], $0x1400  }
0x70: {  	[sflag:s17] =	ssyncset.done $0x0  }
0x71: {  	s8 =	simm.s32 @p0 $0x4;
	[sflag:s17] =	ssyncadd.s32 $0xFFFFEC00  }
0x72: {  	_ =	swait.ge @p0 [sflag:s8], $0x1400  }
0x73: {  	[sflag:s8] =	ssyncset.done @p0 $0x0  }
0x74: {  	s12 =	simm.s32 @p0 $0xD840;
	[sflag:s8] =	ssyncadd.s32 @p0 $0xFFFFEC00;
	s8 =	sadd.s32 @p0 $0x4F10, s23  }
0x75: {  	[spmem:s3] =	stream.indirect.scatter.add.f32 @p0 [tilespmem:s12], [sflag:$0x6], $0x40, s8, s26, $0xb8;
	[tilespmem:$0x1C840] =	vst v63  }
0x76: {  	_ =	swait.ge @p0 [sflag:s25], $0x1400  }
0x77: {  	[sflag:s25] =	ssyncset.done @p0 $0x0  }
0x78: {  	s8 =	sadd.s32 @!p0 $0x230, s28;
	s12 =	simm.s32 @!p0 $0xC440;
	[sflag:s25] =	ssyncadd.s32 @p0 $0xFFFFEC00  }
0x79: {  	[tilespmem:s12], [sflag:$0x3] =	stream.indirect.gather @!p0 [hbm4b:s15+s7], $0x40, s8, s7, $0xb8;
	[tilespmem:$0x1C840] =	vst v63  }
0x7a: {  	s8 =	simm.s32 @!p0 $0x4  }
0x7b: {  	_ =	swait.ge @!p0 [sflag:s8], $0x1400  }
0x7c: {  	[sflag:s8] =	ssyncset.done @!p0 $0x0  }
0x7d: {  	s12 =	simm.s32 @!p0 $0xD840;
	[sflag:s8] =	ssyncadd.s32 @!p0 $0xFFFFEC00;
	s8 =	sadd.s32 @!p0 $0x4F10, s28  }
0x7e: {  	[spmem:s3] =	stream.indirect.scatter.add.f32 @!p0 [tilespmem:s12], [sflag:$0x6], $0x40, s8, s7, $0xb8;
	[tilespmem:$0x1C840] =	vst v63  }
0x7f: {  	_ =	swait.ge @!p0 [sflag:s4], $0x1400  }
0x80: {  	[sflag:s4] =	ssyncset.done @!p0 $0x0  }
0x81: {  	s7 =	simm.s32 @!p1 $0xD840;
	[sflag:s4] =	ssyncadd.s32 @!p0 $0xFFFFEC00;
	s4 =	sadd.s32 @!p0 $0x280, s28  }
0x82: {  	[tilespmem:s7], [sflag:$0x4] =	stream.indirect.gather @!p1 [hbm4b:s6+s10], $0x40, s4, s10, $0xb8;
	[tilespmem:$0x1C840] =	vst v63  }
0x83: {  	s7 =	simm.s32 @!p2 $0xD840  }
0x84: {  	[tilespmem:s7], [sflag:$0x4] =	stream.indirect.gather @!p2 [hbm4b:s2+s11], $0x40, s4, s11, $0xb8;
	[tilespmem:$0x1C840] =	vst v63  }
0x85: {  	_ =	swait.ge [sflag:s0], $0x1400  }
0x86: {  	[sflag:s0] =	ssyncset.done $0x0  }
.Ltmp3:
0x87: {  	s28 =	sadd.s32 $0x4F60, s22;
	[sflag:s0] =	ssyncadd.s32 $0xFFFFEC00;
	(pc) =	sbr.rel @p0 .LBB2_6-.Ltmp3, $4  }
0x88: {  	[spmem:s3] =	stream.indirect.scatter.add.f32 [tilespmem:s29], [sflag:$0x6], $0x40, s28, s20, $0xb8;
	[tilespmem:$0x1C840] =	vst v63  }
0x89: {  	_ =	swait.ge [sflag:s17], $0x1400  }
0x8a: {  	[sflag:s17] =	ssyncset.done $0x0  }
0x8b: {  	[sflag:s17] =	ssyncadd.s32 $0xFFFFEC00  }
.Ltmp4:
0x8c: {  	(pc) =	sbr.rel .LBB2_4-.Ltmp4, $3  }
0x8d: {  	_ =	sdelay $0x1  }
0x8e: {  	s4 =	sadd.s32 $0x2D0, s22;
	s18 =	sadd.s32 $0x640, s18  }
0x8f: {  	[tilespmem:s29], [sflag:$0x5] =	stream.indirect.gather [hbm4b:s15+s20], $0x40, s4, s20, $0xb8;
	[tilespmem:$0x1C840] =	vst v63  }
.LBB2_7:
0x90: {  	_ =	sfence.sel $0x180000  }
0x91: {  	[bflag:$0x0] =	sbarrier.arrive $0xFFFF  }
0x92: {  	_ =	strace $0x9000004A  }
0x93: {  	s0 =	stileid.u32;
	[bflag:$0x2] =	sbarrier.arrive $0xFFFF  }
0x94: {  	p0 =	sne.s32 s0, $0x0;
	s0 =	rddreg [dreg:$0x3]  }
0x95: {  	s0 =	sadd.s32 @!p0 $0x100000, s0  }
0x96: {  	[sflag:s0] =	ssyncadd.tile.s32 @!p0 $0x1;
	_ =	shalt  }
.Lfunc_end2:
_tile_overlayer_lowered:
.L_overlay_start_2:
0x97: {  	(tag) =	ssettag $0x2  }
0x98: {  	s0 =	rddreg [dreg:$0x0];
	s2 =	stileid.u32  }
0x99: {  	s1 =	rddreg [dreg:$0x1];
	p0 =	sne.s32 s2, $0x0  }
0x9a: {  	s3 =	rddreg [dreg:$0x2];
	[bflag:$0x3] =	sbarrier.arrive $0xFFFF;
	s2 =	simm.s32 @!p0 $0x1C06  }
0x9b: {  	[timem:s3], [sflag:s2] =	dma.local @!p0 [hbm:s0], s1  }
0x9c: {  	s0 =	simm.s32 @!p0 $0x6  }
0x9d: {  	_ =	swait.ge @!p0 [sflag:s0], s1  }
0x9e: {  	s1 =	ssub.s32 @!p0 $0x0, s1;
	[sflag:s0] =	ssyncset.done @!p0 $0x0  }
0x9f: {  	[sflag:s0] =	ssyncadd.s32 @!p0 s1  }
0xa0: {  	[bflag:$0x3] =	sbarrier.arrive $0xFFFF  }
0xa1: {  	_ =	shalt  }

</sc_bundles>
